<compile_context>
chip_gen: v7x
topology: tpu7x:2x2x1
jax: 0.10.2.dev20260603
libtpu: 0.0.44.dev20260713+nightly
codegen_flags: <defaults>
</compile_context>

<pallas_src>
import functools

import jax
import jax.numpy as jnp
from jax import lax
from jax.experimental import pallas as pl
from jax.experimental.pallas import tpu as pltpu
from jax.experimental.pallas import tpu_sc as plsc

N = 10000
E = 320000
D_IN = 128
D_H = 64
G = 64

NC = 2
NS = 16
NW = NC * NS
EPW = E // NW
CH = 125
NCH = EPW // CH
NB = 4
RPT = N // NS
ZR = 125

_mesh = lambda: plsc.VectorSubcoreMesh(core_axis_name="c", subcore_axis_name="s")
_SC_PARAMS = pltpu.CompilerParams(use_tc_tiling_on_sc=False)


def _sc_hist(ei4):

    @functools.partial(
        pl.kernel,
        out_type=jax.ShapeDtypeStruct((NW, RPT, 16), jnp.float32),
        mesh=_mesh(),
        compiler_params=_SC_PARAMS,
        scratch_types=[
            pltpu.VMEM((NCH, CH), jnp.int32),
            pltpu.VMEM((CH, 16), jnp.float32),
            pltpu.VMEM((ZR, 16), jnp.float32),
            pltpu.VMEM_SHARED((N, 16), jnp.float32),
            pltpu.SemaphoreType.DMA,
            pltpu.SemaphoreType.DMA,
        ],
    )
    def hist_kernel(ei_hbm, out_hbm, didx, ones_v, zeros_v, hacc, sem, zsem):
        c = lax.axis_index("c")
        s = lax.axis_index("s")
        wid = c * NS + s
        one = jnp.ones((16,), jnp.float32)
        zero = jnp.zeros((16,), jnp.float32)

        pltpu.async_copy(ei_hbm.at[1, wid], didx, sem)

        @pl.loop(0, CH)
        def _(i):
            ones_v[i] = one

        @pl.loop(0, ZR)
        def _(i):
            zeros_v[i] = zero

        for k in range(RPT // ZR):
            pltpu.async_copy(zeros_v, hacc.at[pl.ds(s * RPT + k * ZR, ZR)],
                             zsem)

        pltpu.make_async_copy(ei_hbm.at[1, wid], didx, sem).wait()

        for k in range(RPT // ZR):
            pltpu.make_async_copy(zeros_v,
                                  hacc.at[pl.ds(s * RPT + k * ZR, ZR)],
                                  zsem).wait()

        plsc.subcore_barrier()

        for b in range(NB):
            pltpu.async_copy(ones_v, hacc.at[didx.at[b]], sem, add=True)

        @pl.loop(0, NCH - NB)
        def _(j):
            pltpu.make_async_copy(ones_v, hacc.at[didx.at[j]], sem).wait()
            pltpu.async_copy(ones_v, hacc.at[didx.at[j + NB]], sem, add=True)

        for b in range(NB):
            pltpu.make_async_copy(ones_v, hacc.at[didx.at[b]], sem).wait()

        plsc.subcore_barrier()
        pltpu.sync_copy(hacc.at[pl.ds(s * RPT, RPT)], out_hbm.at[wid])

    return hist_kernel(ei4).reshape(NC, N, 16)


def _sc_agg(hs, ei4, zrow):

    @functools.partial(
        pl.kernel,
        out_type=jax.ShapeDtypeStruct((NW, RPT, D_H), jnp.bfloat16),
        mesh=_mesh(),
        compiler_params=_SC_PARAMS,
        scratch_types=[
            pltpu.VMEM((NCH, CH), jnp.int32),
            pltpu.VMEM((NCH, CH), jnp.int32),
            pltpu.VMEM((NB, CH, D_H), jnp.bfloat16),
            pltpu.VMEM((ZR, D_H), jnp.bfloat16),
            pltpu.VMEM_SHARED((N, D_H), jnp.bfloat16),
        ] + [pltpu.SemaphoreType.DMA] * (2 * NB + 2),
    )
    def agg_kernel(hs_hbm, ei_hbm, z_hbm, out_hbm,
                   sidx, didx, rows, zeros_v, acc, *sems):
        gsem = sems[:NB]
        ssem = sems[NB:2 * NB]
        isem = sems[2 * NB]
        zsem = sems[2 * NB + 1]
        c = lax.axis_index("c")
        s = lax.axis_index("s")
        wid = c * NS + s

        pltpu.async_copy(ei_hbm.at[0, wid], sidx, isem)
        pltpu.async_copy(ei_hbm.at[1, wid], didx, isem)
        pltpu.async_copy(z_hbm, zeros_v, zsem)
        pltpu.make_async_copy(z_hbm, zeros_v, zsem).wait()

        for k in range(RPT // ZR):
            pltpu.async_copy(zeros_v, acc.at[pl.ds(s * RPT + k * ZR, ZR)],
                             zsem)

        pltpu.make_async_copy(ei_hbm.at[0, wid], sidx, isem).wait()
        pltpu.make_async_copy(ei_hbm.at[1, wid], didx, isem).wait()

        for b in range(NB):
            pltpu.async_copy(hs_hbm.at[sidx.at[b]], rows.at[b], gsem[b])

        for k in range(RPT // ZR):
            pltpu.make_async_copy(zeros_v,
                                  acc.at[pl.ds(s * RPT + k * ZR, ZR)],
                                  zsem).wait()

        plsc.subcore_barrier()

        @pl.loop(0, NCH, step=NB)
        def _(j0):
            for b in range(NB):
                j = j0 + b
                pltpu.make_async_copy(
                    hs_hbm.at[sidx.at[j]], rows.at[b], gsem[b]).wait()
                pltpu.async_copy(
                    rows.at[b], acc.at[didx.at[j]], ssem[b], add=True)
                pltpu.make_async_copy(
                    rows.at[b], acc.at[didx.at[j]], ssem[b]).wait()

                @pl.when(j + NB < NCH)
                def _():
                    pltpu.async_copy(
                        hs_hbm.at[sidx.at[j + NB]], rows.at[b], gsem[b])

        plsc.subcore_barrier()
        pltpu.sync_copy(acc.at[pl.ds(s * RPT, RPT)], out_hbm.at[wid])

    return agg_kernel(hs, ei4, zrow).reshape(NC, N, D_H)


BM = 2000


def _dot(a, b):
    return lax.dot_general(a, b, (((1,), (0,)), ((), ())),
                           precision=lax.Precision.DEFAULT,
                           preferred_element_type=jnp.float32)


def _tc_matmul_scale(x, W, hist):

    def body(x_ref, w_ref, h_ref, hs_ref, dis_ref):
        deg = h_ref[0, :, 0:1] + h_ref[1, :, 0:1] + 1.0
        dis = lax.rsqrt(deg)
        dis_ref[...] = dis
        hs_ref[...] = (_dot(x_ref[...], w_ref[...]) * dis).astype(jnp.bfloat16)

    return pl.pallas_call(
        body,
        grid=(N // BM,),
        in_specs=[pl.BlockSpec((BM, D_IN), lambda i: (i, 0)),
                  pl.BlockSpec((D_IN, D_H), lambda i: (0, 0)),
                  pl.BlockSpec((2, BM, 16), lambda i: (0, i, 0))],
        out_specs=[pl.BlockSpec((BM, D_H), lambda i: (i, 0)),
                   pl.BlockSpec((BM, 1), lambda i: (i, 0))],
        out_shape=[jax.ShapeDtypeStruct((N, D_H), jnp.bfloat16),
                   jax.ShapeDtypeStruct((N, 1), jnp.float32)],
    )(x, W, hist)


def _tc_mid(agg, hs, dis, b, W):

    def body(a_ref, hs_ref, d_ref, b_ref, w_ref, o_ref):
        t = (a_ref[0].astype(jnp.float32) + a_ref[1].astype(jnp.float32)
             + hs_ref[...].astype(jnp.float32))
        h = jnp.maximum(d_ref[...] * t + b_ref[...], 0.0)
        o_ref[...] = (_dot(h, w_ref[...]) * d_ref[...]).astype(jnp.bfloat16)

    return pl.pallas_call(
        body,
        grid=(N // BM,),
        in_specs=[pl.BlockSpec((2, BM, D_H), lambda i: (0, i, 0)),
                  pl.BlockSpec((BM, D_H), lambda i: (i, 0)),
                  pl.BlockSpec((BM, 1), lambda i: (i, 0)),
                  pl.BlockSpec((1, D_H), lambda i: (0, 0)),
                  pl.BlockSpec((D_H, D_H), lambda i: (0, 0))],
        out_specs=pl.BlockSpec((BM, D_H), lambda i: (i, 0)),
        out_shape=jax.ShapeDtypeStruct((N, D_H), jnp.bfloat16),
    )(agg, hs, dis, b.reshape(1, D_H), W)


def _tc_final(agg, hs, dis, b, batch2d, Wh, bh):

    NBLK = N // BM

    def body(a_ref, hs_ref, d_ref, b_ref, bt_ref, wh_ref, bh_ref,
             o0_ref, o1_ref, o2_ref, o3_ref, sums_acc, cnt_acc):
        i = pl.program_id(0)
        t = (a_ref[0].astype(jnp.float32) + a_ref[1].astype(jnp.float32)
             + hs_ref[...].astype(jnp.float32))
        h = jnp.maximum(d_ref[...] * t + b_ref[...], 0.0)
        gid = lax.broadcasted_iota(jnp.int32, (BM, G), 1)
        onehot = jnp.where(bt_ref[...] == gid, 1.0, 0.0)
        sums = lax.dot_general(onehot, h, (((0,), (0,)), ((), ())),
                               precision=lax.Precision.DEFAULT,
                               preferred_element_type=jnp.float32)
        counts = lax.dot_general(onehot, jnp.ones((BM, 1), jnp.float32),
                                 (((0,), (0,)), ((), ())),
                                 precision=lax.Precision.HIGHEST,
                                 preferred_element_type=jnp.float32)

        @pl.when(i == 0)
        def _():
            sums_acc[...] = jnp.zeros_like(sums_acc)
            cnt_acc[...] = jnp.zeros_like(cnt_acc)

        sums_acc[...] += sums
        cnt_acc[...] += counts

        @pl.when(i == NBLK - 1)
        def _():
            gm = sums_acc[...] / jnp.maximum(cnt_acc[...], 1.0)
            z = _dot(gm, wh_ref[...]) + bh_ref[...]
            sig = 1.0 / (1.0 + jnp.exp(-z))
            o0_ref[...] = sig[:, 0:1].reshape(1, G)
            o1_ref[...] = sig[:, 1:2].reshape(1, G)
            o2_ref[...] = sig[:, 2:3].reshape(1, G)
            o3_ref[...] = sig[:, 3:4].reshape(1, G)

    return pl.pallas_call(
        body,
        grid=(NBLK,),
        in_specs=[pl.BlockSpec((2, BM, D_H), lambda i: (0, i, 0)),
                  pl.BlockSpec((BM, D_H), lambda i: (i, 0)),
                  pl.BlockSpec((BM, 1), lambda i: (i, 0)),
                  pl.BlockSpec((1, D_H), lambda i: (0, 0)),
                  pl.BlockSpec((BM, 1), lambda i: (i, 0)),
                  pl.BlockSpec((D_H, 4), lambda i: (0, 0)),
                  pl.BlockSpec((1, 4), lambda i: (0, 0))],
        out_specs=[pl.BlockSpec((1, G), lambda i: (0, 0))] * 4,
        out_shape=[jax.ShapeDtypeStruct((1, G), jnp.float32)] * 4,
        scratch_shapes=[pltpu.VMEM((G, D_H), jnp.float32),
                        pltpu.VMEM((G, 1), jnp.float32)],
    )(agg, hs, dis, b.reshape(1, D_H), batch2d, Wh, bh)


def kernel(x, edge_index, batch, W1, b1, W2, b2, Wc, bc, Wm, bm, Wk, bk, Wf, bf):
    ei4 = edge_index.reshape(2, NW, NCH, CH)
    zrow = jnp.zeros((ZR, D_H), jnp.bfloat16)

    hist = _sc_hist(ei4)
    hs1, dis = _tc_matmul_scale(x, W1, hist)
    agg1 = _sc_agg(hs1, ei4, zrow)
    hs2 = _tc_mid(agg1, hs1, dis, b1, W2)
    agg2 = _sc_agg(hs2, ei4, zrow)

    Wh = jnp.concatenate([Wc, Wm, Wk, Wf], axis=1)
    bh = jnp.stack([bc[0], bm[0], bk[0], bf[0]]).reshape(1, 4)
    o0, o1, o2, o3 = _tc_final(agg2, hs2, dis, b2, batch.reshape(N, 1),
                               Wh, bh)
    return (o0.reshape(G), o1.reshape(G), o2.reshape(G), o3.reshape(G))

# --- scband reference (transcript-rebuilt; emitter-appended) ---
"""Pipeline reference for scband-simple-gnn-71116068487903 (READ-ONLY COPY).

The authoritative reference and input builder live on the scoring server;
editing this copy changes nothing except your own understanding.
"""

import jax, jax.numpy as jnp
import numpy as np

N = 10000
E = 320000
D_IN = 128
D_H = 64
G = 64


def gcn_conv(x, edge_index, W, b):
    n = x.shape[0]
    src = edge_index[0]
    dst = edge_index[1]
    loop = jnp.arange(n, dtype=src.dtype)
    src = jnp.concatenate([src, loop])
    dst = jnp.concatenate([dst, loop])
    deg = jnp.zeros((n,), dtype=x.dtype).at[dst].add(1.0)
    dis = jnp.where(deg > 0, 1.0 / jnp.sqrt(deg), 0.0)
    norm = dis[src] * dis[dst]
    h = x @ W
    msg = h[src] * norm[:, None]
    out = jax.ops.segment_sum(msg, dst, num_segments=n)
    return out + b


def setup_inputs(seed: int = 0) -> dict:
    key = jax.random.key(seed)
    ks = jax.random.split(key, 16)
    x = jax.random.normal(ks[0], (N, D_IN), dtype=jnp.float32)
    edge_index = jax.random.randint(ks[1], (2, E), 0, N, dtype=jnp.int32)
    batch = jnp.sort(jax.random.randint(ks[2], (N,), 0, G, dtype=jnp.int32))
    W1 = jax.random.normal(ks[3], (D_IN, D_H), dtype=jnp.float32) / np.sqrt(D_IN)
    b1 = jnp.zeros((D_H,), dtype=jnp.float32)
    W2 = jax.random.normal(ks[4], (D_H, D_H), dtype=jnp.float32) / np.sqrt(D_H)
    b2 = jnp.zeros((D_H,), dtype=jnp.float32)
    Wc = jax.random.normal(ks[5], (D_H, 1), dtype=jnp.float32) / np.sqrt(D_H)
    bc = jnp.zeros((1,), dtype=jnp.float32)
    Wm = jax.random.normal(ks[6], (D_H, 1), dtype=jnp.float32) / np.sqrt(D_H)
    bm = jnp.zeros((1,), dtype=jnp.float32)
    Wk = jax.random.normal(ks[7], (D_H, 1), dtype=jnp.float32) / np.sqrt(D_H)
    bk = jnp.zeros((1,), dtype=jnp.float32)
    Wf = jax.random.normal(ks[8], (D_H, 1), dtype=jnp.float32) / np.sqrt(D_H)
    bf = jnp.zeros((1,), dtype=jnp.float32)
    return {"x": x, "edge_index": edge_index, "batch": batch, "W1": W1, "b1": b1, "W2": W2, "b2": b2, "Wc": Wc, "bc": bc, "Wm": Wm, "bm": bm, "Wk": Wk, "bk": bk, "Wf": Wf, "bf": bf}


def reference(x, edge_index, batch, W1, b1, W2, b2, Wc, bc, Wm, bm, Wk, bk, Wf, bf):
    h = gcn_conv(x, edge_index, W1, b1)
    h = jax.nn.relu(h)
    # dropout p=0.5 is identity in eval mode
    h = gcn_conv(h, edge_index, W2, b2)
    h = jax.nn.relu(h)
    sums = jax.ops.segment_sum(h, batch, num_segments=G)
    counts = jax.ops.segment_sum(jnp.ones((h.shape[0], 1), dtype=h.dtype), batch, num_segments=G)
    g = sums / jnp.maximum(counts, 1.0)
    consistency = jax.nn.sigmoid(g @ Wc + bc).squeeze(-1)
    missing = jax.nn.sigmoid(g @ Wm + bm).squeeze(-1)
    contradiction = jax.nn.sigmoid(g @ Wk + bk).squeeze(-1)
    fragmentation = jax.nn.sigmoid(g @ Wf + bf).squeeze(-1)
    return (consistency, missing, contradiction, fragmentation)

if __name__ == "__main__":
    import jax
    _d = setup_inputs()
    print(jax.jit(kernel)(*tuple(_d.values())))

</pallas_src>

<mosaic_0001>
#map = affine_map<(d0, d1) -> (0, 0, 0, 0)>
#map1 = affine_map<(d0, d1) -> (0, 0, 0)>
module attributes {stable_mosaic.version = 14 : i64} {
  func.func @hist_kernel(%arg0: i32, %arg1: i32, %arg2: memref<2x32x80x125xi32, #tpu.memory_space<hbm>>, %arg3: memref<32x625x16xf32, #tpu.memory_space<hbm>>, %arg4: memref<80x125xi32, #tpu.memory_space<vmem>>, %arg5: memref<125x16xf32, #tpu.memory_space<vmem>>, %arg6: memref<125x16xf32, #tpu.memory_space<vmem>>, %arg7: memref<10000x16xf32, #tpu.memory_space<vmem_shared>>, %arg8: memref<!tpu.dma_semaphore, #tpu.memory_space<semaphore_mem>>, %arg9: memref<!tpu.dma_semaphore, #tpu.memory_space<semaphore_mem>>) attributes {dimension_semantics = [#tpu.dimension_semantics<core_parallel>, #tpu.dimension_semantics<subcore_parallel>], iteration_bounds = array<i64: 2, 16>, scalar_prefetch = 0 : i64, scratch_operands = 6 : i64, tpu.core_type = #tpu.core_type<sc_vector_subcore>, window_params = [{transform_indices = #map}, {transform_indices = #map1}]} {
    %mul3A = arith.constant 16 : i32
    %mul3A_0 = arith.muli %arg0, %mul3A : i32
    %add3A = arith.addi %mul3A_0, %arg1 : i32
    %broadcast_in_dim3A = arith.constant 1.000000e+00 : f32
    %broadcast_in_dim3A_1 = vector.broadcast %broadcast_in_dim3A : f32 to vector<16xf32>
    %broadcast_in_dim3A_2 = arith.constant 0.000000e+00 : f32
    %broadcast_in_dim3A_3 = vector.broadcast %broadcast_in_dim3A_2 : f32 to vector<16xf32>
    %dma_start3A = arith.constant 1 : i32
    %dma_start3A_4 = arith.constant 0 : i32
    %dma_start3A_5 = arith.constant 0 : i32
    %dma_start3A_6 = tpu.memref_slice %arg2[%dma_start3A, %add3A, %dma_start3A_4, %dma_start3A_5] : memref<2x32x80x125xi32, #tpu.memory_space<hbm>> -> memref<1x1x80x125xi32, #tpu.memory_space<hbm>>
    %dma_start3A_7 = tpu.memref_squeeze %dma_start3A_6 : memref<1x1x80x125xi32, #tpu.memory_space<hbm>> -> memref<80x125xi32, #tpu.memory_space<hbm>>
    %dma_start3A_8 = arith.constant 0 : i32
    %dma_start3A_9 = arith.constant 0 : i32
    %dma_start3A_10 = tpu.memref_slice %arg2[%dma_start3A, %add3A, %dma_start3A_8, %dma_start3A_9] : memref<2x32x80x125xi32, #tpu.memory_space<hbm>> -> memref<1x1x80x125xi32, #tpu.memory_space<hbm>>
    %dma_start3A_11 = tpu.memref_squeeze %dma_start3A_10 : memref<1x1x80x125xi32, #tpu.memory_space<hbm>> -> memref<80x125xi32, #tpu.memory_space<hbm>>
    tpu.enqueue_dma source(%dma_start3A_11 : memref<80x125xi32, #tpu.memory_space<hbm>>) target(%arg4 : memref<80x125xi32, #tpu.memory_space<vmem>>) target_semaphore(%arg8 : memref<!tpu.dma_semaphore, #tpu.memory_space<semaphore_mem>>)
    %scan3A = arith.constant 0 : i32
    %scan3A_12 = arith.constant 125 : i32
    %scan3A_13 = arith.addi %scan3A, %scan3A_12 : i32
    %scan3A_14 = arith.constant 1 : i32
    scf.for %scan3A_173 = %scan3A to %scan3A_13 step %scan3A_14  : i32 {
      %mul3A_174 = arith.constant 1 : i32
      %mul3A_175 = arith.muli %scan3A_173, %mul3A_174 : i32
      %add3A_176 = arith.constant 0 : i32
      %add3A_177 = arith.addi %add3A_176, %mul3A_175 : i32
      %swap3A = arith.index_cast %add3A_177 : i32 to index
      %swap3A_178 = arith.constant 0 : index
      %swap3A_179 = tpu.vector_load %arg5[%swap3A, %swap3A_178] {strides = array<i32>} : memref<125x16xf32, #tpu.memory_space<vmem>>, vector<1x16xf32>,
      %swap3A_180 = vector.shape_cast %swap3A_179 : vector<1x16xf32> to vector<16xf32>
      %swap3A_181 = vector.shape_cast %broadcast_in_dim3A_1 : vector<16xf32> to vector<1x16xf32>
      tpu.vector_store %arg5[%swap3A, %swap3A_178], %swap3A_181 {strides = array<i32>} : memref<125x16xf32, #tpu.memory_space<vmem>>, vector<1x16xf32>,
    }
    %scan3A_15 = arith.constant 125 : i32
    %scan3A_16 = arith.constant 0 : i32
    %scan3A_17 = arith.constant 125 : i32
    %scan3A_18 = arith.addi %scan3A_16, %scan3A_17 : i32
    %scan3A_19 = arith.constant 1 : i32
    scf.for %scan3A_173 = %scan3A_16 to %scan3A_18 step %scan3A_19  : i32 {
      %mul3A_174 = arith.constant 1 : i32
      %mul3A_175 = arith.muli %scan3A_173, %mul3A_174 : i32
      %add3A_176 = arith.constant 0 : i32
      %add3A_177 = arith.addi %add3A_176, %mul3A_175 : i32
      %swap3A = arith.index_cast %add3A_177 : i32 to index
      %swap3A_178 = arith.constant 0 : index
      %swap3A_179 = tpu.vector_load %arg6[%swap3A, %swap3A_178] {strides = array<i32>} : memref<125x16xf32, #tpu.memory_space<vmem>>, vector<1x16xf32>,
      %swap3A_180 = vector.shape_cast %swap3A_179 : vector<1x16xf32> to vector<16xf32>
      %swap3A_181 = vector.shape_cast %broadcast_in_dim3A_3 : vector<16xf32> to vector<1x16xf32>
      tpu.vector_store %arg6[%swap3A, %swap3A_178], %swap3A_181 {strides = array<i32>} : memref<125x16xf32, #tpu.memory_space<vmem>>, vector<1x16xf32>,
    }
    %scan3A_20 = arith.constant 125 : i32
    %mul3A_21 = arith.constant 625 : i32
    %mul3A_22 = arith.muli %arg1, %mul3A_21 : i32
    %add3A_23 = arith.constant 0 : i32
    %add3A_24 = arith.addi %mul3A_22, %add3A_23 : i32
    %dma_start3A_25 = arith.constant 0 : i32
    %dma_start3A_26 = tpu.memref_slice %arg7[%add3A_24, %dma_start3A_25] : memref<10000x16xf32, #tpu.memory_space<vmem_shared>> -> memref<125x16xf32, #tpu.memory_space<vmem_shared>>
    %dma_start3A_27 = arith.constant 0 : i32
    %dma_start3A_28 = tpu.memref_slice %arg7[%add3A_24, %dma_start3A_27] : memref<10000x16xf32, #tpu.memory_space<vmem_shared>> -> memref<125x16xf32, #tpu.memory_space<vmem_shared>>
    tpu.enqueue_dma source(%arg6 : memref<125x16xf32, #tpu.memory_space<vmem>>) target(%dma_start3A_28 : memref<125x16xf32, #tpu.memory_space<vmem_shared>>) target_semaphore(%arg9 : memref<!tpu.dma_semaphore, #tpu.memory_space<semaphore_mem>>)
    %mul3A_29 = arith.constant 625 : i32
    %mul3A_30 = arith.muli %arg1, %mul3A_29 : i32
    %add3A_31 = arith.constant 125 : i32
    %add3A_32 = arith.addi %mul3A_30, %add3A_31 : i32
    %dma_start3A_33 = arith.constant 0 : i32
    %dma_start3A_34 = tpu.memref_slice %arg7[%add3A_32, %dma_start3A_33] : memref<10000x16xf32, #tpu.memory_space<vmem_shared>> -> memref<125x16xf32, #tpu.memory_space<vmem_shared>>
    %dma_start3A_35 = arith.constant 0 : i32
    %dma_start3A_36 = tpu.memref_slice %arg7[%add3A_32, %dma_start3A_35] : memref<10000x16xf32, #tpu.memory_space<vmem_shared>> -> memref<125x16xf32, #tpu.memory_space<vmem_shared>>
    tpu.enqueue_dma source(%arg6 : memref<125x16xf32, #tpu.memory_space<vmem>>) target(%dma_start3A_36 : memref<125x16xf32, #tpu.memory_space<vmem_shared>>) target_semaphore(%arg9 : memref<!tpu.dma_semaphore, #tpu.memory_space<semaphore_mem>>)
    %mul3A_37 = arith.constant 625 : i32
    %mul3A_38 = arith.muli %arg1, %mul3A_37 : i32
    %add3A_39 = arith.constant 250 : i32
    %add3A_40 = arith.addi %mul3A_38, %add3A_39 : i32
    %dma_start3A_41 = arith.constant 0 : i32
    %dma_start3A_42 = tpu.memref_slice %arg7[%add3A_40, %dma_start3A_41] : memref<10000x16xf32, #tpu.memory_space<vmem_shared>> -> memref<125x16xf32, #tpu.memory_space<vmem_shared>>
    %dma_start3A_43 = arith.constant 0 : i32
    %dma_start3A_44 = tpu.memref_slice %arg7[%add3A_40, %dma_start3A_43] : memref<10000x16xf32, #tpu.memory_space<vmem_shared>> -> memref<125x16xf32, #tpu.memory_space<vmem_shared>>
    tpu.enqueue_dma source(%arg6 : memref<125x16xf32, #tpu.memory_space<vmem>>) target(%dma_start3A_44 : memref<125x16xf32, #tpu.memory_space<vmem_shared>>) target_semaphore(%arg9 : memref<!tpu.dma_semaphore, #tpu.memory_space<semaphore_mem>>)
    %mul3A_45 = arith.constant 625 : i32
    %mul3A_46 = arith.muli %arg1, %mul3A_45 : i32
    %add3A_47 = arith.constant 375 : i32
    %add3A_48 = arith.addi %mul3A_46, %add3A_47 : i32
    %dma_start3A_49 = arith.constant 0 : i32
    %dma_start3A_50 = tpu.memref_slice %arg7[%add3A_48, %dma_start3A_49] : memref<10000x16xf32, #tpu.memory_space<vmem_shared>> -> memref<125x16xf32, #tpu.memory_space<vmem_shared>>
    %dma_start3A_51 = arith.constant 0 : i32
    %dma_start3A_52 = tpu.memref_slice %arg7[%add3A_48, %dma_start3A_51] : memref<10000x16xf32, #tpu.memory_space<vmem_shared>> -> memref<125x16xf32, #tpu.memory_space<vmem_shared>>
    tpu.enqueue_dma source(%arg6 : memref<125x16xf32, #tpu.memory_space<vmem>>) target(%dma_start3A_52 : memref<125x16xf32, #tpu.memory_space<vmem_shared>>) target_semaphore(%arg9 : memref<!tpu.dma_semaphore, #tpu.memory_space<semaphore_mem>>)
    %mul3A_53 = arith.constant 625 : i32
    %mul3A_54 = arith.muli %arg1, %mul3A_53 : i32
    %add3A_55 = arith.constant 500 : i32
    %add3A_56 = arith.addi %mul3A_54, %add3A_55 : i32
    %dma_start3A_57 = arith.constant 0 : i32
    %dma_start3A_58 = tpu.memref_slice %arg7[%add3A_56, %dma_start3A_57] : memref<10000x16xf32, #tpu.memory_space<vmem_shared>> -> memref<125x16xf32, #tpu.memory_space<vmem_shared>>
    %dma_start3A_59 = arith.constant 0 : i32
    %dma_start3A_60 = tpu.memref_slice %arg7[%add3A_56, %dma_start3A_59] : memref<10000x16xf32, #tpu.memory_space<vmem_shared>> -> memref<125x16xf32, #tpu.memory_space<vmem_shared>>
    tpu.enqueue_dma source(%arg6 : memref<125x16xf32, #tpu.memory_space<vmem>>) target(%dma_start3A_60 : memref<125x16xf32, #tpu.memory_space<vmem_shared>>) target_semaphore(%arg9 : memref<!tpu.dma_semaphore, #tpu.memory_space<semaphore_mem>>)
    %dma_wait3A = arith.constant 1 : i32
    %dma_wait3A_61 = arith.constant 0 : i32
    %dma_wait3A_62 = arith.constant 0 : i32
    %dma_wait3A_63 = tpu.memref_slice %arg2[%dma_wait3A, %add3A, %dma_wait3A_61, %dma_wait3A_62] : memref<2x32x80x125xi32, #tpu.memory_space<hbm>> -> memref<1x1x80x125xi32, #tpu.memory_space<hbm>>
    %dma_wait3A_64 = tpu.memref_squeeze %dma_wait3A_63 : memref<1x1x80x125xi32, #tpu.memory_space<hbm>> -> memref<80x125xi32, #tpu.memory_space<hbm>>
    %dma_wait3A_65 = arith.constant 0 : i32
    %dma_wait3A_66 = arith.constant 0 : i32
    %dma_wait3A_67 = tpu.memref_slice %arg2[%dma_wait3A, %add3A, %dma_wait3A_65, %dma_wait3A_66] : memref<2x32x80x125xi32, #tpu.memory_space<hbm>> -> memref<1x1x80x125xi32, #tpu.memory_space<hbm>>
    %dma_wait3A_68 = tpu.memref_squeeze %dma_wait3A_67 : memref<1x1x80x125xi32, #tpu.memory_space<hbm>> -> memref<80x125xi32, #tpu.memory_space<hbm>>
    tpu.wait_dma2 semaphore(%arg8 : memref<!tpu.dma_semaphore, #tpu.memory_space<semaphore_mem>>) src(%dma_wait3A_68 : memref<80x125xi32, #tpu.memory_space<hbm>>) dst(%arg4 : memref<80x125xi32, #tpu.memory_space<vmem>>)
    %mul3A_69 = arith.constant 625 : i32
    %mul3A_70 = arith.muli %arg1, %mul3A_69 : i32
    %add3A_71 = arith.constant 0 : i32
    %add3A_72 = arith.addi %mul3A_70, %add3A_71 : i32
    %dma_wait3A_73 = arith.constant 0 : i32
    %dma_wait3A_74 = tpu.memref_slice %arg7[%add3A_72, %dma_wait3A_73] : memref<10000x16xf32, #tpu.memory_space<vmem_shared>> -> memref<125x16xf32, #tpu.memory_space<vmem_shared>>
    %dma_wait3A_75 = arith.constant 0 : i32
    %dma_wait3A_76 = tpu.memref_slice %arg7[%add3A_72, %dma_wait3A_75] : memref<10000x16xf32, #tpu.memory_space<vmem_shared>> -> memref<125x16xf32, #tpu.memory_space<vmem_shared>>
    tpu.wait_dma2 semaphore(%arg9 : memref<!tpu.dma_semaphore, #tpu.memory_space<semaphore_mem>>) src(%arg6 : memref<125x16xf32, #tpu.memory_space<vmem>>) dst(%dma_wait3A_76 : memref<125x16xf32, #tpu.memory_space<vmem_shared>>)
    %mul3A_77 = arith.constant 625 : i32
    %mul3A_78 = arith.muli %arg1, %mul3A_77 : i32
    %add3A_79 = arith.constant 125 : i32
    %add3A_80 = arith.addi %mul3A_78, %add3A_79 : i32
    %dma_wait3A_81 = arith.constant 0 : i32
    %dma_wait3A_82 = tpu.memref_slice %arg7[%add3A_80, %dma_wait3A_81] : memref<10000x16xf32, #tpu.memory_space<vmem_shared>> -> memref<125x16xf32, #tpu.memory_space<vmem_shared>>
    %dma_wait3A_83 = arith.constant 0 : i32
    %dma_wait3A_84 = tpu.memref_slice %arg7[%add3A_80, %dma_wait3A_83] : memref<10000x16xf32, #tpu.memory_space<vmem_shared>> -> memref<125x16xf32, #tpu.memory_space<vmem_shared>>
    tpu.wait_dma2 semaphore(%arg9 : memref<!tpu.dma_semaphore, #tpu.memory_space<semaphore_mem>>) src(%arg6 : memref<125x16xf32, #tpu.memory_space<vmem>>) dst(%dma_wait3A_84 : memref<125x16xf32, #tpu.memory_space<vmem_shared>>)
    %mul3A_85 = arith.constant 625 : i32
    %mul3A_86 = arith.muli %arg1, %mul3A_85 : i32
    %add3A_87 = arith.constant 250 : i32
    %add3A_88 = arith.addi %mul3A_86, %add3A_87 : i32
    %dma_wait3A_89 = arith.constant 0 : i32
    %dma_wait3A_90 = tpu.memref_slice %arg7[%add3A_88, %dma_wait3A_89] : memref<10000x16xf32, #tpu.memory_space<vmem_shared>> -> memref<125x16xf32, #tpu.memory_space<vmem_shared>>
    %dma_wait3A_91 = arith.constant 0 : i32
    %dma_wait3A_92 = tpu.memref_slice %arg7[%add3A_88, %dma_wait3A_91] : memref<10000x16xf32, #tpu.memory_space<vmem_shared>> -> memref<125x16xf32, #tpu.memory_space<vmem_shared>>
    tpu.wait_dma2 semaphore(%arg9 : memref<!tpu.dma_semaphore, #tpu.memory_space<semaphore_mem>>) src(%arg6 : memref<125x16xf32, #tpu.memory_space<vmem>>) dst(%dma_wait3A_92 : memref<125x16xf32, #tpu.memory_space<vmem_shared>>)
    %mul3A_93 = arith.constant 625 : i32
    %mul3A_94 = arith.muli %arg1, %mul3A_93 : i32
    %add3A_95 = arith.constant 375 : i32
    %add3A_96 = arith.addi %mul3A_94, %add3A_95 : i32
    %dma_wait3A_97 = arith.constant 0 : i32
    %dma_wait3A_98 = tpu.memref_slice %arg7[%add3A_96, %dma_wait3A_97] : memref<10000x16xf32, #tpu.memory_space<vmem_shared>> -> memref<125x16xf32, #tpu.memory_space<vmem_shared>>
    %dma_wait3A_99 = arith.constant 0 : i32
    %dma_wait3A_100 = tpu.memref_slice %arg7[%add3A_96, %dma_wait3A_99] : memref<10000x16xf32, #tpu.memory_space<vmem_shared>> -> memref<125x16xf32, #tpu.memory_space<vmem_shared>>
    tpu.wait_dma2 semaphore(%arg9 : memref<!tpu.dma_semaphore, #tpu.memory_space<semaphore_mem>>) src(%arg6 : memref<125x16xf32, #tpu.memory_space<vmem>>) dst(%dma_wait3A_100 : memref<125x16xf32, #tpu.memory_space<vmem_shared>>)
    %mul3A_101 = arith.constant 625 : i32
    %mul3A_102 = arith.muli %arg1, %mul3A_101 : i32
    %add3A_103 = arith.constant 500 : i32
    %add3A_104 = arith.addi %mul3A_102, %add3A_103 : i32
    %dma_wait3A_105 = arith.constant 0 : i32
    %dma_wait3A_106 = tpu.memref_slice %arg7[%add3A_104, %dma_wait3A_105] : memref<10000x16xf32, #tpu.memory_space<vmem_shared>> -> memref<125x16xf32, #tpu.memory_space<vmem_shared>>
    %dma_wait3A_107 = arith.constant 0 : i32
    %dma_wait3A_108 = tpu.memref_slice %arg7[%add3A_104, %dma_wait3A_107] : memref<10000x16xf32, #tpu.memory_space<vmem_shared>> -> memref<125x16xf32, #tpu.memory_space<vmem_shared>>
    tpu.wait_dma2 semaphore(%arg9 : memref<!tpu.dma_semaphore, #tpu.memory_space<semaphore_mem>>) src(%arg6 : memref<125x16xf32, #tpu.memory_space<vmem>>) dst(%dma_wait3A_108 : memref<125x16xf32, #tpu.memory_space<vmem_shared>>)
    %barrier3A = arith.constant 0 : index
    tpu.barrier barrier_id(%barrier3A)
    %dma_start3A_109 = arith.constant 0 : i32
    %dma_start3A_110 = arith.constant 0 : i32
    %dma_start3A_111 = tpu.memref_slice %arg4[%dma_start3A_109, %dma_start3A_110] : memref<80x125xi32, #tpu.memory_space<vmem>> -> memref<1x125xi32, #tpu.memory_space<vmem>>
    %dma_start3A_112 = tpu.memref_squeeze %dma_start3A_111 : memref<1x125xi32, #tpu.memory_space<vmem>> -> memref<125xi32, #tpu.memory_space<vmem>>
    %dma_start3A_113 = arith.constant 0 : i32
    %dma_start3A_114 = arith.constant 0 : i32
    %dma_start3A_115 = tpu.memref_slice %arg7[%dma_start3A_113, %dma_start3A_114] : memref<10000x16xf32, #tpu.memory_space<vmem_shared>> -> memref<10000x16xf32, #tpu.memory_space<vmem_shared>>
    tpu.enqueue_indirect_dma source(%arg5 : memref<125x16xf32, #tpu.memory_space<vmem>>) target(%dma_start3A_115 : memref<10000x16xf32, #tpu.memory_space<vmem_shared>>) offsets(%dma_start3A_112 : memref<125xi32, #tpu.memory_space<vmem>>) semaphore(%arg8 : memref<!tpu.dma_semaphore, #tpu.memory_space<semaphore_mem>>) {add = true}
    %dma_start3A_116 = arith.constant 1 : i32
    %dma_start3A_117 = arith.constant 0 : i32
    %dma_start3A_118 = tpu.memref_slice %arg4[%dma_start3A_116, %dma_start3A_117] : memref<80x125xi32, #tpu.memory_space<vmem>> -> memref<1x125xi32, #tpu.memory_space<vmem>>
    %dma_start3A_119 = tpu.memref_squeeze %dma_start3A_118 : memref<1x125xi32, #tpu.memory_space<vmem>> -> memref<125xi32, #tpu.memory_space<vmem>>
    %dma_start3A_120 = arith.constant 0 : i32
    %dma_start3A_121 = arith.constant 0 : i32
    %dma_start3A_122 = tpu.memref_slice %arg7[%dma_start3A_120, %dma_start3A_121] : memref<10000x16xf32, #tpu.memory_space<vmem_shared>> -> memref<10000x16xf32, #tpu.memory_space<vmem_shared>>
    tpu.enqueue_indirect_dma source(%arg5 : memref<125x16xf32, #tpu.memory_space<vmem>>) target(%dma_start3A_122 : memref<10000x16xf32, #tpu.memory_space<vmem_shared>>) offsets(%dma_start3A_119 : memref<125xi32, #tpu.memory_space<vmem>>) semaphore(%arg8 : memref<!tpu.dma_semaphore, #tpu.memory_space<semaphore_mem>>) {add = true}
    %dma_start3A_123 = arith.constant 2 : i32
    %dma_start3A_124 = arith.constant 0 : i32
    %dma_start3A_125 = tpu.memref_slice %arg4[%dma_start3A_123, %dma_start3A_124] : memref<80x125xi32, #tpu.memory_space<vmem>> -> memref<1x125xi32, #tpu.memory_space<vmem>>
    %dma_start3A_126 = tpu.memref_squeeze %dma_start3A_125 : memref<1x125xi32, #tpu.memory_space<vmem>> -> memref<125xi32, #tpu.memory_space<vmem>>
    %dma_start3A_127 = arith.constant 0 : i32
    %dma_start3A_128 = arith.constant 0 : i32
    %dma_start3A_129 = tpu.memref_slice %arg7[%dma_start3A_127, %dma_start3A_128] : memref<10000x16xf32, #tpu.memory_space<vmem_shared>> -> memref<10000x16xf32, #tpu.memory_space<vmem_shared>>
    tpu.enqueue_indirect_dma source(%arg5 : memref<125x16xf32, #tpu.memory_space<vmem>>) target(%dma_start3A_129 : memref<10000x16xf32, #tpu.memory_space<vmem_shared>>) offsets(%dma_start3A_126 : memref<125xi32, #tpu.memory_space<vmem>>) semaphore(%arg8 : memref<!tpu.dma_semaphore, #tpu.memory_space<semaphore_mem>>) {add = true}
    %dma_start3A_130 = arith.constant 3 : i32
    %dma_start3A_131 = arith.constant 0 : i32
    %dma_start3A_132 = tpu.memref_slice %arg4[%dma_start3A_130, %dma_start3A_131] : memref<80x125xi32, #tpu.memory_space<vmem>> -> memref<1x125xi32, #tpu.memory_space<vmem>>
    %dma_start3A_133 = tpu.memref_squeeze %dma_start3A_132 : memref<1x125xi32, #tpu.memory_space<vmem>> -> memref<125xi32, #tpu.memory_space<vmem>>
    %dma_start3A_134 = arith.constant 0 : i32
    %dma_start3A_135 = arith.constant 0 : i32
    %dma_start3A_136 = tpu.memref_slice %arg7[%dma_start3A_134, %dma_start3A_135] : memref<10000x16xf32, #tpu.memory_space<vmem_shared>> -> memref<10000x16xf32, #tpu.memory_space<vmem_shared>>
    tpu.enqueue_indirect_dma source(%arg5 : memref<125x16xf32, #tpu.memory_space<vmem>>) target(%dma_start3A_136 : memref<10000x16xf32, #tpu.memory_space<vmem_shared>>) offsets(%dma_start3A_133 : memref<125xi32, #tpu.memory_space<vmem>>) semaphore(%arg8 : memref<!tpu.dma_semaphore, #tpu.memory_space<semaphore_mem>>) {add = true}
    %scan3A_137 = arith.constant 0 : i32
    %scan3A_138 = arith.constant 76 : i32
    %scan3A_139 = arith.addi %scan3A_137, %scan3A_138 : i32
    %scan3A_140 = arith.constant 1 : i32
    scf.for %scan3A_173 = %scan3A_137 to %scan3A_139 step %scan3A_140  : i32 {
      %mul3A_174 = arith.constant 1 : i32
      %mul3A_175 = arith.muli %scan3A_173, %mul3A_174 : i32
      %add3A_176 = arith.constant 0 : i32
      %add3A_177 = arith.addi %add3A_176, %mul3A_175 : i32
      %dma_wait3A_178 = arith.constant 0 : i32
      %dma_wait3A_179 = tpu.memref_slice %arg4[%add3A_177, %dma_wait3A_178] : memref<80x125xi32, #tpu.memory_space<vmem>> -> memref<1x125xi32, #tpu.memory_space<vmem>>
      %dma_wait3A_180 = tpu.memref_squeeze %dma_wait3A_179 : memref<1x125xi32, #tpu.memory_space<vmem>> -> memref<125xi32, #tpu.memory_space<vmem>>
      %dma_wait3A_181 = arith.constant 0 : i32
      %dma_wait3A_182 = arith.constant 0 : i32
      %dma_wait3A_183 = tpu.memref_slice %arg7[%dma_wait3A_181, %dma_wait3A_182] : memref<10000x16xf32, #tpu.memory_space<vmem_shared>> -> memref<10000x16xf32, #tpu.memory_space<vmem_shared>>
      tpu.wait_indirect_dma semaphore(%arg8 : memref<!tpu.dma_semaphore, #tpu.memory_space<semaphore_mem>>) src(%arg5 : memref<125x16xf32, #tpu.memory_space<vmem>>) dst(%dma_wait3A_183 : memref<10000x16xf32, #tpu.memory_space<vmem_shared>>)
      %add3A_184 = arith.constant 4 : i32
      %add3A_185 = arith.addi %add3A_177, %add3A_184 : i32
      %dma_start3A_186 = arith.constant 0 : i32
      %dma_start3A_187 = tpu.memref_slice %arg4[%add3A_185, %dma_start3A_186] : memref<80x125xi32, #tpu.memory_space<vmem>> -> memref<1x125xi32, #tpu.memory_space<vmem>>
      %dma_start3A_188 = tpu.memref_squeeze %dma_start3A_187 : memref<1x125xi32, #tpu.memory_space<vmem>> -> memref<125xi32, #tpu.memory_space<vmem>>
      %dma_start3A_189 = arith.constant 0 : i32
      %dma_start3A_190 = arith.constant 0 : i32
      %dma_start3A_191 = tpu.memref_slice %arg7[%dma_start3A_189, %dma_start3A_190] : memref<10000x16xf32, #tpu.memory_space<vmem_shared>> -> memref<10000x16xf32, #tpu.memory_space<vmem_shared>>
      tpu.enqueue_indirect_dma source(%arg5 : memref<125x16xf32, #tpu.memory_space<vmem>>) target(%dma_start3A_191 : memref<10000x16xf32, #tpu.memory_space<vmem_shared>>) offsets(%dma_start3A_188 : memref<125xi32, #tpu.memory_space<vmem>>) semaphore(%arg8 : memref<!tpu.dma_semaphore, #tpu.memory_space<semaphore_mem>>) {add = true}
    }
    %scan3A_141 = arith.constant 76 : i32
    %dma_wait3A_142 = arith.constant 0 : i32
    %dma_wait3A_143 = arith.constant 0 : i32
    %dma_wait3A_144 = tpu.memref_slice %arg4[%dma_wait3A_142, %dma_wait3A_143] : memref<80x125xi32, #tpu.memory_space<vmem>> -> memref<1x125xi32, #tpu.memory_space<vmem>>
    %dma_wait3A_145 = tpu.memref_squeeze %dma_wait3A_144 : memref<1x125xi32, #tpu.memory_space<vmem>> -> memref<125xi32, #tpu.memory_space<vmem>>
    %dma_wait3A_146 = arith.constant 0 : i32
    %dma_wait3A_147 = arith.constant 0 : i32
    %dma_wait3A_148 = tpu.memref_slice %arg7[%dma_wait3A_146, %dma_wait3A_147] : memref<10000x16xf32, #tpu.memory_space<vmem_shared>> -> memref<10000x16xf32, #tpu.memory_space<vmem_shared>>
    tpu.wait_indirect_dma semaphore(%arg8 : memref<!tpu.dma_semaphore, #tpu.memory_space<semaphore_mem>>) src(%arg5 : memref<125x16xf32, #tpu.memory_space<vmem>>) dst(%dma_wait3A_148 : memref<10000x16xf32, #tpu.memory_space<vmem_shared>>)
    %dma_wait3A_149 = arith.constant 1 : i32
    %dma_wait3A_150 = arith.constant 0 : i32
    %dma_wait3A_151 = tpu.memref_slice %arg4[%dma_wait3A_149, %dma_wait3A_150] : memref<80x125xi32, #tpu.memory_space<vmem>> -> memref<1x125xi32, #tpu.memory_space<vmem>>
    %dma_wait3A_152 = tpu.memref_squeeze %dma_wait3A_151 : memref<1x125xi32, #tpu.memory_space<vmem>> -> memref<125xi32, #tpu.memory_space<vmem>>
    %dma_wait3A_153 = arith.constant 0 : i32
    %dma_wait3A_154 = arith.constant 0 : i32
    %dma_wait3A_155 = tpu.memref_slice %arg7[%dma_wait3A_153, %dma_wait3A_154] : memref<10000x16xf32, #tpu.memory_space<vmem_shared>> -> memref<10000x16xf32, #tpu.memory_space<vmem_shared>>
    tpu.wait_indirect_dma semaphore(%arg8 : memref<!tpu.dma_semaphore, #tpu.memory_space<semaphore_mem>>) src(%arg5 : memref<125x16xf32, #tpu.memory_space<vmem>>) dst(%dma_wait3A_155 : memref<10000x16xf32, #tpu.memory_space<vmem_shared>>)
    %dma_wait3A_156 = arith.constant 2 : i32
    %dma_wait3A_157 = arith.constant 0 : i32
    %dma_wait3A_158 = tpu.memref_slice %arg4[%dma_wait3A_156, %dma_wait3A_157] : memref<80x125xi32, #tpu.memory_space<vmem>> -> memref<1x125xi32, #tpu.memory_space<vmem>>
    %dma_wait3A_159 = tpu.memref_squeeze %dma_wait3A_158 : memref<1x125xi32, #tpu.memory_space<vmem>> -> memref<125xi32, #tpu.memory_space<vmem>>
    %dma_wait3A_160 = arith.constant 0 : i32
    %dma_wait3A_161 = arith.constant 0 : i32
    %dma_wait3A_162 = tpu.memref_slice %arg7[%dma_wait3A_160, %dma_wait3A_161] : memref<10000x16xf32, #tpu.memory_space<vmem_shared>> -> memref<10000x16xf32, #tpu.memory_space<vmem_shared>>
    tpu.wait_indirect_dma semaphore(%arg8 : memref<!tpu.dma_semaphore, #tpu.memory_space<semaphore_mem>>) src(%arg5 : memref<125x16xf32, #tpu.memory_space<vmem>>) dst(%dma_wait3A_162 : memref<10000x16xf32, #tpu.memory_space<vmem_shared>>)
    %dma_wait3A_163 = arith.constant 3 : i32
    %dma_wait3A_164 = arith.constant 0 : i32
    %dma_wait3A_165 = tpu.memref_slice %arg4[%dma_wait3A_163, %dma_wait3A_164] : memref<80x125xi32, #tpu.memory_space<vmem>> -> memref<1x125xi32, #tpu.memory_space<vmem>>
    %dma_wait3A_166 = tpu.memref_squeeze %dma_wait3A_165 : memref<1x125xi32, #tpu.memory_space<vmem>> -> memref<125xi32, #tpu.memory_space<vmem>>
    %dma_wait3A_167 = arith.constant 0 : i32
    %dma_wait3A_168 = arith.constant 0 : i32
    %dma_wait3A_169 = tpu.memref_slice %arg7[%dma_wait3A_167, %dma_wait3A_168] : memref<10000x16xf32, #tpu.memory_space<vmem_shared>> -> memref<10000x16xf32, #tpu.memory_space<vmem_shared>>
    tpu.wait_indirect_dma semaphore(%arg8 : memref<!tpu.dma_semaphore, #tpu.memory_space<semaphore_mem>>) src(%arg5 : memref<125x16xf32, #tpu.memory_space<vmem>>) dst(%dma_wait3A_169 : memref<10000x16xf32, #tpu.memory_space<vmem_shared>>)
    %barrier3A_170 = arith.constant 0 : index
    tpu.barrier barrier_id(%barrier3A_170)
    %mul3A_171 = arith.constant 625 : i32
    %mul3A_172 = arith.muli %arg1, %mul3A_171 : i32
    "tpu.region"() ({
      %run_scoped3A = tpu.sem_alloc : memref<!tpu.dma_semaphore, #tpu.memory_space<semaphore_mem>>
      %dma_start3A_173 = arith.constant 0 : i32
      %dma_start3A_174 = arith.constant 0 : i32
      %dma_start3A_175 = tpu.memref_slice %arg3[%add3A, %dma_start3A_173, %dma_start3A_174] : memref<32x625x16xf32, #tpu.memory_space<hbm>> -> memref<1x625x16xf32, #tpu.memory_space<hbm>>
      %dma_start3A_176 = tpu.memref_squeeze %dma_start3A_175 : memref<1x625x16xf32, #tpu.memory_space<hbm>> -> memref<625x16xf32, #tpu.memory_space<hbm>>
      %dma_start3A_177 = arith.constant 0 : i32
      %dma_start3A_178 = tpu.memref_slice %arg7[%mul3A_172, %dma_start3A_177] : memref<10000x16xf32, #tpu.memory_space<vmem_shared>> -> memref<625x16xf32, #tpu.memory_space<vmem_shared>>
      tpu.enqueue_dma source(%dma_start3A_178 : memref<625x16xf32, #tpu.memory_space<vmem_shared>>) target(%dma_start3A_176 : memref<625x16xf32, #tpu.memory_space<hbm>>) target_semaphore(%run_scoped3A : memref<!tpu.dma_semaphore, #tpu.memory_space<semaphore_mem>>)
      %dma_wait3A_179 = arith.constant 0 : i32
      %dma_wait3A_180 = arith.constant 0 : i32
      %dma_wait3A_181 = tpu.memref_slice %arg3[%add3A, %dma_wait3A_179, %dma_wait3A_180] : memref<32x625x16xf32, #tpu.memory_space<hbm>> -> memref<1x625x16xf32, #tpu.memory_space<hbm>>
      %dma_wait3A_182 = tpu.memref_squeeze %dma_wait3A_181 : memref<1x625x16xf32, #tpu.memory_space<hbm>> -> memref<625x16xf32, #tpu.memory_space<hbm>>
      %dma_wait3A_183 = arith.constant 0 : i32
      %dma_wait3A_184 = tpu.memref_slice %arg7[%mul3A_172, %dma_wait3A_183] : memref<10000x16xf32, #tpu.memory_space<vmem_shared>> -> memref<625x16xf32, #tpu.memory_space<vmem_shared>>
      tpu.wait_dma2 semaphore(%run_scoped3A : memref<!tpu.dma_semaphore, #tpu.memory_space<semaphore_mem>>) src(%dma_wait3A_184 : memref<625x16xf32, #tpu.memory_space<vmem_shared>>) dst(%dma_wait3A_182 : memref<625x16xf32, #tpu.memory_space<hbm>>)
      tpu.yield
    }) : () -> ()
    return
  }
}

#map = affine_map<(d0, d1) -> (0, 0)>
#map1 = affine_map<(d0, d1) -> (0, 0, 0, 0)>
#map2 = affine_map<(d0, d1) -> (0, 0, 0)>
module attributes {stable_mosaic.version = 14 : i64} {
  func.func @agg_kernel(%arg0: i32, %arg1: i32, %arg2: memref<10000x64xbf16, #tpu.memory_space<hbm>>, %arg3: memref<2x32x80x125xi32, #tpu.memory_space<hbm>>, %arg4: memref<125x64xbf16, #tpu.memory_space<hbm>>, %arg5: memref<32x625x64xbf16, #tpu.memory_space<hbm>>, %arg6: memref<80x125xi32, #tpu.memory_space<vmem>>, %arg7: memref<80x125xi32, #tpu.memory_space<vmem>>, %arg8: memref<4x125x64xbf16, #tpu.memory_space<vmem>>, %arg9: memref<125x64xbf16, #tpu.memory_space<vmem>>, %arg10: memref<10000x64xbf16, #tpu.memory_space<vmem_shared>>, %arg11: memref<!tpu.dma_semaphore, #tpu.memory_space<semaphore_mem>>, %arg12: memref<!tpu.dma_semaphore, #tpu.memory_space<semaphore_mem>>, %arg13: memref<!tpu.dma_semaphore, #tpu.memory_space<semaphore_mem>>, %arg14: memref<!tpu.dma_semaphore, #tpu.memory_space<semaphore_mem>>, %arg15: memref<!tpu.dma_semaphore, #tpu.memory_space<semaphore_mem>>, %arg16: memref<!tpu.dma_semaphore, #tpu.memory_space<semaphore_mem>>, %arg17: memref<!tpu.dma_semaphore, #tpu.memory_space<semaphore_mem>>, %arg18: memref<!tpu.dma_semaphore, #tpu.memory_space<semaphore_mem>>, %arg19: memref<!tpu.dma_semaphore, #tpu.memory_space<semaphore_mem>>, %arg20: memref<!tpu.dma_semaphore, #tpu.memory_space<semaphore_mem>>) attributes {dimension_semantics = [#tpu.dimension_semantics<core_parallel>, #tpu.dimension_semantics<subcore_parallel>], iteration_bounds = array<i64: 2, 16>, scalar_prefetch = 0 : i64, scratch_operands = 15 : i64, tpu.core_type = #tpu.core_type<sc_vector_subcore>, window_params = [{transform_indices = #map}, {transform_indices = #map1}, {transform_indices = #map}, {transform_indices = #map2}]} {
    %mul3A = arith.constant 16 : i32
    %mul3A_0 = arith.muli %arg0, %mul3A : i32
    %add3A = arith.addi %mul3A_0, %arg1 : i32
    %dma_start3A = arith.constant 0 : i32
    %dma_start3A_1 = arith.constant 0 : i32
    %dma_start3A_2 = arith.constant 0 : i32
    %dma_start3A_3 = tpu.memref_slice %arg3[%dma_start3A, %add3A, %dma_start3A_1, %dma_start3A_2] : memref<2x32x80x125xi32, #tpu.memory_space<hbm>> -> memref<1x1x80x125xi32, #tpu.memory_space<hbm>>
    %dma_start3A_4 = tpu.memref_squeeze %dma_start3A_3 : memref<1x1x80x125xi32, #tpu.memory_space<hbm>> -> memref<80x125xi32, #tpu.memory_space<hbm>>
    %dma_start3A_5 = arith.constant 0 : i32
    %dma_start3A_6 = arith.constant 0 : i32
    %dma_start3A_7 = tpu.memref_slice %arg3[%dma_start3A, %add3A, %dma_start3A_5, %dma_start3A_6] : memref<2x32x80x125xi32, #tpu.memory_space<hbm>> -> memref<1x1x80x125xi32, #tpu.memory_space<hbm>>
    %dma_start3A_8 = tpu.memref_squeeze %dma_start3A_7 : memref<1x1x80x125xi32, #tpu.memory_space<hbm>> -> memref<80x125xi32, #tpu.memory_space<hbm>>
    tpu.enqueue_dma source(%dma_start3A_8 : memref<80x125xi32, #tpu.memory_space<hbm>>) target(%arg6 : memref<80x125xi32, #tpu.memory_space<vmem>>) target_semaphore(%arg19 : memref<!tpu.dma_semaphore, #tpu.memory_space<semaphore_mem>>)
    %dma_start3A_9 = arith.constant 1 : i32
    %dma_start3A_10 = arith.constant 0 : i32
    %dma_start3A_11 = arith.constant 0 : i32
    %dma_start3A_12 = tpu.memref_slice %arg3[%dma_start3A_9, %add3A, %dma_start3A_10, %dma_start3A_11] : memref<2x32x80x125xi32, #tpu.memory_space<hbm>> -> memref<1x1x80x125xi32, #tpu.memory_space<hbm>>
    %dma_start3A_13 = tpu.memref_squeeze %dma_start3A_12 : memref<1x1x80x125xi32, #tpu.memory_space<hbm>> -> memref<80x125xi32, #tpu.memory_space<hbm>>
    %dma_start3A_14 = arith.constant 0 : i32
    %dma_start3A_15 = arith.constant 0 : i32
    %dma_start3A_16 = tpu.memref_slice %arg3[%dma_start3A_9, %add3A, %dma_start3A_14, %dma_start3A_15] : memref<2x32x80x125xi32, #tpu.memory_space<hbm>> -> memref<1x1x80x125xi32, #tpu.memory_space<hbm>>
    %dma_start3A_17 = tpu.memref_squeeze %dma_start3A_16 : memref<1x1x80x125xi32, #tpu.memory_space<hbm>> -> memref<80x125xi32, #tpu.memory_space<hbm>>
    tpu.enqueue_dma source(%dma_start3A_17 : memref<80x125xi32, #tpu.memory_space<hbm>>) target(%arg7 : memref<80x125xi32, #tpu.memory_space<vmem>>) target_semaphore(%arg19 : memref<!tpu.dma_semaphore, #tpu.memory_space<semaphore_mem>>)
    tpu.enqueue_dma source(%arg4 : memref<125x64xbf16, #tpu.memory_space<hbm>>) target(%arg9 : memref<125x64xbf16, #tpu.memory_space<vmem>>) target_semaphore(%arg20 : memref<!tpu.dma_semaphore, #tpu.memory_space<semaphore_mem>>)
    tpu.wait_dma2 semaphore(%arg20 : memref<!tpu.dma_semaphore, #tpu.memory_space<semaphore_mem>>) src(%arg4 : memref<125x64xbf16, #tpu.memory_space<hbm>>) dst(%arg9 : memref<125x64xbf16, #tpu.memory_space<vmem>>)
    %mul3A_18 = arith.constant 625 : i32
    %mul3A_19 = arith.muli %arg1, %mul3A_18 : i32
    %add3A_20 = arith.constant 0 : i32
    %add3A_21 = arith.addi %mul3A_19, %add3A_20 : i32
    %dma_start3A_22 = arith.constant 0 : i32
    %dma_start3A_23 = tpu.memref_slice %arg10[%add3A_21, %dma_start3A_22] : memref<10000x64xbf16, #tpu.memory_space<vmem_shared>> -> memref<125x64xbf16, #tpu.memory_space<vmem_shared>>
    %dma_start3A_24 = arith.constant 0 : i32
    %dma_start3A_25 = tpu.memref_slice %arg10[%add3A_21, %dma_start3A_24] : memref<10000x64xbf16, #tpu.memory_space<vmem_shared>> -> memref<125x64xbf16, #tpu.memory_space<vmem_shared>>
    tpu.enqueue_dma source(%arg9 : memref<125x64xbf16, #tpu.memory_space<vmem>>) target(%dma_start3A_25 : memref<125x64xbf16, #tpu.memory_space<vmem_shared>>) target_semaphore(%arg20 : memref<!tpu.dma_semaphore, #tpu.memory_space<semaphore_mem>>)
    %mul3A_26 = arith.constant 625 : i32
    %mul3A_27 = arith.muli %arg1, %mul3A_26 : i32
    %add3A_28 = arith.constant 125 : i32
    %add3A_29 = arith.addi %mul3A_27, %add3A_28 : i32
    %dma_start3A_30 = arith.constant 0 : i32
    %dma_start3A_31 = tpu.memref_slice %arg10[%add3A_29, %dma_start3A_30] : memref<10000x64xbf16, #tpu.memory_space<vmem_shared>> -> memref<125x64xbf16, #tpu.memory_space<vmem_shared>>
    %dma_start3A_32 = arith.constant 0 : i32
    %dma_start3A_33 = tpu.memref_slice %arg10[%add3A_29, %dma_start3A_32] : memref<10000x64xbf16, #tpu.memory_space<vmem_shared>> -> memref<125x64xbf16, #tpu.memory_space<vmem_shared>>
    tpu.enqueue_dma source(%arg9 : memref<125x64xbf16, #tpu.memory_space<vmem>>) target(%dma_start3A_33 : memref<125x64xbf16, #tpu.memory_space<vmem_shared>>) target_semaphore(%arg20 : memref<!tpu.dma_semaphore, #tpu.memory_space<semaphore_mem>>)
    %mul3A_34 = arith.constant 625 : i32
    %mul3A_35 = arith.muli %arg1, %mul3A_34 : i32
    %add3A_36 = arith.constant 250 : i32
    %add3A_37 = arith.addi %mul3A_35, %add3A_36 : i32
    %dma_start3A_38 = arith.constant 0 : i32
    %dma_start3A_39 = tpu.memref_slice %arg10[%add3A_37, %dma_start3A_38] : memref<10000x64xbf16, #tpu.memory_space<vmem_shared>> -> memref<125x64xbf16, #tpu.memory_space<vmem_shared>>
    %dma_start3A_40 = arith.constant 0 : i32
    %dma_start3A_41 = tpu.memref_slice %arg10[%add3A_37, %dma_start3A_40] : memref<10000x64xbf16, #tpu.memory_space<vmem_shared>> -> memref<125x64xbf16, #tpu.memory_space<vmem_shared>>
    tpu.enqueue_dma source(%arg9 : memref<125x64xbf16, #tpu.memory_space<vmem>>) target(%dma_start3A_41 : memref<125x64xbf16, #tpu.memory_space<vmem_shared>>) target_semaphore(%arg20 : memref<!tpu.dma_semaphore, #tpu.memory_space<semaphore_mem>>)
    %mul3A_42 = arith.constant 625 : i32
    %mul3A_43 = arith.muli %arg1, %mul3A_42 : i32
    %add3A_44 = arith.constant 375 : i32
    %add3A_45 = arith.addi %mul3A_43, %add3A_44 : i32
    %dma_start3A_46 = arith.constant 0 : i32
    %dma_start3A_47 = tpu.memref_slice %arg10[%add3A_45, %dma_start3A_46] : memref<10000x64xbf16, #tpu.memory_space<vmem_shared>> -> memref<125x64xbf16, #tpu.memory_space<vmem_shared>>
    %dma_start3A_48 = arith.constant 0 : i32
    %dma_start3A_49 = tpu.memref_slice %arg10[%add3A_45, %dma_start3A_48] : memref<10000x64xbf16, #tpu.memory_space<vmem_shared>> -> memref<125x64xbf16, #tpu.memory_space<vmem_shared>>
    tpu.enqueue_dma source(%arg9 : memref<125x64xbf16, #tpu.memory_space<vmem>>) target(%dma_start3A_49 : memref<125x64xbf16, #tpu.memory_space<vmem_shared>>) target_semaphore(%arg20 : memref<!tpu.dma_semaphore, #tpu.memory_space<semaphore_mem>>)
    %mul3A_50 = arith.constant 625 : i32
    %mul3A_51 = arith.muli %arg1, %mul3A_50 : i32
    %add3A_52 = arith.constant 500 : i32
    %add3A_53 = arith.addi %mul3A_51, %add3A_52 : i32
    %dma_start3A_54 = arith.constant 0 : i32
    %dma_start3A_55 = tpu.memref_slice %arg10[%add3A_53, %dma_start3A_54] : memref<10000x64xbf16, #tpu.memory_space<vmem_shared>> -> memref<125x64xbf16, #tpu.memory_space<vmem_shared>>
    %dma_start3A_56 = arith.constant 0 : i32
    %dma_start3A_57 = tpu.memref_slice %arg10[%add3A_53, %dma_start3A_56] : memref<10000x64xbf16, #tpu.memory_space<vmem_shared>> -> memref<125x64xbf16, #tpu.memory_space<vmem_shared>>
    tpu.enqueue_dma source(%arg9 : memref<125x64xbf16, #tpu.memory_space<vmem>>) target(%dma_start3A_57 : memref<125x64xbf16, #tpu.memory_space<vmem_shared>>) target_semaphore(%arg20 : memref<!tpu.dma_semaphore, #tpu.memory_space<semaphore_mem>>)
    %dma_wait3A = arith.constant 0 : i32
    %dma_wait3A_58 = arith.constant 0 : i32
    %dma_wait3A_59 = arith.constant 0 : i32
    %dma_wait3A_60 = tpu.memref_slice %arg3[%dma_wait3A, %add3A, %dma_wait3A_58, %dma_wait3A_59] : memref<2x32x80x125xi32, #tpu.memory_space<hbm>> -> memref<1x1x80x125xi32, #tpu.memory_space<hbm>>
    %dma_wait3A_61 = tpu.memref_squeeze %dma_wait3A_60 : memref<1x1x80x125xi32, #tpu.memory_space<hbm>> -> memref<80x125xi32, #tpu.memory_space<hbm>>
    %dma_wait3A_62 = arith.constant 0 : i32
    %dma_wait3A_63 = arith.constant 0 : i32
    %dma_wait3A_64 = tpu.memref_slice %arg3[%dma_wait3A, %add3A, %dma_wait3A_62, %dma_wait3A_63] : memref<2x32x80x125xi32, #tpu.memory_space<hbm>> -> memref<1x1x80x125xi32, #tpu.memory_space<hbm>>
    %dma_wait3A_65 = tpu.memref_squeeze %dma_wait3A_64 : memref<1x1x80x125xi32, #tpu.memory_space<hbm>> -> memref<80x125xi32, #tpu.memory_space<hbm>>
    tpu.wait_dma2 semaphore(%arg19 : memref<!tpu.dma_semaphore, #tpu.memory_space<semaphore_mem>>) src(%dma_wait3A_65 : memref<80x125xi32, #tpu.memory_space<hbm>>) dst(%arg6 : memref<80x125xi32, #tpu.memory_space<vmem>>)
    %dma_wait3A_66 = arith.constant 1 : i32
    %dma_wait3A_67 = arith.constant 0 : i32
    %dma_wait3A_68 = arith.constant 0 : i32
    %dma_wait3A_69 = tpu.memref_slice %arg3[%dma_wait3A_66, %add3A, %dma_wait3A_67, %dma_wait3A_68] : memref<2x32x80x125xi32, #tpu.memory_space<hbm>> -> memref<1x1x80x125xi32, #tpu.memory_space<hbm>>
    %dma_wait3A_70 = tpu.memref_squeeze %dma_wait3A_69 : memref<1x1x80x125xi32, #tpu.memory_space<hbm>> -> memref<80x125xi32, #tpu.memory_space<hbm>>
    %dma_wait3A_71 = arith.constant 0 : i32
    %dma_wait3A_72 = arith.constant 0 : i32
    %dma_wait3A_73 = tpu.memref_slice %arg3[%dma_wait3A_66, %add3A, %dma_wait3A_71, %dma_wait3A_72] : memref<2x32x80x125xi32, #tpu.memory_space<hbm>> -> memref<1x1x80x125xi32, #tpu.memory_space<hbm>>
    %dma_wait3A_74 = tpu.memref_squeeze %dma_wait3A_73 : memref<1x1x80x125xi32, #tpu.memory_space<hbm>> -> memref<80x125xi32, #tpu.memory_space<hbm>>
    tpu.wait_dma2 semaphore(%arg19 : memref<!tpu.dma_semaphore, #tpu.memory_space<semaphore_mem>>) src(%dma_wait3A_74 : memref<80x125xi32, #tpu.memory_space<hbm>>) dst(%arg7 : memref<80x125xi32, #tpu.memory_space<vmem>>)
    %dma_start3A_75 = arith.constant 0 : i32
    %dma_start3A_76 = arith.constant 0 : i32
    %dma_start3A_77 = arith.constant 0 : i32
    %dma_start3A_78 = arith.constant 0 : i32
    %dma_start3A_79 = tpu.memref_slice %arg8[%dma_start3A_76, %dma_start3A_77, %dma_start3A_78] : memref<4x125x64xbf16, #tpu.memory_space<vmem>> -> memref<1x125x64xbf16, #tpu.memory_space<vmem>>
    %dma_start3A_80 = tpu.memref_squeeze %dma_start3A_79 : memref<1x125x64xbf16, #tpu.memory_space<vmem>> -> memref<125x64xbf16, #tpu.memory_space<vmem>>
    %dma_start3A_81 = arith.constant 0 : i32
    %dma_start3A_82 = tpu.memref_slice %arg6[%dma_start3A_75, %dma_start3A_81] : memref<80x125xi32, #tpu.memory_space<vmem>> -> memref<1x125xi32, #tpu.memory_space<vmem>>
    %dma_start3A_83 = tpu.memref_squeeze %dma_start3A_82 : memref<1x125xi32, #tpu.memory_space<vmem>> -> memref<125xi32, #tpu.memory_space<vmem>>
    %dma_start3A_84 = arith.constant 0 : i32
    %dma_start3A_85 = arith.constant 0 : i32
    %dma_start3A_86 = tpu.memref_slice %arg2[%dma_start3A_84, %dma_start3A_85] : memref<10000x64xbf16, #tpu.memory_space<hbm>> -> memref<10000x64xbf16, #tpu.memory_space<hbm>>
    tpu.enqueue_indirect_dma source(%dma_start3A_86 : memref<10000x64xbf16, #tpu.memory_space<hbm>>) target(%dma_start3A_80 : memref<125x64xbf16, #tpu.memory_space<vmem>>) offsets(%dma_start3A_83 : memref<125xi32, #tpu.memory_space<vmem>>) semaphore(%arg11 : memref<!tpu.dma_semaphore, #tpu.memory_space<semaphore_mem>>)
    %dma_start3A_87 = arith.constant 1 : i32
    %dma_start3A_88 = arith.constant 1 : i32
    %dma_start3A_89 = arith.constant 0 : i32
    %dma_start3A_90 = arith.constant 0 : i32
    %dma_start3A_91 = tpu.memref_slice %arg8[%dma_start3A_88, %dma_start3A_89, %dma_start3A_90] : memref<4x125x64xbf16, #tpu.memory_space<vmem>> -> memref<1x125x64xbf16, #tpu.memory_space<vmem>>
    %dma_start3A_92 = tpu.memref_squeeze %dma_start3A_91 : memref<1x125x64xbf16, #tpu.memory_space<vmem>> -> memref<125x64xbf16, #tpu.memory_space<vmem>>
    %dma_start3A_93 = arith.constant 0 : i32
    %dma_start3A_94 = tpu.memref_slice %arg6[%dma_start3A_87, %dma_start3A_93] : memref<80x125xi32, #tpu.memory_space<vmem>> -> memref<1x125xi32, #tpu.memory_space<vmem>>
    %dma_start3A_95 = tpu.memref_squeeze %dma_start3A_94 : memref<1x125xi32, #tpu.memory_space<vmem>> -> memref<125xi32, #tpu.memory_space<vmem>>
    %dma_start3A_96 = arith.constant 0 : i32
    %dma_start3A_97 = arith.constant 0 : i32
    %dma_start3A_98 = tpu.memref_slice %arg2[%dma_start3A_96, %dma_start3A_97] : memref<10000x64xbf16, #tpu.memory_space<hbm>> -> memref<10000x64xbf16, #tpu.memory_space<hbm>>
    tpu.enqueue_indirect_dma source(%dma_start3A_98 : memref<10000x64xbf16, #tpu.memory_space<hbm>>) target(%dma_start3A_92 : memref<125x64xbf16, #tpu.memory_space<vmem>>) offsets(%dma_start3A_95 : memref<125xi32, #tpu.memory_space<vmem>>) semaphore(%arg12 : memref<!tpu.dma_semaphore, #tpu.memory_space<semaphore_mem>>)
    %dma_start3A_99 = arith.constant 2 : i32
    %dma_start3A_100 = arith.constant 2 : i32
    %dma_start3A_101 = arith.constant 0 : i32
    %dma_start3A_102 = arith.constant 0 : i32
    %dma_start3A_103 = tpu.memref_slice %arg8[%dma_start3A_100, %dma_start3A_101, %dma_start3A_102] : memref<4x125x64xbf16, #tpu.memory_space<vmem>> -> memref<1x125x64xbf16, #tpu.memory_space<vmem>>
    %dma_start3A_104 = tpu.memref_squeeze %dma_start3A_103 : memref<1x125x64xbf16, #tpu.memory_space<vmem>> -> memref<125x64xbf16, #tpu.memory_space<vmem>>
    %dma_start3A_105 = arith.constant 0 : i32
    %dma_start3A_106 = tpu.memref_slice %arg6[%dma_start3A_99, %dma_start3A_105] : memref<80x125xi32, #tpu.memory_space<vmem>> -> memref<1x125xi32, #tpu.memory_space<vmem>>
    %dma_start3A_107 = tpu.memref_squeeze %dma_start3A_106 : memref<1x125xi32, #tpu.memory_space<vmem>> -> memref<125xi32, #tpu.memory_space<vmem>>
    %dma_start3A_108 = arith.constant 0 : i32
    %dma_start3A_109 = arith.constant 0 : i32
    %dma_start3A_110 = tpu.memref_slice %arg2[%dma_start3A_108, %dma_start3A_109] : memref<10000x64xbf16, #tpu.memory_space<hbm>> -> memref<10000x64xbf16, #tpu.memory_space<hbm>>
    tpu.enqueue_indirect_dma source(%dma_start3A_110 : memref<10000x64xbf16, #tpu.memory_space<hbm>>) target(%dma_start3A_104 : memref<125x64xbf16, #tpu.memory_space<vmem>>) offsets(%dma_start3A_107 : memref<125xi32, #tpu.memory_space<vmem>>) semaphore(%arg13 : memref<!tpu.dma_semaphore, #tpu.memory_space<semaphore_mem>>)
    %dma_start3A_111 = arith.constant 3 : i32
    %dma_start3A_112 = arith.constant 3 : i32
    %dma_start3A_113 = arith.constant 0 : i32
    %dma_start3A_114 = arith.constant 0 : i32
    %dma_start3A_115 = tpu.memref_slice %arg8[%dma_start3A_112, %dma_start3A_113, %dma_start3A_114] : memref<4x125x64xbf16, #tpu.memory_space<vmem>> -> memref<1x125x64xbf16, #tpu.memory_space<vmem>>
    %dma_start3A_116 = tpu.memref_squeeze %dma_start3A_115 : memref<1x125x64xbf16, #tpu.memory_space<vmem>> -> memref<125x64xbf16, #tpu.memory_space<vmem>>
    %dma_start3A_117 = arith.constant 0 : i32
    %dma_start3A_118 = tpu.memref_slice %arg6[%dma_start3A_111, %dma_start3A_117] : memref<80x125xi32, #tpu.memory_space<vmem>> -> memref<1x125xi32, #tpu.memory_space<vmem>>
    %dma_start3A_119 = tpu.memref_squeeze %dma_start3A_118 : memref<1x125xi32, #tpu.memory_space<vmem>> -> memref<125xi32, #tpu.memory_space<vmem>>
    %dma_start3A_120 = arith.constant 0 : i32
    %dma_start3A_121 = arith.constant 0 : i32
    %dma_start3A_122 = tpu.memref_slice %arg2[%dma_start3A_120, %dma_start3A_121] : memref<10000x64xbf16, #tpu.memory_space<hbm>> -> memref<10000x64xbf16, #tpu.memory_space<hbm>>
    tpu.enqueue_indirect_dma source(%dma_start3A_122 : memref<10000x64xbf16, #tpu.memory_space<hbm>>) target(%dma_start3A_116 : memref<125x64xbf16, #tpu.memory_space<vmem>>) offsets(%dma_start3A_119 : memref<125xi32, #tpu.memory_space<vmem>>) semaphore(%arg14 : memref<!tpu.dma_semaphore, #tpu.memory_space<semaphore_mem>>)
    %mul3A_123 = arith.constant 625 : i32
    %mul3A_124 = arith.muli %arg1, %mul3A_123 : i32
    %add3A_125 = arith.constant 0 : i32
    %add3A_126 = arith.addi %mul3A_124, %add3A_125 : i32
    %dma_wait3A_127 = arith.constant 0 : i32
    %dma_wait3A_128 = tpu.memref_slice %arg10[%add3A_126, %dma_wait3A_127] : memref<10000x64xbf16, #tpu.memory_space<vmem_shared>> -> memref<125x64xbf16, #tpu.memory_space<vmem_shared>>
    %dma_wait3A_129 = arith.constant 0 : i32
    %dma_wait3A_130 = tpu.memref_slice %arg10[%add3A_126, %dma_wait3A_129] : memref<10000x64xbf16, #tpu.memory_space<vmem_shared>> -> memref<125x64xbf16, #tpu.memory_space<vmem_shared>>
    tpu.wait_dma2 semaphore(%arg20 : memref<!tpu.dma_semaphore, #tpu.memory_space<semaphore_mem>>) src(%arg9 : memref<125x64xbf16, #tpu.memory_space<vmem>>) dst(%dma_wait3A_130 : memref<125x64xbf16, #tpu.memory_space<vmem_shared>>)
    %mul3A_131 = arith.constant 625 : i32
    %mul3A_132 = arith.muli %arg1, %mul3A_131 : i32
    %add3A_133 = arith.constant 125 : i32
    %add3A_134 = arith.addi %mul3A_132, %add3A_133 : i32
    %dma_wait3A_135 = arith.constant 0 : i32
    %dma_wait3A_136 = tpu.memref_slice %arg10[%add3A_134, %dma_wait3A_135] : memref<10000x64xbf16, #tpu.memory_space<vmem_shared>> -> memref<125x64xbf16, #tpu.memory_space<vmem_shared>>
    %dma_wait3A_137 = arith.constant 0 : i32
    %dma_wait3A_138 = tpu.memref_slice %arg10[%add3A_134, %dma_wait3A_137] : memref<10000x64xbf16, #tpu.memory_space<vmem_shared>> -> memref<125x64xbf16, #tpu.memory_space<vmem_shared>>
    tpu.wait_dma2 semaphore(%arg20 : memref<!tpu.dma_semaphore, #tpu.memory_space<semaphore_mem>>) src(%arg9 : memref<125x64xbf16, #tpu.memory_space<vmem>>) dst(%dma_wait3A_138 : memref<125x64xbf16, #tpu.memory_space<vmem_shared>>)
    %mul3A_139 = arith.constant 625 : i32
    %mul3A_140 = arith.muli %arg1, %mul3A_139 : i32
    %add3A_141 = arith.constant 250 : i32
    %add3A_142 = arith.addi %mul3A_140, %add3A_141 : i32
    %dma_wait3A_143 = arith.constant 0 : i32
    %dma_wait3A_144 = tpu.memref_slice %arg10[%add3A_142, %dma_wait3A_143] : memref<10000x64xbf16, #tpu.memory_space<vmem_shared>> -> memref<125x64xbf16, #tpu.memory_space<vmem_shared>>
    %dma_wait3A_145 = arith.constant 0 : i32
    %dma_wait3A_146 = tpu.memref_slice %arg10[%add3A_142, %dma_wait3A_145] : memref<10000x64xbf16, #tpu.memory_space<vmem_shared>> -> memref<125x64xbf16, #tpu.memory_space<vmem_shared>>
    tpu.wait_dma2 semaphore(%arg20 : memref<!tpu.dma_semaphore, #tpu.memory_space<semaphore_mem>>) src(%arg9 : memref<125x64xbf16, #tpu.memory_space<vmem>>) dst(%dma_wait3A_146 : memref<125x64xbf16, #tpu.memory_space<vmem_shared>>)
    %mul3A_147 = arith.constant 625 : i32
    %mul3A_148 = arith.muli %arg1, %mul3A_147 : i32
    %add3A_149 = arith.constant 375 : i32
    %add3A_150 = arith.addi %mul3A_148, %add3A_149 : i32
    %dma_wait3A_151 = arith.constant 0 : i32
    %dma_wait3A_152 = tpu.memref_slice %arg10[%add3A_150, %dma_wait3A_151] : memref<10000x64xbf16, #tpu.memory_space<vmem_shared>> -> memref<125x64xbf16, #tpu.memory_space<vmem_shared>>
    %dma_wait3A_153 = arith.constant 0 : i32
    %dma_wait3A_154 = tpu.memref_slice %arg10[%add3A_150, %dma_wait3A_153] : memref<10000x64xbf16, #tpu.memory_space<vmem_shared>> -> memref<125x64xbf16, #tpu.memory_space<vmem_shared>>
    tpu.wait_dma2 semaphore(%arg20 : memref<!tpu.dma_semaphore, #tpu.memory_space<semaphore_mem>>) src(%arg9 : memref<125x64xbf16, #tpu.memory_space<vmem>>) dst(%dma_wait3A_154 : memref<125x64xbf16, #tpu.memory_space<vmem_shared>>)
    %mul3A_155 = arith.constant 625 : i32
    %mul3A_156 = arith.muli %arg1, %mul3A_155 : i32
    %add3A_157 = arith.constant 500 : i32
    %add3A_158 = arith.addi %mul3A_156, %add3A_157 : i32
    %dma_wait3A_159 = arith.constant 0 : i32
    %dma_wait3A_160 = tpu.memref_slice %arg10[%add3A_158, %dma_wait3A_159] : memref<10000x64xbf16, #tpu.memory_space<vmem_shared>> -> memref<125x64xbf16, #tpu.memory_space<vmem_shared>>
    %dma_wait3A_161 = arith.constant 0 : i32
    %dma_wait3A_162 = tpu.memref_slice %arg10[%add3A_158, %dma_wait3A_161] : memref<10000x64xbf16, #tpu.memory_space<vmem_shared>> -> memref<125x64xbf16, #tpu.memory_space<vmem_shared>>
    tpu.wait_dma2 semaphore(%arg20 : memref<!tpu.dma_semaphore, #tpu.memory_space<semaphore_mem>>) src(%arg9 : memref<125x64xbf16, #tpu.memory_space<vmem>>) dst(%dma_wait3A_162 : memref<125x64xbf16, #tpu.memory_space<vmem_shared>>)
    %barrier3A = arith.constant 0 : index
    tpu.barrier barrier_id(%barrier3A)
    %scan3A = arith.constant 0 : i32
    %scan3A_163 = arith.constant 20 : i32
    %scan3A_164 = arith.addi %scan3A, %scan3A_163 : i32
    %scan3A_165 = arith.constant 1 : i32
    scf.for %scan3A_170 = %scan3A to %scan3A_164 step %scan3A_165  : i32 {
      %mul3A_171 = arith.constant 4 : i32
      %mul3A_172 = arith.muli %scan3A_170, %mul3A_171 : i32
      %add3A_173 = arith.constant 0 : i32
      %add3A_174 = arith.addi %add3A_173, %mul3A_172 : i32
      %add3A_175 = arith.constant 0 : i32
      %add3A_176 = arith.addi %add3A_174, %add3A_175 : i32
      %dma_wait3A_177 = arith.constant 0 : i32
      %dma_wait3A_178 = arith.constant 0 : i32
      %dma_wait3A_179 = arith.constant 0 : i32
      %dma_wait3A_180 = tpu.memref_slice %arg8[%dma_wait3A_177, %dma_wait3A_178, %dma_wait3A_179] : memref<4x125x64xbf16, #tpu.memory_space<vmem>> -> memref<1x125x64xbf16, #tpu.memory_space<vmem>>
      %dma_wait3A_181 = tpu.memref_squeeze %dma_wait3A_180 : memref<1x125x64xbf16, #tpu.memory_space<vmem>> -> memref<125x64xbf16, #tpu.memory_space<vmem>>
      %dma_wait3A_182 = arith.constant 0 : i32
      %dma_wait3A_183 = tpu.memref_slice %arg6[%add3A_176, %dma_wait3A_182] : memref<80x125xi32, #tpu.memory_space<vmem>> -> memref<1x125xi32, #tpu.memory_space<vmem>>
      %dma_wait3A_184 = tpu.memref_squeeze %dma_wait3A_183 : memref<1x125xi32, #tpu.memory_space<vmem>> -> memref<125xi32, #tpu.memory_space<vmem>>
      %dma_wait3A_185 = arith.constant 0 : i32
      %dma_wait3A_186 = arith.constant 0 : i32
      %dma_wait3A_187 = tpu.memref_slice %arg2[%dma_wait3A_185, %dma_wait3A_186] : memref<10000x64xbf16, #tpu.memory_space<hbm>> -> memref<10000x64xbf16, #tpu.memory_space<hbm>>
      tpu.wait_indirect_dma semaphore(%arg11 : memref<!tpu.dma_semaphore, #tpu.memory_space<semaphore_mem>>) src(%dma_wait3A_187 : memref<10000x64xbf16, #tpu.memory_space<hbm>>) dst(%dma_wait3A_181 : memref<125x64xbf16, #tpu.memory_space<vmem>>)
      %dma_start3A_188 = arith.constant 0 : i32
      %dma_start3A_189 = arith.constant 0 : i32
      %dma_start3A_190 = arith.constant 0 : i32
      %dma_start3A_191 = tpu.memref_slice %arg8[%dma_start3A_188, %dma_start3A_189, %dma_start3A_190] : memref<4x125x64xbf16, #tpu.memory_space<vmem>> -> memref<1x125x64xbf16, #tpu.memory_space<vmem>>
      %dma_start3A_192 = tpu.memref_squeeze %dma_start3A_191 : memref<1x125x64xbf16, #tpu.memory_space<vmem>> -> memref<125x64xbf16, #tpu.memory_space<vmem>>
      %dma_start3A_193 = arith.constant 0 : i32
      %dma_start3A_194 = tpu.memref_slice %arg7[%add3A_176, %dma_start3A_193] : memref<80x125xi32, #tpu.memory_space<vmem>> -> memref<1x125xi32, #tpu.memory_space<vmem>>
      %dma_start3A_195 = tpu.memref_squeeze %dma_start3A_194 : memref<1x125xi32, #tpu.memory_space<vmem>> -> memref<125xi32, #tpu.memory_space<vmem>>
      %dma_start3A_196 = arith.constant 0 : i32
      %dma_start3A_197 = arith.constant 0 : i32
      %dma_start3A_198 = tpu.memref_slice %arg10[%dma_start3A_196, %dma_start3A_197] : memref<10000x64xbf16, #tpu.memory_space<vmem_shared>> -> memref<10000x64xbf16, #tpu.memory_space<vmem_shared>>
      tpu.enqueue_indirect_dma source(%dma_start3A_192 : memref<125x64xbf16, #tpu.memory_space<vmem>>) target(%dma_start3A_198 : memref<10000x64xbf16, #tpu.memory_space<vmem_shared>>) offsets(%dma_start3A_195 : memref<125xi32, #tpu.memory_space<vmem>>) semaphore(%arg15 : memref<!tpu.dma_semaphore, #tpu.memory_space<semaphore_mem>>) {add = true}
      %dma_wait3A_199 = arith.constant 0 : i32
      %dma_wait3A_200 = arith.constant 0 : i32
      %dma_wait3A_201 = arith.constant 0 : i32
      %dma_wait3A_202 = tpu.memref_slice %arg8[%dma_wait3A_199, %dma_wait3A_200, %dma_wait3A_201] : memref<4x125x64xbf16, #tpu.memory_space<vmem>> -> memref<1x125x64xbf16, #tpu.memory_space<vmem>>
      %dma_wait3A_203 = tpu.memref_squeeze %dma_wait3A_202 : memref<1x125x64xbf16, #tpu.memory_space<vmem>> -> memref<125x64xbf16, #tpu.memory_space<vmem>>
      %dma_wait3A_204 = arith.constant 0 : i32
      %dma_wait3A_205 = tpu.memref_slice %arg7[%add3A_176, %dma_wait3A_204] : memref<80x125xi32, #tpu.memory_space<vmem>> -> memref<1x125xi32, #tpu.memory_space<vmem>>
      %dma_wait3A_206 = tpu.memref_squeeze %dma_wait3A_205 : memref<1x125xi32, #tpu.memory_space<vmem>> -> memref<125xi32, #tpu.memory_space<vmem>>
      %dma_wait3A_207 = arith.constant 0 : i32
      %dma_wait3A_208 = arith.constant 0 : i32
      %dma_wait3A_209 = tpu.memref_slice %arg10[%dma_wait3A_207, %dma_wait3A_208] : memref<10000x64xbf16, #tpu.memory_space<vmem_shared>> -> memref<10000x64xbf16, #tpu.memory_space<vmem_shared>>
      tpu.wait_indirect_dma semaphore(%arg15 : memref<!tpu.dma_semaphore, #tpu.memory_space<semaphore_mem>>) src(%dma_wait3A_203 : memref<125x64xbf16, #tpu.memory_space<vmem>>) dst(%dma_wait3A_209 : memref<10000x64xbf16, #tpu.memory_space<vmem_shared>>)
      %add3A_210 = arith.constant 4 : i32
      %add3A_211 = arith.addi %add3A_176, %add3A_210 : i32
      %lt3A = arith.constant 80 : i32
      %lt3A_212 = arith.cmpi slt, %add3A_211, %lt3A : i32
      %convert_element_type3A = arith.extui %lt3A_212 : i1 to i32
      %cond3A = arith.constant 0 : i32
      %cond3A_213 = arith.cmpi ne, %convert_element_type3A, %cond3A : i32
      scf.if %cond3A_213 {
        %add3A_340 = arith.constant 4 : i32
        %add3A_341 = arith.addi %add3A_176, %add3A_340 : i32
        %dma_start3A_342 = arith.constant 0 : i32
        %dma_start3A_343 = arith.constant 0 : i32
        %dma_start3A_344 = arith.constant 0 : i32
        %dma_start3A_345 = tpu.memref_slice %arg8[%dma_start3A_342, %dma_start3A_343, %dma_start3A_344] : memref<4x125x64xbf16, #tpu.memory_space<vmem>> -> memref<1x125x64xbf16, #tpu.memory_space<vmem>>
        %dma_start3A_346 = tpu.memref_squeeze %dma_start3A_345 : memref<1x125x64xbf16, #tpu.memory_space<vmem>> -> memref<125x64xbf16, #tpu.memory_space<vmem>>
        %dma_start3A_347 = arith.constant 0 : i32
        %dma_start3A_348 = tpu.memref_slice %arg6[%add3A_341, %dma_start3A_347] : memref<80x125xi32, #tpu.memory_space<vmem>> -> memref<1x125xi32, #tpu.memory_space<vmem>>
        %dma_start3A_349 = tpu.memref_squeeze %dma_start3A_348 : memref<1x125xi32, #tpu.memory_space<vmem>> -> memref<125xi32, #tpu.memory_space<vmem>>
        %dma_start3A_350 = arith.constant 0 : i32
        %dma_start3A_351 = arith.constant 0 : i32
        %dma_start3A_352 = tpu.memref_slice %arg2[%dma_start3A_350, %dma_start3A_351] : memref<10000x64xbf16, #tpu.memory_space<hbm>> -> memref<10000x64xbf16, #tpu.memory_space<hbm>>
        tpu.enqueue_indirect_dma source(%dma_start3A_352 : memref<10000x64xbf16, #tpu.memory_space<hbm>>) target(%dma_start3A_346 : memref<125x64xbf16, #tpu.memory_space<vmem>>) offsets(%dma_start3A_349 : memref<125xi32, #tpu.memory_space<vmem>>) semaphore(%arg11 : memref<!tpu.dma_semaphore, #tpu.memory_space<semaphore_mem>>)
      } else {
      }
      %add3A_214 = arith.constant 1 : i32
      %add3A_215 = arith.addi %add3A_174, %add3A_214 : i32
      %dma_wait3A_216 = arith.constant 1 : i32
      %dma_wait3A_217 = arith.constant 0 : i32
      %dma_wait3A_218 = arith.constant 0 : i32
      %dma_wait3A_219 = tpu.memref_slice %arg8[%dma_wait3A_216, %dma_wait3A_217, %dma_wait3A_218] : memref<4x125x64xbf16, #tpu.memory_space<vmem>> -> memref<1x125x64xbf16, #tpu.memory_space<vmem>>
      %dma_wait3A_220 = tpu.memref_squeeze %dma_wait3A_219 : memref<1x125x64xbf16, #tpu.memory_space<vmem>> -> memref<125x64xbf16, #tpu.memory_space<vmem>>
      %dma_wait3A_221 = arith.constant 0 : i32
      %dma_wait3A_222 = tpu.memref_slice %arg6[%add3A_215, %dma_wait3A_221] : memref<80x125xi32, #tpu.memory_space<vmem>> -> memref<1x125xi32, #tpu.memory_space<vmem>>
      %dma_wait3A_223 = tpu.memref_squeeze %dma_wait3A_222 : memref<1x125xi32, #tpu.memory_space<vmem>> -> memref<125xi32, #tpu.memory_space<vmem>>
      %dma_wait3A_224 = arith.constant 0 : i32
      %dma_wait3A_225 = arith.constant 0 : i32
      %dma_wait3A_226 = tpu.memref_slice %arg2[%dma_wait3A_224, %dma_wait3A_225] : memref<10000x64xbf16, #tpu.memory_space<hbm>> -> memref<10000x64xbf16, #tpu.memory_space<hbm>>
      tpu.wait_indirect_dma semaphore(%arg12 : memref<!tpu.dma_semaphore, #tpu.memory_space<semaphore_mem>>) src(%dma_wait3A_226 : memref<10000x64xbf16, #tpu.memory_space<hbm>>) dst(%dma_wait3A_220 : memref<125x64xbf16, #tpu.memory_space<vmem>>)
      %dma_start3A_227 = arith.constant 1 : i32
      %dma_start3A_228 = arith.constant 0 : i32
      %dma_start3A_229 = arith.constant 0 : i32
      %dma_start3A_230 = tpu.memref_slice %arg8[%dma_start3A_227, %dma_start3A_228, %dma_start3A_229] : memref<4x125x64xbf16, #tpu.memory_space<vmem>> -> memref<1x125x64xbf16, #tpu.memory_space<vmem>>
      %dma_start3A_231 = tpu.memref_squeeze %dma_start3A_230 : memref<1x125x64xbf16, #tpu.memory_space<vmem>> -> memref<125x64xbf16, #tpu.memory_space<vmem>>
      %dma_start3A_232 = arith.constant 0 : i32
      %dma_start3A_233 = tpu.memref_slice %arg7[%add3A_215, %dma_start3A_232] : memref<80x125xi32, #tpu.memory_space<vmem>> -> memref<1x125xi32, #tpu.memory_space<vmem>>
      %dma_start3A_234 = tpu.memref_squeeze %dma_start3A_233 : memref<1x125xi32, #tpu.memory_space<vmem>> -> memref<125xi32, #tpu.memory_space<vmem>>
      %dma_start3A_235 = arith.constant 0 : i32
      %dma_start3A_236 = arith.constant 0 : i32
      %dma_start3A_237 = tpu.memref_slice %arg10[%dma_start3A_235, %dma_start3A_236] : memref<10000x64xbf16, #tpu.memory_space<vmem_shared>> -> memref<10000x64xbf16, #tpu.memory_space<vmem_shared>>
      tpu.enqueue_indirect_dma source(%dma_start3A_231 : memref<125x64xbf16, #tpu.memory_space<vmem>>) target(%dma_start3A_237 : memref<10000x64xbf16, #tpu.memory_space<vmem_shared>>) offsets(%dma_start3A_234 : memref<125xi32, #tpu.memory_space<vmem>>) semaphore(%arg16 : memref<!tpu.dma_semaphore, #tpu.memory_space<semaphore_mem>>) {add = true}
      %dma_wait3A_238 = arith.constant 1 : i32
      %dma_wait3A_239 = arith.constant 0 : i32
      %dma_wait3A_240 = arith.constant 0 : i32
      %dma_wait3A_241 = tpu.memref_slice %arg8[%dma_wait3A_238, %dma_wait3A_239, %dma_wait3A_240] : memref<4x125x64xbf16, #tpu.memory_space<vmem>> -> memref<1x125x64xbf16, #tpu.memory_space<vmem>>
      %dma_wait3A_242 = tpu.memref_squeeze %dma_wait3A_241 : memref<1x125x64xbf16, #tpu.memory_space<vmem>> -> memref<125x64xbf16, #tpu.memory_space<vmem>>
      %dma_wait3A_243 = arith.constant 0 : i32
      %dma_wait3A_244 = tpu.memref_slice %arg7[%add3A_215, %dma_wait3A_243] : memref<80x125xi32, #tpu.memory_space<vmem>> -> memref<1x125xi32, #tpu.memory_space<vmem>>
      %dma_wait3A_245 = tpu.memref_squeeze %dma_wait3A_244 : memref<1x125xi32, #tpu.memory_space<vmem>> -> memref<125xi32, #tpu.memory_space<vmem>>
      %dma_wait3A_246 = arith.constant 0 : i32
      %dma_wait3A_247 = arith.constant 0 : i32
      %dma_wait3A_248 = tpu.memref_slice %arg10[%dma_wait3A_246, %dma_wait3A_247] : memref<10000x64xbf16, #tpu.memory_space<vmem_shared>> -> memref<10000x64xbf16, #tpu.memory_space<vmem_shared>>
      tpu.wait_indirect_dma semaphore(%arg16 : memref<!tpu.dma_semaphore, #tpu.memory_space<semaphore_mem>>) src(%dma_wait3A_242 : memref<125x64xbf16, #tpu.memory_space<vmem>>) dst(%dma_wait3A_248 : memref<10000x64xbf16, #tpu.memory_space<vmem_shared>>)
      %add3A_249 = arith.constant 4 : i32
      %add3A_250 = arith.addi %add3A_215, %add3A_249 : i32
      %lt3A_251 = arith.constant 80 : i32
      %lt3A_252 = arith.cmpi slt, %add3A_250, %lt3A_251 : i32
      %convert_element_type3A_253 = arith.extui %lt3A_252 : i1 to i32
      %cond3A_254 = arith.constant 0 : i32
      %cond3A_255 = arith.cmpi ne, %convert_element_type3A_253, %cond3A_254 : i32
      scf.if %cond3A_255 {
        %add3A_340 = arith.constant 4 : i32
        %add3A_341 = arith.addi %add3A_215, %add3A_340 : i32
        %dma_start3A_342 = arith.constant 1 : i32
        %dma_start3A_343 = arith.constant 0 : i32
        %dma_start3A_344 = arith.constant 0 : i32
        %dma_start3A_345 = tpu.memref_slice %arg8[%dma_start3A_342, %dma_start3A_343, %dma_start3A_344] : memref<4x125x64xbf16, #tpu.memory_space<vmem>> -> memref<1x125x64xbf16, #tpu.memory_space<vmem>>
        %dma_start3A_346 = tpu.memref_squeeze %dma_start3A_345 : memref<1x125x64xbf16, #tpu.memory_space<vmem>> -> memref<125x64xbf16, #tpu.memory_space<vmem>>
        %dma_start3A_347 = arith.constant 0 : i32
        %dma_start3A_348 = tpu.memref_slice %arg6[%add3A_341, %dma_start3A_347] : memref<80x125xi32, #tpu.memory_space<vmem>> -> memref<1x125xi32, #tpu.memory_space<vmem>>
        %dma_start3A_349 = tpu.memref_squeeze %dma_start3A_348 : memref<1x125xi32, #tpu.memory_space<vmem>> -> memref<125xi32, #tpu.memory_space<vmem>>
        %dma_start3A_350 = arith.constant 0 : i32
        %dma_start3A_351 = arith.constant 0 : i32
        %dma_start3A_352 = tpu.memref_slice %arg2[%dma_start3A_350, %dma_start3A_351] : memref<10000x64xbf16, #tpu.memory_space<hbm>> -> memref<10000x64xbf16, #tpu.memory_space<hbm>>
        tpu.enqueue_indirect_dma source(%dma_start3A_352 : memref<10000x64xbf16, #tpu.memory_space<hbm>>) target(%dma_start3A_346 : memref<125x64xbf16, #tpu.memory_space<vmem>>) offsets(%dma_start3A_349 : memref<125xi32, #tpu.memory_space<vmem>>) semaphore(%arg12 : memref<!tpu.dma_semaphore, #tpu.memory_space<semaphore_mem>>)
      } else {
      }
      %add3A_256 = arith.constant 2 : i32
      %add3A_257 = arith.addi %add3A_174, %add3A_256 : i32
      %dma_wait3A_258 = arith.constant 2 : i32
      %dma_wait3A_259 = arith.constant 0 : i32
      %dma_wait3A_260 = arith.constant 0 : i32
      %dma_wait3A_261 = tpu.memref_slice %arg8[%dma_wait3A_258, %dma_wait3A_259, %dma_wait3A_260] : memref<4x125x64xbf16, #tpu.memory_space<vmem>> -> memref<1x125x64xbf16, #tpu.memory_space<vmem>>
      %dma_wait3A_262 = tpu.memref_squeeze %dma_wait3A_261 : memref<1x125x64xbf16, #tpu.memory_space<vmem>> -> memref<125x64xbf16, #tpu.memory_space<vmem>>
      %dma_wait3A_263 = arith.constant 0 : i32
      %dma_wait3A_264 = tpu.memref_slice %arg6[%add3A_257, %dma_wait3A_263] : memref<80x125xi32, #tpu.memory_space<vmem>> -> memref<1x125xi32, #tpu.memory_space<vmem>>
      %dma_wait3A_265 = tpu.memref_squeeze %dma_wait3A_264 : memref<1x125xi32, #tpu.memory_space<vmem>> -> memref<125xi32, #tpu.memory_space<vmem>>
      %dma_wait3A_266 = arith.constant 0 : i32
      %dma_wait3A_267 = arith.constant 0 : i32
      %dma_wait3A_268 = tpu.memref_slice %arg2[%dma_wait3A_266, %dma_wait3A_267] : memref<10000x64xbf16, #tpu.memory_space<hbm>> -> memref<10000x64xbf16, #tpu.memory_space<hbm>>
      tpu.wait_indirect_dma semaphore(%arg13 : memref<!tpu.dma_semaphore, #tpu.memory_space<semaphore_mem>>) src(%dma_wait3A_268 : memref<10000x64xbf16, #tpu.memory_space<hbm>>) dst(%dma_wait3A_262 : memref<125x64xbf16, #tpu.memory_space<vmem>>)
      %dma_start3A_269 = arith.constant 2 : i32
      %dma_start3A_270 = arith.constant 0 : i32
      %dma_start3A_271 = arith.constant 0 : i32
      %dma_start3A_272 = tpu.memref_slice %arg8[%dma_start3A_269, %dma_start3A_270, %dma_start3A_271] : memref<4x125x64xbf16, #tpu.memory_space<vmem>> -> memref<1x125x64xbf16, #tpu.memory_space<vmem>>
      %dma_start3A_273 = tpu.memref_squeeze %dma_start3A_272 : memref<1x125x64xbf16, #tpu.memory_space<vmem>> -> memref<125x64xbf16, #tpu.memory_space<vmem>>
      %dma_start3A_274 = arith.constant 0 : i32
      %dma_start3A_275 = tpu.memref_slice %arg7[%add3A_257, %dma_start3A_274] : memref<80x125xi32, #tpu.memory_space<vmem>> -> memref<1x125xi32, #tpu.memory_space<vmem>>
      %dma_start3A_276 = tpu.memref_squeeze %dma_start3A_275 : memref<1x125xi32, #tpu.memory_space<vmem>> -> memref<125xi32, #tpu.memory_space<vmem>>
      %dma_start3A_277 = arith.constant 0 : i32
      %dma_start3A_278 = arith.constant 0 : i32
      %dma_start3A_279 = tpu.memref_slice %arg10[%dma_start3A_277, %dma_start3A_278] : memref<10000x64xbf16, #tpu.memory_space<vmem_shared>> -> memref<10000x64xbf16, #tpu.memory_space<vmem_shared>>
      tpu.enqueue_indirect_dma source(%dma_start3A_273 : memref<125x64xbf16, #tpu.memory_space<vmem>>) target(%dma_start3A_279 : memref<10000x64xbf16, #tpu.memory_space<vmem_shared>>) offsets(%dma_start3A_276 : memref<125xi32, #tpu.memory_space<vmem>>) semaphore(%arg17 : memref<!tpu.dma_semaphore, #tpu.memory_space<semaphore_mem>>) {add = true}
      %dma_wait3A_280 = arith.constant 2 : i32
      %dma_wait3A_281 = arith.constant 0 : i32
      %dma_wait3A_282 = arith.constant 0 : i32
      %dma_wait3A_283 = tpu.memref_slice %arg8[%dma_wait3A_280, %dma_wait3A_281, %dma_wait3A_282] : memref<4x125x64xbf16, #tpu.memory_space<vmem>> -> memref<1x125x64xbf16, #tpu.memory_space<vmem>>
      %dma_wait3A_284 = tpu.memref_squeeze %dma_wait3A_283 : memref<1x125x64xbf16, #tpu.memory_space<vmem>> -> memref<125x64xbf16, #tpu.memory_space<vmem>>
      %dma_wait3A_285 = arith.constant 0 : i32
      %dma_wait3A_286 = tpu.memref_slice %arg7[%add3A_257, %dma_wait3A_285] : memref<80x125xi32, #tpu.memory_space<vmem>> -> memref<1x125xi32, #tpu.memory_space<vmem>>
      %dma_wait3A_287 = tpu.memref_squeeze %dma_wait3A_286 : memref<1x125xi32, #tpu.memory_space<vmem>> -> memref<125xi32, #tpu.memory_space<vmem>>
      %dma_wait3A_288 = arith.constant 0 : i32
      %dma_wait3A_289 = arith.constant 0 : i32
      %dma_wait3A_290 = tpu.memref_slice %arg10[%dma_wait3A_288, %dma_wait3A_289] : memref<10000x64xbf16, #tpu.memory_space<vmem_shared>> -> memref<10000x64xbf16, #tpu.memory_space<vmem_shared>>
      tpu.wait_indirect_dma semaphore(%arg17 : memref<!tpu.dma_semaphore, #tpu.memory_space<semaphore_mem>>) src(%dma_wait3A_284 : memref<125x64xbf16, #tpu.memory_space<vmem>>) dst(%dma_wait3A_290 : memref<10000x64xbf16, #tpu.memory_space<vmem_shared>>)
      %add3A_291 = arith.constant 4 : i32
      %add3A_292 = arith.addi %add3A_257, %add3A_291 : i32
      %lt3A_293 = arith.constant 80 : i32
      %lt3A_294 = arith.cmpi slt, %add3A_292, %lt3A_293 : i32
      %convert_element_type3A_295 = arith.extui %lt3A_294 : i1 to i32
      %cond3A_296 = arith.constant 0 : i32
      %cond3A_297 = arith.cmpi ne, %convert_element_type3A_295, %cond3A_296 : i32
      scf.if %cond3A_297 {
        %add3A_340 = arith.constant 4 : i32
        %add3A_341 = arith.addi %add3A_257, %add3A_340 : i32
        %dma_start3A_342 = arith.constant 2 : i32
        %dma_start3A_343 = arith.constant 0 : i32
        %dma_start3A_344 = arith.constant 0 : i32
        %dma_start3A_345 = tpu.memref_slice %arg8[%dma_start3A_342, %dma_start3A_343, %dma_start3A_344] : memref<4x125x64xbf16, #tpu.memory_space<vmem>> -> memref<1x125x64xbf16, #tpu.memory_space<vmem>>
        %dma_start3A_346 = tpu.memref_squeeze %dma_start3A_345 : memref<1x125x64xbf16, #tpu.memory_space<vmem>> -> memref<125x64xbf16, #tpu.memory_space<vmem>>
        %dma_start3A_347 = arith.constant 0 : i32
        %dma_start3A_348 = tpu.memref_slice %arg6[%add3A_341, %dma_start3A_347] : memref<80x125xi32, #tpu.memory_space<vmem>> -> memref<1x125xi32, #tpu.memory_space<vmem>>
        %dma_start3A_349 = tpu.memref_squeeze %dma_start3A_348 : memref<1x125xi32, #tpu.memory_space<vmem>> -> memref<125xi32, #tpu.memory_space<vmem>>
        %dma_start3A_350 = arith.constant 0 : i32
        %dma_start3A_351 = arith.constant 0 : i32
        %dma_start3A_352 = tpu.memref_slice %arg2[%dma_start3A_350, %dma_start3A_351] : memref<10000x64xbf16, #tpu.memory_space<hbm>> -> memref<10000x64xbf16, #tpu.memory_space<hbm>>
        tpu.enqueue_indirect_dma source(%dma_start3A_352 : memref<10000x64xbf16, #tpu.memory_space<hbm>>) target(%dma_start3A_346 : memref<125x64xbf16, #tpu.memory_space<vmem>>) offsets(%dma_start3A_349 : memref<125xi32, #tpu.memory_space<vmem>>) semaphore(%arg13 : memref<!tpu.dma_semaphore, #tpu.memory_space<semaphore_mem>>)
      } else {
      }
      %add3A_298 = arith.constant 3 : i32
      %add3A_299 = arith.addi %add3A_174, %add3A_298 : i32
      %dma_wait3A_300 = arith.constant 3 : i32
      %dma_wait3A_301 = arith.constant 0 : i32
      %dma_wait3A_302 = arith.constant 0 : i32
      %dma_wait3A_303 = tpu.memref_slice %arg8[%dma_wait3A_300, %dma_wait3A_301, %dma_wait3A_302] : memref<4x125x64xbf16, #tpu.memory_space<vmem>> -> memref<1x125x64xbf16, #tpu.memory_space<vmem>>
      %dma_wait3A_304 = tpu.memref_squeeze %dma_wait3A_303 : memref<1x125x64xbf16, #tpu.memory_space<vmem>> -> memref<125x64xbf16, #tpu.memory_space<vmem>>
      %dma_wait3A_305 = arith.constant 0 : i32
      %dma_wait3A_306 = tpu.memref_slice %arg6[%add3A_299, %dma_wait3A_305] : memref<80x125xi32, #tpu.memory_space<vmem>> -> memref<1x125xi32, #tpu.memory_space<vmem>>
      %dma_wait3A_307 = tpu.memref_squeeze %dma_wait3A_306 : memref<1x125xi32, #tpu.memory_space<vmem>> -> memref<125xi32, #tpu.memory_space<vmem>>
      %dma_wait3A_308 = arith.constant 0 : i32
      %dma_wait3A_309 = arith.constant 0 : i32
      %dma_wait3A_310 = tpu.memref_slice %arg2[%dma_wait3A_308, %dma_wait3A_309] : memref<10000x64xbf16, #tpu.memory_space<hbm>> -> memref<10000x64xbf16, #tpu.memory_space<hbm>>
      tpu.wait_indirect_dma semaphore(%arg14 : memref<!tpu.dma_semaphore, #tpu.memory_space<semaphore_mem>>) src(%dma_wait3A_310 : memref<10000x64xbf16, #tpu.memory_space<hbm>>) dst(%dma_wait3A_304 : memref<125x64xbf16, #tpu.memory_space<vmem>>)
      %dma_start3A_311 = arith.constant 3 : i32
      %dma_start3A_312 = arith.constant 0 : i32
      %dma_start3A_313 = arith.constant 0 : i32
      %dma_start3A_314 = tpu.memref_slice %arg8[%dma_start3A_311, %dma_start3A_312, %dma_start3A_313] : memref<4x125x64xbf16, #tpu.memory_space<vmem>> -> memref<1x125x64xbf16, #tpu.memory_space<vmem>>
      %dma_start3A_315 = tpu.memref_squeeze %dma_start3A_314 : memref<1x125x64xbf16, #tpu.memory_space<vmem>> -> memref<125x64xbf16, #tpu.memory_space<vmem>>
      %dma_start3A_316 = arith.constant 0 : i32
      %dma_start3A_317 = tpu.memref_slice %arg7[%add3A_299, %dma_start3A_316] : memref<80x125xi32, #tpu.memory_space<vmem>> -> memref<1x125xi32, #tpu.memory_space<vmem>>
      %dma_start3A_318 = tpu.memref_squeeze %dma_start3A_317 : memref<1x125xi32, #tpu.memory_space<vmem>> -> memref<125xi32, #tpu.memory_space<vmem>>
      %dma_start3A_319 = arith.constant 0 : i32
      %dma_start3A_320 = arith.constant 0 : i32
      %dma_start3A_321 = tpu.memref_slice %arg10[%dma_start3A_319, %dma_start3A_320] : memref<10000x64xbf16, #tpu.memory_space<vmem_shared>> -> memref<10000x64xbf16, #tpu.memory_space<vmem_shared>>
      tpu.enqueue_indirect_dma source(%dma_start3A_315 : memref<125x64xbf16, #tpu.memory_space<vmem>>) target(%dma_start3A_321 : memref<10000x64xbf16, #tpu.memory_space<vmem_shared>>) offsets(%dma_start3A_318 : memref<125xi32, #tpu.memory_space<vmem>>) semaphore(%arg18 : memref<!tpu.dma_semaphore, #tpu.memory_space<semaphore_mem>>) {add = true}
      %dma_wait3A_322 = arith.constant 3 : i32
      %dma_wait3A_323 = arith.constant 0 : i32
      %dma_wait3A_324 = arith.constant 0 : i32
      %dma_wait3A_325 = tpu.memref_slice %arg8[%dma_wait3A_322, %dma_wait3A_323, %dma_wait3A_324] : memref<4x125x64xbf16, #tpu.memory_space<vmem>> -> memref<1x125x64xbf16, #tpu.memory_space<vmem>>
      %dma_wait3A_326 = tpu.memref_squeeze %dma_wait3A_325 : memref<1x125x64xbf16, #tpu.memory_space<vmem>> -> memref<125x64xbf16, #tpu.memory_space<vmem>>
      %dma_wait3A_327 = arith.constant 0 : i32
      %dma_wait3A_328 = tpu.memref_slice %arg7[%add3A_299, %dma_wait3A_327] : memref<80x125xi32, #tpu.memory_space<vmem>> -> memref<1x125xi32, #tpu.memory_space<vmem>>
      %dma_wait3A_329 = tpu.memref_squeeze %dma_wait3A_328 : memref<1x125xi32, #tpu.memory_space<vmem>> -> memref<125xi32, #tpu.memory_space<vmem>>
      %dma_wait3A_330 = arith.constant 0 : i32
      %dma_wait3A_331 = arith.constant 0 : i32
      %dma_wait3A_332 = tpu.memref_slice %arg10[%dma_wait3A_330, %dma_wait3A_331] : memref<10000x64xbf16, #tpu.memory_space<vmem_shared>> -> memref<10000x64xbf16, #tpu.memory_space<vmem_shared>>
      tpu.wait_indirect_dma semaphore(%arg18 : memref<!tpu.dma_semaphore, #tpu.memory_space<semaphore_mem>>) src(%dma_wait3A_326 : memref<125x64xbf16, #tpu.memory_space<vmem>>) dst(%dma_wait3A_332 : memref<10000x64xbf16, #tpu.memory_space<vmem_shared>>)
      %add3A_333 = arith.constant 4 : i32
      %add3A_334 = arith.addi %add3A_299, %add3A_333 : i32
      %lt3A_335 = arith.constant 80 : i32
      %lt3A_336 = arith.cmpi slt, %add3A_334, %lt3A_335 : i32
      %convert_element_type3A_337 = arith.extui %lt3A_336 : i1 to i32
      %cond3A_338 = arith.constant 0 : i32
      %cond3A_339 = arith.cmpi ne, %convert_element_type3A_337, %cond3A_338 : i32
      scf.if %cond3A_339 {
        %add3A_340 = arith.constant 4 : i32
        %add3A_341 = arith.addi %add3A_299, %add3A_340 : i32
        %dma_start3A_342 = arith.constant 3 : i32
        %dma_start3A_343 = arith.constant 0 : i32
        %dma_start3A_344 = arith.constant 0 : i32
        %dma_start3A_345 = tpu.memref_slice %arg8[%dma_start3A_342, %dma_start3A_343, %dma_start3A_344] : memref<4x125x64xbf16, #tpu.memory_space<vmem>> -> memref<1x125x64xbf16, #tpu.memory_space<vmem>>
        %dma_start3A_346 = tpu.memref_squeeze %dma_start3A_345 : memref<1x125x64xbf16, #tpu.memory_space<vmem>> -> memref<125x64xbf16, #tpu.memory_space<vmem>>
        %dma_start3A_347 = arith.constant 0 : i32
        %dma_start3A_348 = tpu.memref_slice %arg6[%add3A_341, %dma_start3A_347] : memref<80x125xi32, #tpu.memory_space<vmem>> -> memref<1x125xi32, #tpu.memory_space<vmem>>
        %dma_start3A_349 = tpu.memref_squeeze %dma_start3A_348 : memref<1x125xi32, #tpu.memory_space<vmem>> -> memref<125xi32, #tpu.memory_space<vmem>>
        %dma_start3A_350 = arith.constant 0 : i32
        %dma_start3A_351 = arith.constant 0 : i32
        %dma_start3A_352 = tpu.memref_slice %arg2[%dma_start3A_350, %dma_start3A_351] : memref<10000x64xbf16, #tpu.memory_space<hbm>> -> memref<10000x64xbf16, #tpu.memory_space<hbm>>
        tpu.enqueue_indirect_dma source(%dma_start3A_352 : memref<10000x64xbf16, #tpu.memory_space<hbm>>) target(%dma_start3A_346 : memref<125x64xbf16, #tpu.memory_space<vmem>>) offsets(%dma_start3A_349 : memref<125xi32, #tpu.memory_space<vmem>>) semaphore(%arg14 : memref<!tpu.dma_semaphore, #tpu.memory_space<semaphore_mem>>)
      } else {
      }
    }
    %scan3A_166 = arith.constant 20 : i32
    %barrier3A_167 = arith.constant 0 : index
    tpu.barrier barrier_id(%barrier3A_167)
    %mul3A_168 = arith.constant 625 : i32
    %mul3A_169 = arith.muli %arg1, %mul3A_168 : i32
    "tpu.region"() ({
      %run_scoped3A = tpu.sem_alloc : memref<!tpu.dma_semaphore, #tpu.memory_space<semaphore_mem>>
      %dma_start3A_170 = arith.constant 0 : i32
      %dma_start3A_171 = arith.constant 0 : i32
      %dma_start3A_172 = tpu.memref_slice %arg5[%add3A, %dma_start3A_170, %dma_start3A_171] : memref<32x625x64xbf16, #tpu.memory_space<hbm>> -> memref<1x625x64xbf16, #tpu.memory_space<hbm>>
      %dma_start3A_173 = tpu.memref_squeeze %dma_start3A_172 : memref<1x625x64xbf16, #tpu.memory_space<hbm>> -> memref<625x64xbf16, #tpu.memory_space<hbm>>
      %dma_start3A_174 = arith.constant 0 : i32
      %dma_start3A_175 = tpu.memref_slice %arg10[%mul3A_169, %dma_start3A_174] : memref<10000x64xbf16, #tpu.memory_space<vmem_shared>> -> memref<625x64xbf16, #tpu.memory_space<vmem_shared>>
      tpu.enqueue_dma source(%dma_start3A_175 : memref<625x64xbf16, #tpu.memory_space<vmem_shared>>) target(%dma_start3A_173 : memref<625x64xbf16, #tpu.memory_space<hbm>>) target_semaphore(%run_scoped3A : memref<!tpu.dma_semaphore, #tpu.memory_space<semaphore_mem>>)
      %dma_wait3A_176 = arith.constant 0 : i32
      %dma_wait3A_177 = arith.constant 0 : i32
      %dma_wait3A_178 = tpu.memref_slice %arg5[%add3A, %dma_wait3A_176, %dma_wait3A_177] : memref<32x625x64xbf16, #tpu.memory_space<hbm>> -> memref<1x625x64xbf16, #tpu.memory_space<hbm>>
      %dma_wait3A_179 = tpu.memref_squeeze %dma_wait3A_178 : memref<1x625x64xbf16, #tpu.memory_space<hbm>> -> memref<625x64xbf16, #tpu.memory_space<hbm>>
      %dma_wait3A_180 = arith.constant 0 : i32
      %dma_wait3A_181 = tpu.memref_slice %arg10[%mul3A_169, %dma_wait3A_180] : memref<10000x64xbf16, #tpu.memory_space<vmem_shared>> -> memref<625x64xbf16, #tpu.memory_space<vmem_shared>>
      tpu.wait_dma2 semaphore(%run_scoped3A : memref<!tpu.dma_semaphore, #tpu.memory_space<semaphore_mem>>) src(%dma_wait3A_181 : memref<625x64xbf16, #tpu.memory_space<vmem_shared>>) dst(%dma_wait3A_179 : memref<625x64xbf16, #tpu.memory_space<hbm>>)
      tpu.yield
    }) : () -> ()
    return
  }
}

#map = affine_map<(d0, d1) -> (0, 0)>
#map1 = affine_map<(d0, d1) -> (0, 0, 0, 0)>
#map2 = affine_map<(d0, d1) -> (0, 0, 0)>
module attributes {stable_mosaic.version = 14 : i64} {
  func.func @agg_kernel(%arg0: i32, %arg1: i32, %arg2: memref<10000x64xbf16, #tpu.memory_space<hbm>>, %arg3: memref<2x32x80x125xi32, #tpu.memory_space<hbm>>, %arg4: memref<125x64xbf16, #tpu.memory_space<hbm>>, %arg5: memref<32x625x64xbf16, #tpu.memory_space<hbm>>, %arg6: memref<80x125xi32, #tpu.memory_space<vmem>>, %arg7: memref<80x125xi32, #tpu.memory_space<vmem>>, %arg8: memref<4x125x64xbf16, #tpu.memory_space<vmem>>, %arg9: memref<125x64xbf16, #tpu.memory_space<vmem>>, %arg10: memref<10000x64xbf16, #tpu.memory_space<vmem_shared>>, %arg11: memref<!tpu.dma_semaphore, #tpu.memory_space<semaphore_mem>>, %arg12: memref<!tpu.dma_semaphore, #tpu.memory_space<semaphore_mem>>, %arg13: memref<!tpu.dma_semaphore, #tpu.memory_space<semaphore_mem>>, %arg14: memref<!tpu.dma_semaphore, #tpu.memory_space<semaphore_mem>>, %arg15: memref<!tpu.dma_semaphore, #tpu.memory_space<semaphore_mem>>, %arg16: memref<!tpu.dma_semaphore, #tpu.memory_space<semaphore_mem>>, %arg17: memref<!tpu.dma_semaphore, #tpu.memory_space<semaphore_mem>>, %arg18: memref<!tpu.dma_semaphore, #tpu.memory_space<semaphore_mem>>, %arg19: memref<!tpu.dma_semaphore, #tpu.memory_space<semaphore_mem>>, %arg20: memref<!tpu.dma_semaphore, #tpu.memory_space<semaphore_mem>>) attributes {dimension_semantics = [#tpu.dimension_semantics<core_parallel>, #tpu.dimension_semantics<subcore_parallel>], iteration_bounds = array<i64: 2, 16>, scalar_prefetch = 0 : i64, scratch_operands = 15 : i64, tpu.core_type = #tpu.core_type<sc_vector_subcore>, window_params = [{transform_indices = #map}, {transform_indices = #map1}, {transform_indices = #map}, {transform_indices = #map2}]} {
    %mul3A = arith.constant 16 : i32
    %mul3A_0 = arith.muli %arg0, %mul3A : i32
    %add3A = arith.addi %mul3A_0, %arg1 : i32
    %dma_start3A = arith.constant 0 : i32
    %dma_start3A_1 = arith.constant 0 : i32
    %dma_start3A_2 = arith.constant 0 : i32
    %dma_start3A_3 = tpu.memref_slice %arg3[%dma_start3A, %add3A, %dma_start3A_1, %dma_start3A_2] : memref<2x32x80x125xi32, #tpu.memory_space<hbm>> -> memref<1x1x80x125xi32, #tpu.memory_space<hbm>>
    %dma_start3A_4 = tpu.memref_squeeze %dma_start3A_3 : memref<1x1x80x125xi32, #tpu.memory_space<hbm>> -> memref<80x125xi32, #tpu.memory_space<hbm>>
    %dma_start3A_5 = arith.constant 0 : i32
    %dma_start3A_6 = arith.constant 0 : i32
    %dma_start3A_7 = tpu.memref_slice %arg3[%dma_start3A, %add3A, %dma_start3A_5, %dma_start3A_6] : memref<2x32x80x125xi32, #tpu.memory_space<hbm>> -> memref<1x1x80x125xi32, #tpu.memory_space<hbm>>
    %dma_start3A_8 = tpu.memref_squeeze %dma_start3A_7 : memref<1x1x80x125xi32, #tpu.memory_space<hbm>> -> memref<80x125xi32, #tpu.memory_space<hbm>>
    tpu.enqueue_dma source(%dma_start3A_8 : memref<80x125xi32, #tpu.memory_space<hbm>>) target(%arg6 : memref<80x125xi32, #tpu.memory_space<vmem>>) target_semaphore(%arg19 : memref<!tpu.dma_semaphore, #tpu.memory_space<semaphore_mem>>)
    %dma_start3A_9 = arith.constant 1 : i32
    %dma_start3A_10 = arith.constant 0 : i32
    %dma_start3A_11 = arith.constant 0 : i32
    %dma_start3A_12 = tpu.memref_slice %arg3[%dma_start3A_9, %add3A, %dma_start3A_10, %dma_start3A_11] : memref<2x32x80x125xi32, #tpu.memory_space<hbm>> -> memref<1x1x80x125xi32, #tpu.memory_space<hbm>>
    %dma_start3A_13 = tpu.memref_squeeze %dma_start3A_12 : memref<1x1x80x125xi32, #tpu.memory_space<hbm>> -> memref<80x125xi32, #tpu.memory_space<hbm>>
    %dma_start3A_14 = arith.constant 0 : i32
    %dma_start3A_15 = arith.constant 0 : i32
    %dma_start3A_16 = tpu.memref_slice %arg3[%dma_start3A_9, %add3A, %dma_start3A_14, %dma_start3A_15] : memref<2x32x80x125xi32, #tpu.memory_space<hbm>> -> memref<1x1x80x125xi32, #tpu.memory_space<hbm>>
    %dma_start3A_17 = tpu.memref_squeeze %dma_start3A_16 : memref<1x1x80x125xi32, #tpu.memory_space<hbm>> -> memref<80x125xi32, #tpu.memory_space<hbm>>
    tpu.enqueue_dma source(%dma_start3A_17 : memref<80x125xi32, #tpu.memory_space<hbm>>) target(%arg7 : memref<80x125xi32, #tpu.memory_space<vmem>>) target_semaphore(%arg19 : memref<!tpu.dma_semaphore, #tpu.memory_space<semaphore_mem>>)
    tpu.enqueue_dma source(%arg4 : memref<125x64xbf16, #tpu.memory_space<hbm>>) target(%arg9 : memref<125x64xbf16, #tpu.memory_space<vmem>>) target_semaphore(%arg20 : memref<!tpu.dma_semaphore, #tpu.memory_space<semaphore_mem>>)
    tpu.wait_dma2 semaphore(%arg20 : memref<!tpu.dma_semaphore, #tpu.memory_space<semaphore_mem>>) src(%arg4 : memref<125x64xbf16, #tpu.memory_space<hbm>>) dst(%arg9 : memref<125x64xbf16, #tpu.memory_space<vmem>>)
    %mul3A_18 = arith.constant 625 : i32
    %mul3A_19 = arith.muli %arg1, %mul3A_18 : i32
    %add3A_20 = arith.constant 0 : i32
    %add3A_21 = arith.addi %mul3A_19, %add3A_20 : i32
    %dma_start3A_22 = arith.constant 0 : i32
    %dma_start3A_23 = tpu.memref_slice %arg10[%add3A_21, %dma_start3A_22] : memref<10000x64xbf16, #tpu.memory_space<vmem_shared>> -> memref<125x64xbf16, #tpu.memory_space<vmem_shared>>
    %dma_start3A_24 = arith.constant 0 : i32
    %dma_start3A_25 = tpu.memref_slice %arg10[%add3A_21, %dma_start3A_24] : memref<10000x64xbf16, #tpu.memory_space<vmem_shared>> -> memref<125x64xbf16, #tpu.memory_space<vmem_shared>>
    tpu.enqueue_dma source(%arg9 : memref<125x64xbf16, #tpu.memory_space<vmem>>) target(%dma_start3A_25 : memref<125x64xbf16, #tpu.memory_space<vmem_shared>>) target_semaphore(%arg20 : memref<!tpu.dma_semaphore, #tpu.memory_space<semaphore_mem>>)
    %mul3A_26 = arith.constant 625 : i32
    %mul3A_27 = arith.muli %arg1, %mul3A_26 : i32
    %add3A_28 = arith.constant 125 : i32
    %add3A_29 = arith.addi %mul3A_27, %add3A_28 : i32
    %dma_start3A_30 = arith.constant 0 : i32
    %dma_start3A_31 = tpu.memref_slice %arg10[%add3A_29, %dma_start3A_30] : memref<10000x64xbf16, #tpu.memory_space<vmem_shared>> -> memref<125x64xbf16, #tpu.memory_space<vmem_shared>>
    %dma_start3A_32 = arith.constant 0 : i32
    %dma_start3A_33 = tpu.memref_slice %arg10[%add3A_29, %dma_start3A_32] : memref<10000x64xbf16, #tpu.memory_space<vmem_shared>> -> memref<125x64xbf16, #tpu.memory_space<vmem_shared>>
    tpu.enqueue_dma source(%arg9 : memref<125x64xbf16, #tpu.memory_space<vmem>>) target(%dma_start3A_33 : memref<125x64xbf16, #tpu.memory_space<vmem_shared>>) target_semaphore(%arg20 : memref<!tpu.dma_semaphore, #tpu.memory_space<semaphore_mem>>)
    %mul3A_34 = arith.constant 625 : i32
    %mul3A_35 = arith.muli %arg1, %mul3A_34 : i32
    %add3A_36 = arith.constant 250 : i32
    %add3A_37 = arith.addi %mul3A_35, %add3A_36 : i32
    %dma_start3A_38 = arith.constant 0 : i32
    %dma_start3A_39 = tpu.memref_slice %arg10[%add3A_37, %dma_start3A_38] : memref<10000x64xbf16, #tpu.memory_space<vmem_shared>> -> memref<125x64xbf16, #tpu.memory_space<vmem_shared>>
    %dma_start3A_40 = arith.constant 0 : i32
    %dma_start3A_41 = tpu.memref_slice %arg10[%add3A_37, %dma_start3A_40] : memref<10000x64xbf16, #tpu.memory_space<vmem_shared>> -> memref<125x64xbf16, #tpu.memory_space<vmem_shared>>
    tpu.enqueue_dma source(%arg9 : memref<125x64xbf16, #tpu.memory_space<vmem>>) target(%dma_start3A_41 : memref<125x64xbf16, #tpu.memory_space<vmem_shared>>) target_semaphore(%arg20 : memref<!tpu.dma_semaphore, #tpu.memory_space<semaphore_mem>>)
    %mul3A_42 = arith.constant 625 : i32
    %mul3A_43 = arith.muli %arg1, %mul3A_42 : i32
    %add3A_44 = arith.constant 375 : i32
    %add3A_45 = arith.addi %mul3A_43, %add3A_44 : i32
    %dma_start3A_46 = arith.constant 0 : i32
    %dma_start3A_47 = tpu.memref_slice %arg10[%add3A_45, %dma_start3A_46] : memref<10000x64xbf16, #tpu.memory_space<vmem_shared>> -> memref<125x64xbf16, #tpu.memory_space<vmem_shared>>
    %dma_start3A_48 = arith.constant 0 : i32
    %dma_start3A_49 = tpu.memref_slice %arg10[%add3A_45, %dma_start3A_48] : memref<10000x64xbf16, #tpu.memory_space<vmem_shared>> -> memref<125x64xbf16, #tpu.memory_space<vmem_shared>>
    tpu.enqueue_dma source(%arg9 : memref<125x64xbf16, #tpu.memory_space<vmem>>) target(%dma_start3A_49 : memref<125x64xbf16, #tpu.memory_space<vmem_shared>>) target_semaphore(%arg20 : memref<!tpu.dma_semaphore, #tpu.memory_space<semaphore_mem>>)
    %mul3A_50 = arith.constant 625 : i32
    %mul3A_51 = arith.muli %arg1, %mul3A_50 : i32
    %add3A_52 = arith.constant 500 : i32
    %add3A_53 = arith.addi %mul3A_51, %add3A_52 : i32
    %dma_start3A_54 = arith.constant 0 : i32
    %dma_start3A_55 = tpu.memref_slice %arg10[%add3A_53, %dma_start3A_54] : memref<10000x64xbf16, #tpu.memory_space<vmem_shared>> -> memref<125x64xbf16, #tpu.memory_space<vmem_shared>>
    %dma_start3A_56 = arith.constant 0 : i32
    %dma_start3A_57 = tpu.memref_slice %arg10[%add3A_53, %dma_start3A_56] : memref<10000x64xbf16, #tpu.memory_space<vmem_shared>> -> memref<125x64xbf16, #tpu.memory_space<vmem_shared>>
    tpu.enqueue_dma source(%arg9 : memref<125x64xbf16, #tpu.memory_space<vmem>>) target(%dma_start3A_57 : memref<125x64xbf16, #tpu.memory_space<vmem_shared>>) target_semaphore(%arg20 : memref<!tpu.dma_semaphore, #tpu.memory_space<semaphore_mem>>)
    %dma_wait3A = arith.constant 0 : i32
    %dma_wait3A_58 = arith.constant 0 : i32
    %dma_wait3A_59 = arith.constant 0 : i32
    %dma_wait3A_60 = tpu.memref_slice %arg3[%dma_wait3A, %add3A, %dma_wait3A_58, %dma_wait3A_59] : memref<2x32x80x125xi32, #tpu.memory_space<hbm>> -> memref<1x1x80x125xi32, #tpu.memory_space<hbm>>
    %dma_wait3A_61 = tpu.memref_squeeze %dma_wait3A_60 : memref<1x1x80x125xi32, #tpu.memory_space<hbm>> -> memref<80x125xi32, #tpu.memory_space<hbm>>
    %dma_wait3A_62 = arith.constant 0 : i32
    %dma_wait3A_63 = arith.constant 0 : i32
    %dma_wait3A_64 = tpu.memref_slice %arg3[%dma_wait3A, %add3A, %dma_wait3A_62, %dma_wait3A_63] : memref<2x32x80x125xi32, #tpu.memory_space<hbm>> -> memref<1x1x80x125xi32, #tpu.memory_space<hbm>>
    %dma_wait3A_65 = tpu.memref_squeeze %dma_wait3A_64 : memref<1x1x80x125xi32, #tpu.memory_space<hbm>> -> memref<80x125xi32, #tpu.memory_space<hbm>>
    tpu.wait_dma2 semaphore(%arg19 : memref<!tpu.dma_semaphore, #tpu.memory_space<semaphore_mem>>) src(%dma_wait3A_65 : memref<80x125xi32, #tpu.memory_space<hbm>>) dst(%arg6 : memref<80x125xi32, #tpu.memory_space<vmem>>)
    %dma_wait3A_66 = arith.constant 1 : i32
    %dma_wait3A_67 = arith.constant 0 : i32
    %dma_wait3A_68 = arith.constant 0 : i32
    %dma_wait3A_69 = tpu.memref_slice %arg3[%dma_wait3A_66, %add3A, %dma_wait3A_67, %dma_wait3A_68] : memref<2x32x80x125xi32, #tpu.memory_space<hbm>> -> memref<1x1x80x125xi32, #tpu.memory_space<hbm>>
    %dma_wait3A_70 = tpu.memref_squeeze %dma_wait3A_69 : memref<1x1x80x125xi32, #tpu.memory_space<hbm>> -> memref<80x125xi32, #tpu.memory_space<hbm>>
    %dma_wait3A_71 = arith.constant 0 : i32
    %dma_wait3A_72 = arith.constant 0 : i32
    %dma_wait3A_73 = tpu.memref_slice %arg3[%dma_wait3A_66, %add3A, %dma_wait3A_71, %dma_wait3A_72] : memref<2x32x80x125xi32, #tpu.memory_space<hbm>> -> memref<1x1x80x125xi32, #tpu.memory_space<hbm>>
    %dma_wait3A_74 = tpu.memref_squeeze %dma_wait3A_73 : memref<1x1x80x125xi32, #tpu.memory_space<hbm>> -> memref<80x125xi32, #tpu.memory_space<hbm>>
    tpu.wait_dma2 semaphore(%arg19 : memref<!tpu.dma_semaphore, #tpu.memory_space<semaphore_mem>>) src(%dma_wait3A_74 : memref<80x125xi32, #tpu.memory_space<hbm>>) dst(%arg7 : memref<80x125xi32, #tpu.memory_space<vmem>>)
    %dma_start3A_75 = arith.constant 0 : i32
    %dma_start3A_76 = arith.constant 0 : i32
    %dma_start3A_77 = arith.constant 0 : i32
    %dma_start3A_78 = arith.constant 0 : i32
    %dma_start3A_79 = tpu.memref_slice %arg8[%dma_start3A_76, %dma_start3A_77, %dma_start3A_78] : memref<4x125x64xbf16, #tpu.memory_space<vmem>> -> memref<1x125x64xbf16, #tpu.memory_space<vmem>>
    %dma_start3A_80 = tpu.memref_squeeze %dma_start3A_79 : memref<1x125x64xbf16, #tpu.memory_space<vmem>> -> memref<125x64xbf16, #tpu.memory_space<vmem>>
    %dma_start3A_81 = arith.constant 0 : i32
    %dma_start3A_82 = tpu.memref_slice %arg6[%dma_start3A_75, %dma_start3A_81] : memref<80x125xi32, #tpu.memory_space<vmem>> -> memref<1x125xi32, #tpu.memory_space<vmem>>
    %dma_start3A_83 = tpu.memref_squeeze %dma_start3A_82 : memref<1x125xi32, #tpu.memory_space<vmem>> -> memref<125xi32, #tpu.memory_space<vmem>>
    %dma_start3A_84 = arith.constant 0 : i32
    %dma_start3A_85 = arith.constant 0 : i32
    %dma_start3A_86 = tpu.memref_slice %arg2[%dma_start3A_84, %dma_start3A_85] : memref<10000x64xbf16, #tpu.memory_space<hbm>> -> memref<10000x64xbf16, #tpu.memory_space<hbm>>
    tpu.enqueue_indirect_dma source(%dma_start3A_86 : memref<10000x64xbf16, #tpu.memory_space<hbm>>) target(%dma_start3A_80 : memref<125x64xbf16, #tpu.memory_space<vmem>>) offsets(%dma_start3A_83 : memref<125xi32, #tpu.memory_space<vmem>>) semaphore(%arg11 : memref<!tpu.dma_semaphore, #tpu.memory_space<semaphore_mem>>)
    %dma_start3A_87 = arith.constant 1 : i32
    %dma_start3A_88 = arith.constant 1 : i32
    %dma_start3A_89 = arith.constant 0 : i32
    %dma_start3A_90 = arith.constant 0 : i32
    %dma_start3A_91 = tpu.memref_slice %arg8[%dma_start3A_88, %dma_start3A_89, %dma_start3A_90] : memref<4x125x64xbf16, #tpu.memory_space<vmem>> -> memref<1x125x64xbf16, #tpu.memory_space<vmem>>
    %dma_start3A_92 = tpu.memref_squeeze %dma_start3A_91 : memref<1x125x64xbf16, #tpu.memory_space<vmem>> -> memref<125x64xbf16, #tpu.memory_space<vmem>>
    %dma_start3A_93 = arith.constant 0 : i32
    %dma_start3A_94 = tpu.memref_slice %arg6[%dma_start3A_87, %dma_start3A_93] : memref<80x125xi32, #tpu.memory_space<vmem>> -> memref<1x125xi32, #tpu.memory_space<vmem>>
    %dma_start3A_95 = tpu.memref_squeeze %dma_start3A_94 : memref<1x125xi32, #tpu.memory_space<vmem>> -> memref<125xi32, #tpu.memory_space<vmem>>
    %dma_start3A_96 = arith.constant 0 : i32
    %dma_start3A_97 = arith.constant 0 : i32
    %dma_start3A_98 = tpu.memref_slice %arg2[%dma_start3A_96, %dma_start3A_97] : memref<10000x64xbf16, #tpu.memory_space<hbm>> -> memref<10000x64xbf16, #tpu.memory_space<hbm>>
    tpu.enqueue_indirect_dma source(%dma_start3A_98 : memref<10000x64xbf16, #tpu.memory_space<hbm>>) target(%dma_start3A_92 : memref<125x64xbf16, #tpu.memory_space<vmem>>) offsets(%dma_start3A_95 : memref<125xi32, #tpu.memory_space<vmem>>) semaphore(%arg12 : memref<!tpu.dma_semaphore, #tpu.memory_space<semaphore_mem>>)
    %dma_start3A_99 = arith.constant 2 : i32
    %dma_start3A_100 = arith.constant 2 : i32
    %dma_start3A_101 = arith.constant 0 : i32
    %dma_start3A_102 = arith.constant 0 : i32
    %dma_start3A_103 = tpu.memref_slice %arg8[%dma_start3A_100, %dma_start3A_101, %dma_start3A_102] : memref<4x125x64xbf16, #tpu.memory_space<vmem>> -> memref<1x125x64xbf16, #tpu.memory_space<vmem>>
    %dma_start3A_104 = tpu.memref_squeeze %dma_start3A_103 : memref<1x125x64xbf16, #tpu.memory_space<vmem>> -> memref<125x64xbf16, #tpu.memory_space<vmem>>
    %dma_start3A_105 = arith.constant 0 : i32
    %dma_start3A_106 = tpu.memref_slice %arg6[%dma_start3A_99, %dma_start3A_105] : memref<80x125xi32, #tpu.memory_space<vmem>> -> memref<1x125xi32, #tpu.memory_space<vmem>>
    %dma_start3A_107 = tpu.memref_squeeze %dma_start3A_106 : memref<1x125xi32, #tpu.memory_space<vmem>> -> memref<125xi32, #tpu.memory_space<vmem>>
    %dma_start3A_108 = arith.constant 0 : i32
    %dma_start3A_109 = arith.constant 0 : i32
    %dma_start3A_110 = tpu.memref_slice %arg2[%dma_start3A_108, %dma_start3A_109] : memref<10000x64xbf16, #tpu.memory_space<hbm>> -> memref<10000x64xbf16, #tpu.memory_space<hbm>>
    tpu.enqueue_indirect_dma source(%dma_start3A_110 : memref<10000x64xbf16, #tpu.memory_space<hbm>>) target(%dma_start3A_104 : memref<125x64xbf16, #tpu.memory_space<vmem>>) offsets(%dma_start3A_107 : memref<125xi32, #tpu.memory_space<vmem>>) semaphore(%arg13 : memref<!tpu.dma_semaphore, #tpu.memory_space<semaphore_mem>>)
    %dma_start3A_111 = arith.constant 3 : i32
    %dma_start3A_112 = arith.constant 3 : i32
    %dma_start3A_113 = arith.constant 0 : i32
    %dma_start3A_114 = arith.constant 0 : i32
    %dma_start3A_115 = tpu.memref_slice %arg8[%dma_start3A_112, %dma_start3A_113, %dma_start3A_114] : memref<4x125x64xbf16, #tpu.memory_space<vmem>> -> memref<1x125x64xbf16, #tpu.memory_space<vmem>>
    %dma_start3A_116 = tpu.memref_squeeze %dma_start3A_115 : memref<1x125x64xbf16, #tpu.memory_space<vmem>> -> memref<125x64xbf16, #tpu.memory_space<vmem>>
    %dma_start3A_117 = arith.constant 0 : i32
    %dma_start3A_118 = tpu.memref_slice %arg6[%dma_start3A_111, %dma_start3A_117] : memref<80x125xi32, #tpu.memory_space<vmem>> -> memref<1x125xi32, #tpu.memory_space<vmem>>
    %dma_start3A_119 = tpu.memref_squeeze %dma_start3A_118 : memref<1x125xi32, #tpu.memory_space<vmem>> -> memref<125xi32, #tpu.memory_space<vmem>>
    %dma_start3A_120 = arith.constant 0 : i32
    %dma_start3A_121 = arith.constant 0 : i32
    %dma_start3A_122 = tpu.memref_slice %arg2[%dma_start3A_120, %dma_start3A_121] : memref<10000x64xbf16, #tpu.memory_space<hbm>> -> memref<10000x64xbf16, #tpu.memory_space<hbm>>
    tpu.enqueue_indirect_dma source(%dma_start3A_122 : memref<10000x64xbf16, #tpu.memory_space<hbm>>) target(%dma_start3A_116 : memref<125x64xbf16, #tpu.memory_space<vmem>>) offsets(%dma_start3A_119 : memref<125xi32, #tpu.memory_space<vmem>>) semaphore(%arg14 : memref<!tpu.dma_semaphore, #tpu.memory_space<semaphore_mem>>)
    %mul3A_123 = arith.constant 625 : i32
    %mul3A_124 = arith.muli %arg1, %mul3A_123 : i32
    %add3A_125 = arith.constant 0 : i32
    %add3A_126 = arith.addi %mul3A_124, %add3A_125 : i32
    %dma_wait3A_127 = arith.constant 0 : i32
    %dma_wait3A_128 = tpu.memref_slice %arg10[%add3A_126, %dma_wait3A_127] : memref<10000x64xbf16, #tpu.memory_space<vmem_shared>> -> memref<125x64xbf16, #tpu.memory_space<vmem_shared>>
    %dma_wait3A_129 = arith.constant 0 : i32
    %dma_wait3A_130 = tpu.memref_slice %arg10[%add3A_126, %dma_wait3A_129] : memref<10000x64xbf16, #tpu.memory_space<vmem_shared>> -> memref<125x64xbf16, #tpu.memory_space<vmem_shared>>
    tpu.wait_dma2 semaphore(%arg20 : memref<!tpu.dma_semaphore, #tpu.memory_space<semaphore_mem>>) src(%arg9 : memref<125x64xbf16, #tpu.memory_space<vmem>>) dst(%dma_wait3A_130 : memref<125x64xbf16, #tpu.memory_space<vmem_shared>>)
    %mul3A_131 = arith.constant 625 : i32
    %mul3A_132 = arith.muli %arg1, %mul3A_131 : i32
    %add3A_133 = arith.constant 125 : i32
    %add3A_134 = arith.addi %mul3A_132, %add3A_133 : i32
    %dma_wait3A_135 = arith.constant 0 : i32
    %dma_wait3A_136 = tpu.memref_slice %arg10[%add3A_134, %dma_wait3A_135] : memref<10000x64xbf16, #tpu.memory_space<vmem_shared>> -> memref<125x64xbf16, #tpu.memory_space<vmem_shared>>
    %dma_wait3A_137 = arith.constant 0 : i32
    %dma_wait3A_138 = tpu.memref_slice %arg10[%add3A_134, %dma_wait3A_137] : memref<10000x64xbf16, #tpu.memory_space<vmem_shared>> -> memref<125x64xbf16, #tpu.memory_space<vmem_shared>>
    tpu.wait_dma2 semaphore(%arg20 : memref<!tpu.dma_semaphore, #tpu.memory_space<semaphore_mem>>) src(%arg9 : memref<125x64xbf16, #tpu.memory_space<vmem>>) dst(%dma_wait3A_138 : memref<125x64xbf16, #tpu.memory_space<vmem_shared>>)
    %mul3A_139 = arith.constant 625 : i32
    %mul3A_140 = arith.muli %arg1, %mul3A_139 : i32
    %add3A_141 = arith.constant 250 : i32
    %add3A_142 = arith.addi %mul3A_140, %add3A_141 : i32
    %dma_wait3A_143 = arith.constant 0 : i32
    %dma_wait3A_144 = tpu.memref_slice %arg10[%add3A_142, %dma_wait3A_143] : memref<10000x64xbf16, #tpu.memory_space<vmem_shared>> -> memref<125x64xbf16, #tpu.memory_space<vmem_shared>>
    %dma_wait3A_145 = arith.constant 0 : i32
    %dma_wait3A_146 = tpu.memref_slice %arg10[%add3A_142, %dma_wait3A_145] : memref<10000x64xbf16, #tpu.memory_space<vmem_shared>> -> memref<125x64xbf16, #tpu.memory_space<vmem_shared>>
    tpu.wait_dma2 semaphore(%arg20 : memref<!tpu.dma_semaphore, #tpu.memory_space<semaphore_mem>>) src(%arg9 : memref<125x64xbf16, #tpu.memory_space<vmem>>) dst(%dma_wait3A_146 : memref<125x64xbf16, #tpu.memory_space<vmem_shared>>)
    %mul3A_147 = arith.constant 625 : i32
    %mul3A_148 = arith.muli %arg1, %mul3A_147 : i32
    %add3A_149 = arith.constant 375 : i32
    %add3A_150 = arith.addi %mul3A_148, %add3A_149 : i32
    %dma_wait3A_151 = arith.constant 0 : i32
    %dma_wait3A_152 = tpu.memref_slice %arg10[%add3A_150, %dma_wait3A_151] : memref<10000x64xbf16, #tpu.memory_space<vmem_shared>> -> memref<125x64xbf16, #tpu.memory_space<vmem_shared>>
    %dma_wait3A_153 = arith.constant 0 : i32
    %dma_wait3A_154 = tpu.memref_slice %arg10[%add3A_150, %dma_wait3A_153] : memref<10000x64xbf16, #tpu.memory_space<vmem_shared>> -> memref<125x64xbf16, #tpu.memory_space<vmem_shared>>
    tpu.wait_dma2 semaphore(%arg20 : memref<!tpu.dma_semaphore, #tpu.memory_space<semaphore_mem>>) src(%arg9 : memref<125x64xbf16, #tpu.memory_space<vmem>>) dst(%dma_wait3A_154 : memref<125x64xbf16, #tpu.memory_space<vmem_shared>>)
    %mul3A_155 = arith.constant 625 : i32
    %mul3A_156 = arith.muli %arg1, %mul3A_155 : i32
    %add3A_157 = arith.constant 500 : i32
    %add3A_158 = arith.addi %mul3A_156, %add3A_157 : i32
    %dma_wait3A_159 = arith.constant 0 : i32
    %dma_wait3A_160 = tpu.memref_slice %arg10[%add3A_158, %dma_wait3A_159] : memref<10000x64xbf16, #tpu.memory_space<vmem_shared>> -> memref<125x64xbf16, #tpu.memory_space<vmem_shared>>
    %dma_wait3A_161 = arith.constant 0 : i32
    %dma_wait3A_162 = tpu.memref_slice %arg10[%add3A_158, %dma_wait3A_161] : memref<10000x64xbf16, #tpu.memory_space<vmem_shared>> -> memref<125x64xbf16, #tpu.memory_space<vmem_shared>>
    tpu.wait_dma2 semaphore(%arg20 : memref<!tpu.dma_semaphore, #tpu.memory_space<semaphore_mem>>) src(%arg9 : memref<125x64xbf16, #tpu.memory_space<vmem>>) dst(%dma_wait3A_162 : memref<125x64xbf16, #tpu.memory_space<vmem_shared>>)
    %barrier3A = arith.constant 0 : index
    tpu.barrier barrier_id(%barrier3A)
    %scan3A = arith.constant 0 : i32
    %scan3A_163 = arith.constant 20 : i32
    %scan3A_164 = arith.addi %scan3A, %scan3A_163 : i32
    %scan3A_165 = arith.constant 1 : i32
    scf.for %scan3A_170 = %scan3A to %scan3A_164 step %scan3A_165  : i32 {
      %mul3A_171 = arith.constant 4 : i32
      %mul3A_172 = arith.muli %scan3A_170, %mul3A_171 : i32
      %add3A_173 = arith.constant 0 : i32
      %add3A_174 = arith.addi %add3A_173, %mul3A_172 : i32
      %add3A_175 = arith.constant 0 : i32
      %add3A_176 = arith.addi %add3A_174, %add3A_175 : i32
      %dma_wait3A_177 = arith.constant 0 : i32
      %dma_wait3A_178 = arith.constant 0 : i32
      %dma_wait3A_179 = arith.constant 0 : i32
      %dma_wait3A_180 = tpu.memref_slice %arg8[%dma_wait3A_177, %dma_wait3A_178, %dma_wait3A_179] : memref<4x125x64xbf16, #tpu.memory_space<vmem>> -> memref<1x125x64xbf16, #tpu.memory_space<vmem>>
      %dma_wait3A_181 = tpu.memref_squeeze %dma_wait3A_180 : memref<1x125x64xbf16, #tpu.memory_space<vmem>> -> memref<125x64xbf16, #tpu.memory_space<vmem>>
      %dma_wait3A_182 = arith.constant 0 : i32
      %dma_wait3A_183 = tpu.memref_slice %arg6[%add3A_176, %dma_wait3A_182] : memref<80x125xi32, #tpu.memory_space<vmem>> -> memref<1x125xi32, #tpu.memory_space<vmem>>
      %dma_wait3A_184 = tpu.memref_squeeze %dma_wait3A_183 : memref<1x125xi32, #tpu.memory_space<vmem>> -> memref<125xi32, #tpu.memory_space<vmem>>
      %dma_wait3A_185 = arith.constant 0 : i32
      %dma_wait3A_186 = arith.constant 0 : i32
      %dma_wait3A_187 = tpu.memref_slice %arg2[%dma_wait3A_185, %dma_wait3A_186] : memref<10000x64xbf16, #tpu.memory_space<hbm>> -> memref<10000x64xbf16, #tpu.memory_space<hbm>>
      tpu.wait_indirect_dma semaphore(%arg11 : memref<!tpu.dma_semaphore, #tpu.memory_space<semaphore_mem>>) src(%dma_wait3A_187 : memref<10000x64xbf16, #tpu.memory_space<hbm>>) dst(%dma_wait3A_181 : memref<125x64xbf16, #tpu.memory_space<vmem>>)
      %dma_start3A_188 = arith.constant 0 : i32
      %dma_start3A_189 = arith.constant 0 : i32
      %dma_start3A_190 = arith.constant 0 : i32
      %dma_start3A_191 = tpu.memref_slice %arg8[%dma_start3A_188, %dma_start3A_189, %dma_start3A_190] : memref<4x125x64xbf16, #tpu.memory_space<vmem>> -> memref<1x125x64xbf16, #tpu.memory_space<vmem>>
      %dma_start3A_192 = tpu.memref_squeeze %dma_start3A_191 : memref<1x125x64xbf16, #tpu.memory_space<vmem>> -> memref<125x64xbf16, #tpu.memory_space<vmem>>
      %dma_start3A_193 = arith.constant 0 : i32
      %dma_start3A_194 = tpu.memref_slice %arg7[%add3A_176, %dma_start3A_193] : memref<80x125xi32, #tpu.memory_space<vmem>> -> memref<1x125xi32, #tpu.memory_space<vmem>>
      %dma_start3A_195 = tpu.memref_squeeze %dma_start3A_194 : memref<1x125xi32, #tpu.memory_space<vmem>> -> memref<125xi32, #tpu.memory_space<vmem>>
      %dma_start3A_196 = arith.constant 0 : i32
      %dma_start3A_197 = arith.constant 0 : i32
      %dma_start3A_198 = tpu.memref_slice %arg10[%dma_start3A_196, %dma_start3A_197] : memref<10000x64xbf16, #tpu.memory_space<vmem_shared>> -> memref<10000x64xbf16, #tpu.memory_space<vmem_shared>>
      tpu.enqueue_indirect_dma source(%dma_start3A_192 : memref<125x64xbf16, #tpu.memory_space<vmem>>) target(%dma_start3A_198 : memref<10000x64xbf16, #tpu.memory_space<vmem_shared>>) offsets(%dma_start3A_195 : memref<125xi32, #tpu.memory_space<vmem>>) semaphore(%arg15 : memref<!tpu.dma_semaphore, #tpu.memory_space<semaphore_mem>>) {add = true}
      %dma_wait3A_199 = arith.constant 0 : i32
      %dma_wait3A_200 = arith.constant 0 : i32
      %dma_wait3A_201 = arith.constant 0 : i32
      %dma_wait3A_202 = tpu.memref_slice %arg8[%dma_wait3A_199, %dma_wait3A_200, %dma_wait3A_201] : memref<4x125x64xbf16, #tpu.memory_space<vmem>> -> memref<1x125x64xbf16, #tpu.memory_space<vmem>>
      %dma_wait3A_203 = tpu.memref_squeeze %dma_wait3A_202 : memref<1x125x64xbf16, #tpu.memory_space<vmem>> -> memref<125x64xbf16, #tpu.memory_space<vmem>>
      %dma_wait3A_204 = arith.constant 0 : i32
      %dma_wait3A_205 = tpu.memref_slice %arg7[%add3A_176, %dma_wait3A_204] : memref<80x125xi32, #tpu.memory_space<vmem>> -> memref<1x125xi32, #tpu.memory_space<vmem>>
      %dma_wait3A_206 = tpu.memref_squeeze %dma_wait3A_205 : memref<1x125xi32, #tpu.memory_space<vmem>> -> memref<125xi32, #tpu.memory_space<vmem>>
      %dma_wait3A_207 = arith.constant 0 : i32
      %dma_wait3A_208 = arith.constant 0 : i32
      %dma_wait3A_209 = tpu.memref_slice %arg10[%dma_wait3A_207, %dma_wait3A_208] : memref<10000x64xbf16, #tpu.memory_space<vmem_shared>> -> memref<10000x64xbf16, #tpu.memory_space<vmem_shared>>
      tpu.wait_indirect_dma semaphore(%arg15 : memref<!tpu.dma_semaphore, #tpu.memory_space<semaphore_mem>>) src(%dma_wait3A_203 : memref<125x64xbf16, #tpu.memory_space<vmem>>) dst(%dma_wait3A_209 : memref<10000x64xbf16, #tpu.memory_space<vmem_shared>>)
      %add3A_210 = arith.constant 4 : i32
      %add3A_211 = arith.addi %add3A_176, %add3A_210 : i32
      %lt3A = arith.constant 80 : i32
      %lt3A_212 = arith.cmpi slt, %add3A_211, %lt3A : i32
      %convert_element_type3A = arith.extui %lt3A_212 : i1 to i32
      %cond3A = arith.constant 0 : i32
      %cond3A_213 = arith.cmpi ne, %convert_element_type3A, %cond3A : i32
      scf.if %cond3A_213 {
        %add3A_340 = arith.constant 4 : i32
        %add3A_341 = arith.addi %add3A_176, %add3A_340 : i32
        %dma_start3A_342 = arith.constant 0 : i32
        %dma_start3A_343 = arith.constant 0 : i32
        %dma_start3A_344 = arith.constant 0 : i32
        %dma_start3A_345 = tpu.memref_slice %arg8[%dma_start3A_342, %dma_start3A_343, %dma_start3A_344] : memref<4x125x64xbf16, #tpu.memory_space<vmem>> -> memref<1x125x64xbf16, #tpu.memory_space<vmem>>
        %dma_start3A_346 = tpu.memref_squeeze %dma_start3A_345 : memref<1x125x64xbf16, #tpu.memory_space<vmem>> -> memref<125x64xbf16, #tpu.memory_space<vmem>>
        %dma_start3A_347 = arith.constant 0 : i32
        %dma_start3A_348 = tpu.memref_slice %arg6[%add3A_341, %dma_start3A_347] : memref<80x125xi32, #tpu.memory_space<vmem>> -> memref<1x125xi32, #tpu.memory_space<vmem>>
        %dma_start3A_349 = tpu.memref_squeeze %dma_start3A_348 : memref<1x125xi32, #tpu.memory_space<vmem>> -> memref<125xi32, #tpu.memory_space<vmem>>
        %dma_start3A_350 = arith.constant 0 : i32
        %dma_start3A_351 = arith.constant 0 : i32
        %dma_start3A_352 = tpu.memref_slice %arg2[%dma_start3A_350, %dma_start3A_351] : memref<10000x64xbf16, #tpu.memory_space<hbm>> -> memref<10000x64xbf16, #tpu.memory_space<hbm>>
        tpu.enqueue_indirect_dma source(%dma_start3A_352 : memref<10000x64xbf16, #tpu.memory_space<hbm>>) target(%dma_start3A_346 : memref<125x64xbf16, #tpu.memory_space<vmem>>) offsets(%dma_start3A_349 : memref<125xi32, #tpu.memory_space<vmem>>) semaphore(%arg11 : memref<!tpu.dma_semaphore, #tpu.memory_space<semaphore_mem>>)
      } else {
      }
      %add3A_214 = arith.constant 1 : i32
      %add3A_215 = arith.addi %add3A_174, %add3A_214 : i32
      %dma_wait3A_216 = arith.constant 1 : i32
      %dma_wait3A_217 = arith.constant 0 : i32
      %dma_wait3A_218 = arith.constant 0 : i32
      %dma_wait3A_219 = tpu.memref_slice %arg8[%dma_wait3A_216, %dma_wait3A_217, %dma_wait3A_218] : memref<4x125x64xbf16, #tpu.memory_space<vmem>> -> memref<1x125x64xbf16, #tpu.memory_space<vmem>>
      %dma_wait3A_220 = tpu.memref_squeeze %dma_wait3A_219 : memref<1x125x64xbf16, #tpu.memory_space<vmem>> -> memref<125x64xbf16, #tpu.memory_space<vmem>>
      %dma_wait3A_221 = arith.constant 0 : i32
      %dma_wait3A_222 = tpu.memref_slice %arg6[%add3A_215, %dma_wait3A_221] : memref<80x125xi32, #tpu.memory_space<vmem>> -> memref<1x125xi32, #tpu.memory_space<vmem>>
      %dma_wait3A_223 = tpu.memref_squeeze %dma_wait3A_222 : memref<1x125xi32, #tpu.memory_space<vmem>> -> memref<125xi32, #tpu.memory_space<vmem>>
      %dma_wait3A_224 = arith.constant 0 : i32
      %dma_wait3A_225 = arith.constant 0 : i32
      %dma_wait3A_226 = tpu.memref_slice %arg2[%dma_wait3A_224, %dma_wait3A_225] : memref<10000x64xbf16, #tpu.memory_space<hbm>> -> memref<10000x64xbf16, #tpu.memory_space<hbm>>
      tpu.wait_indirect_dma semaphore(%arg12 : memref<!tpu.dma_semaphore, #tpu.memory_space<semaphore_mem>>) src(%dma_wait3A_226 : memref<10000x64xbf16, #tpu.memory_space<hbm>>) dst(%dma_wait3A_220 : memref<125x64xbf16, #tpu.memory_space<vmem>>)
      %dma_start3A_227 = arith.constant 1 : i32
      %dma_start3A_228 = arith.constant 0 : i32
      %dma_start3A_229 = arith.constant 0 : i32
      %dma_start3A_230 = tpu.memref_slice %arg8[%dma_start3A_227, %dma_start3A_228, %dma_start3A_229] : memref<4x125x64xbf16, #tpu.memory_space<vmem>> -> memref<1x125x64xbf16, #tpu.memory_space<vmem>>
      %dma_start3A_231 = tpu.memref_squeeze %dma_start3A_230 : memref<1x125x64xbf16, #tpu.memory_space<vmem>> -> memref<125x64xbf16, #tpu.memory_space<vmem>>
      %dma_start3A_232 = arith.constant 0 : i32
      %dma_start3A_233 = tpu.memref_slice %arg7[%add3A_215, %dma_start3A_232] : memref<80x125xi32, #tpu.memory_space<vmem>> -> memref<1x125xi32, #tpu.memory_space<vmem>>
      %dma_start3A_234 = tpu.memref_squeeze %dma_start3A_233 : memref<1x125xi32, #tpu.memory_space<vmem>> -> memref<125xi32, #tpu.memory_space<vmem>>
      %dma_start3A_235 = arith.constant 0 : i32
      %dma_start3A_236 = arith.constant 0 : i32
      %dma_start3A_237 = tpu.memref_slice %arg10[%dma_start3A_235, %dma_start3A_236] : memref<10000x64xbf16, #tpu.memory_space<vmem_shared>> -> memref<10000x64xbf16, #tpu.memory_space<vmem_shared>>
      tpu.enqueue_indirect_dma source(%dma_start3A_231 : memref<125x64xbf16, #tpu.memory_space<vmem>>) target(%dma_start3A_237 : memref<10000x64xbf16, #tpu.memory_space<vmem_shared>>) offsets(%dma_start3A_234 : memref<125xi32, #tpu.memory_space<vmem>>) semaphore(%arg16 : memref<!tpu.dma_semaphore, #tpu.memory_space<semaphore_mem>>) {add = true}
      %dma_wait3A_238 = arith.constant 1 : i32
      %dma_wait3A_239 = arith.constant 0 : i32
      %dma_wait3A_240 = arith.constant 0 : i32
      %dma_wait3A_241 = tpu.memref_slice %arg8[%dma_wait3A_238, %dma_wait3A_239, %dma_wait3A_240] : memref<4x125x64xbf16, #tpu.memory_space<vmem>> -> memref<1x125x64xbf16, #tpu.memory_space<vmem>>
      %dma_wait3A_242 = tpu.memref_squeeze %dma_wait3A_241 : memref<1x125x64xbf16, #tpu.memory_space<vmem>> -> memref<125x64xbf16, #tpu.memory_space<vmem>>
      %dma_wait3A_243 = arith.constant 0 : i32
      %dma_wait3A_244 = tpu.memref_slice %arg7[%add3A_215, %dma_wait3A_243] : memref<80x125xi32, #tpu.memory_space<vmem>> -> memref<1x125xi32, #tpu.memory_space<vmem>>
      %dma_wait3A_245 = tpu.memref_squeeze %dma_wait3A_244 : memref<1x125xi32, #tpu.memory_space<vmem>> -> memref<125xi32, #tpu.memory_space<vmem>>
      %dma_wait3A_246 = arith.constant 0 : i32
      %dma_wait3A_247 = arith.constant 0 : i32
      %dma_wait3A_248 = tpu.memref_slice %arg10[%dma_wait3A_246, %dma_wait3A_247] : memref<10000x64xbf16, #tpu.memory_space<vmem_shared>> -> memref<10000x64xbf16, #tpu.memory_space<vmem_shared>>
      tpu.wait_indirect_dma semaphore(%arg16 : memref<!tpu.dma_semaphore, #tpu.memory_space<semaphore_mem>>) src(%dma_wait3A_242 : memref<125x64xbf16, #tpu.memory_space<vmem>>) dst(%dma_wait3A_248 : memref<10000x64xbf16, #tpu.memory_space<vmem_shared>>)
      %add3A_249 = arith.constant 4 : i32
      %add3A_250 = arith.addi %add3A_215, %add3A_249 : i32
      %lt3A_251 = arith.constant 80 : i32
      %lt3A_252 = arith.cmpi slt, %add3A_250, %lt3A_251 : i32
      %convert_element_type3A_253 = arith.extui %lt3A_252 : i1 to i32
      %cond3A_254 = arith.constant 0 : i32
      %cond3A_255 = arith.cmpi ne, %convert_element_type3A_253, %cond3A_254 : i32
      scf.if %cond3A_255 {
        %add3A_340 = arith.constant 4 : i32
        %add3A_341 = arith.addi %add3A_215, %add3A_340 : i32
        %dma_start3A_342 = arith.constant 1 : i32
        %dma_start3A_343 = arith.constant 0 : i32
        %dma_start3A_344 = arith.constant 0 : i32
        %dma_start3A_345 = tpu.memref_slice %arg8[%dma_start3A_342, %dma_start3A_343, %dma_start3A_344] : memref<4x125x64xbf16, #tpu.memory_space<vmem>> -> memref<1x125x64xbf16, #tpu.memory_space<vmem>>
        %dma_start3A_346 = tpu.memref_squeeze %dma_start3A_345 : memref<1x125x64xbf16, #tpu.memory_space<vmem>> -> memref<125x64xbf16, #tpu.memory_space<vmem>>
        %dma_start3A_347 = arith.constant 0 : i32
        %dma_start3A_348 = tpu.memref_slice %arg6[%add3A_341, %dma_start3A_347] : memref<80x125xi32, #tpu.memory_space<vmem>> -> memref<1x125xi32, #tpu.memory_space<vmem>>
        %dma_start3A_349 = tpu.memref_squeeze %dma_start3A_348 : memref<1x125xi32, #tpu.memory_space<vmem>> -> memref<125xi32, #tpu.memory_space<vmem>>
        %dma_start3A_350 = arith.constant 0 : i32
        %dma_start3A_351 = arith.constant 0 : i32
        %dma_start3A_352 = tpu.memref_slice %arg2[%dma_start3A_350, %dma_start3A_351] : memref<10000x64xbf16, #tpu.memory_space<hbm>> -> memref<10000x64xbf16, #tpu.memory_space<hbm>>
        tpu.enqueue_indirect_dma source(%dma_start3A_352 : memref<10000x64xbf16, #tpu.memory_space<hbm>>) target(%dma_start3A_346 : memref<125x64xbf16, #tpu.memory_space<vmem>>) offsets(%dma_start3A_349 : memref<125xi32, #tpu.memory_space<vmem>>) semaphore(%arg12 : memref<!tpu.dma_semaphore, #tpu.memory_space<semaphore_mem>>)
      } else {
      }
      %add3A_256 = arith.constant 2 : i32
      %add3A_257 = arith.addi %add3A_174, %add3A_256 : i32
      %dma_wait3A_258 = arith.constant 2 : i32
      %dma_wait3A_259 = arith.constant 0 : i32
      %dma_wait3A_260 = arith.constant 0 : i32
      %dma_wait3A_261 = tpu.memref_slice %arg8[%dma_wait3A_258, %dma_wait3A_259, %dma_wait3A_260] : memref<4x125x64xbf16, #tpu.memory_space<vmem>> -> memref<1x125x64xbf16, #tpu.memory_space<vmem>>
      %dma_wait3A_262 = tpu.memref_squeeze %dma_wait3A_261 : memref<1x125x64xbf16, #tpu.memory_space<vmem>> -> memref<125x64xbf16, #tpu.memory_space<vmem>>
      %dma_wait3A_263 = arith.constant 0 : i32
      %dma_wait3A_264 = tpu.memref_slice %arg6[%add3A_257, %dma_wait3A_263] : memref<80x125xi32, #tpu.memory_space<vmem>> -> memref<1x125xi32, #tpu.memory_space<vmem>>
      %dma_wait3A_265 = tpu.memref_squeeze %dma_wait3A_264 : memref<1x125xi32, #tpu.memory_space<vmem>> -> memref<125xi32, #tpu.memory_space<vmem>>
      %dma_wait3A_266 = arith.constant 0 : i32
      %dma_wait3A_267 = arith.constant 0 : i32
      %dma_wait3A_268 = tpu.memref_slice %arg2[%dma_wait3A_266, %dma_wait3A_267] : memref<10000x64xbf16, #tpu.memory_space<hbm>> -> memref<10000x64xbf16, #tpu.memory_space<hbm>>
      tpu.wait_indirect_dma semaphore(%arg13 : memref<!tpu.dma_semaphore, #tpu.memory_space<semaphore_mem>>) src(%dma_wait3A_268 : memref<10000x64xbf16, #tpu.memory_space<hbm>>) dst(%dma_wait3A_262 : memref<125x64xbf16, #tpu.memory_space<vmem>>)
      %dma_start3A_269 = arith.constant 2 : i32
      %dma_start3A_270 = arith.constant 0 : i32
      %dma_start3A_271 = arith.constant 0 : i32
      %dma_start3A_272 = tpu.memref_slice %arg8[%dma_start3A_269, %dma_start3A_270, %dma_start3A_271] : memref<4x125x64xbf16, #tpu.memory_space<vmem>> -> memref<1x125x64xbf16, #tpu.memory_space<vmem>>
      %dma_start3A_273 = tpu.memref_squeeze %dma_start3A_272 : memref<1x125x64xbf16, #tpu.memory_space<vmem>> -> memref<125x64xbf16, #tpu.memory_space<vmem>>
      %dma_start3A_274 = arith.constant 0 : i32
      %dma_start3A_275 = tpu.memref_slice %arg7[%add3A_257, %dma_start3A_274] : memref<80x125xi32, #tpu.memory_space<vmem>> -> memref<1x125xi32, #tpu.memory_space<vmem>>
      %dma_start3A_276 = tpu.memref_squeeze %dma_start3A_275 : memref<1x125xi32, #tpu.memory_space<vmem>> -> memref<125xi32, #tpu.memory_space<vmem>>
      %dma_start3A_277 = arith.constant 0 : i32
      %dma_start3A_278 = arith.constant 0 : i32
      %dma_start3A_279 = tpu.memref_slice %arg10[%dma_start3A_277, %dma_start3A_278] : memref<10000x64xbf16, #tpu.memory_space<vmem_shared>> -> memref<10000x64xbf16, #tpu.memory_space<vmem_shared>>
      tpu.enqueue_indirect_dma source(%dma_start3A_273 : memref<125x64xbf16, #tpu.memory_space<vmem>>) target(%dma_start3A_279 : memref<10000x64xbf16, #tpu.memory_space<vmem_shared>>) offsets(%dma_start3A_276 : memref<125xi32, #tpu.memory_space<vmem>>) semaphore(%arg17 : memref<!tpu.dma_semaphore, #tpu.memory_space<semaphore_mem>>) {add = true}
      %dma_wait3A_280 = arith.constant 2 : i32
      %dma_wait3A_281 = arith.constant 0 : i32
      %dma_wait3A_282 = arith.constant 0 : i32
      %dma_wait3A_283 = tpu.memref_slice %arg8[%dma_wait3A_280, %dma_wait3A_281, %dma_wait3A_282] : memref<4x125x64xbf16, #tpu.memory_space<vmem>> -> memref<1x125x64xbf16, #tpu.memory_space<vmem>>
      %dma_wait3A_284 = tpu.memref_squeeze %dma_wait3A_283 : memref<1x125x64xbf16, #tpu.memory_space<vmem>> -> memref<125x64xbf16, #tpu.memory_space<vmem>>
      %dma_wait3A_285 = arith.constant 0 : i32
      %dma_wait3A_286 = tpu.memref_slice %arg7[%add3A_257, %dma_wait3A_285] : memref<80x125xi32, #tpu.memory_space<vmem>> -> memref<1x125xi32, #tpu.memory_space<vmem>>
      %dma_wait3A_287 = tpu.memref_squeeze %dma_wait3A_286 : memref<1x125xi32, #tpu.memory_space<vmem>> -> memref<125xi32, #tpu.memory_space<vmem>>
      %dma_wait3A_288 = arith.constant 0 : i32
      %dma_wait3A_289 = arith.constant 0 : i32
      %dma_wait3A_290 = tpu.memref_slice %arg10[%dma_wait3A_288, %dma_wait3A_289] : memref<10000x64xbf16, #tpu.memory_space<vmem_shared>> -> memref<10000x64xbf16, #tpu.memory_space<vmem_shared>>
      tpu.wait_indirect_dma semaphore(%arg17 : memref<!tpu.dma_semaphore, #tpu.memory_space<semaphore_mem>>) src(%dma_wait3A_284 : memref<125x64xbf16, #tpu.memory_space<vmem>>) dst(%dma_wait3A_290 : memref<10000x64xbf16, #tpu.memory_space<vmem_shared>>)
      %add3A_291 = arith.constant 4 : i32
      %add3A_292 = arith.addi %add3A_257, %add3A_291 : i32
      %lt3A_293 = arith.constant 80 : i32
      %lt3A_294 = arith.cmpi slt, %add3A_292, %lt3A_293 : i32
      %convert_element_type3A_295 = arith.extui %lt3A_294 : i1 to i32
      %cond3A_296 = arith.constant 0 : i32
      %cond3A_297 = arith.cmpi ne, %convert_element_type3A_295, %cond3A_296 : i32
      scf.if %cond3A_297 {
        %add3A_340 = arith.constant 4 : i32
        %add3A_341 = arith.addi %add3A_257, %add3A_340 : i32
        %dma_start3A_342 = arith.constant 2 : i32
        %dma_start3A_343 = arith.constant 0 : i32
        %dma_start3A_344 = arith.constant 0 : i32
        %dma_start3A_345 = tpu.memref_slice %arg8[%dma_start3A_342, %dma_start3A_343, %dma_start3A_344] : memref<4x125x64xbf16, #tpu.memory_space<vmem>> -> memref<1x125x64xbf16, #tpu.memory_space<vmem>>
        %dma_start3A_346 = tpu.memref_squeeze %dma_start3A_345 : memref<1x125x64xbf16, #tpu.memory_space<vmem>> -> memref<125x64xbf16, #tpu.memory_space<vmem>>
        %dma_start3A_347 = arith.constant 0 : i32
        %dma_start3A_348 = tpu.memref_slice %arg6[%add3A_341, %dma_start3A_347] : memref<80x125xi32, #tpu.memory_space<vmem>> -> memref<1x125xi32, #tpu.memory_space<vmem>>
        %dma_start3A_349 = tpu.memref_squeeze %dma_start3A_348 : memref<1x125xi32, #tpu.memory_space<vmem>> -> memref<125xi32, #tpu.memory_space<vmem>>
        %dma_start3A_350 = arith.constant 0 : i32
        %dma_start3A_351 = arith.constant 0 : i32
        %dma_start3A_352 = tpu.memref_slice %arg2[%dma_start3A_350, %dma_start3A_351] : memref<10000x64xbf16, #tpu.memory_space<hbm>> -> memref<10000x64xbf16, #tpu.memory_space<hbm>>
        tpu.enqueue_indirect_dma source(%dma_start3A_352 : memref<10000x64xbf16, #tpu.memory_space<hbm>>) target(%dma_start3A_346 : memref<125x64xbf16, #tpu.memory_space<vmem>>) offsets(%dma_start3A_349 : memref<125xi32, #tpu.memory_space<vmem>>) semaphore(%arg13 : memref<!tpu.dma_semaphore, #tpu.memory_space<semaphore_mem>>)
      } else {
      }
      %add3A_298 = arith.constant 3 : i32
      %add3A_299 = arith.addi %add3A_174, %add3A_298 : i32
      %dma_wait3A_300 = arith.constant 3 : i32
      %dma_wait3A_301 = arith.constant 0 : i32
      %dma_wait3A_302 = arith.constant 0 : i32
      %dma_wait3A_303 = tpu.memref_slice %arg8[%dma_wait3A_300, %dma_wait3A_301, %dma_wait3A_302] : memref<4x125x64xbf16, #tpu.memory_space<vmem>> -> memref<1x125x64xbf16, #tpu.memory_space<vmem>>
      %dma_wait3A_304 = tpu.memref_squeeze %dma_wait3A_303 : memref<1x125x64xbf16, #tpu.memory_space<vmem>> -> memref<125x64xbf16, #tpu.memory_space<vmem>>
      %dma_wait3A_305 = arith.constant 0 : i32
      %dma_wait3A_306 = tpu.memref_slice %arg6[%add3A_299, %dma_wait3A_305] : memref<80x125xi32, #tpu.memory_space<vmem>> -> memref<1x125xi32, #tpu.memory_space<vmem>>
      %dma_wait3A_307 = tpu.memref_squeeze %dma_wait3A_306 : memref<1x125xi32, #tpu.memory_space<vmem>> -> memref<125xi32, #tpu.memory_space<vmem>>
      %dma_wait3A_308 = arith.constant 0 : i32
      %dma_wait3A_309 = arith.constant 0 : i32
      %dma_wait3A_310 = tpu.memref_slice %arg2[%dma_wait3A_308, %dma_wait3A_309] : memref<10000x64xbf16, #tpu.memory_space<hbm>> -> memref<10000x64xbf16, #tpu.memory_space<hbm>>
      tpu.wait_indirect_dma semaphore(%arg14 : memref<!tpu.dma_semaphore, #tpu.memory_space<semaphore_mem>>) src(%dma_wait3A_310 : memref<10000x64xbf16, #tpu.memory_space<hbm>>) dst(%dma_wait3A_304 : memref<125x64xbf16, #tpu.memory_space<vmem>>)
      %dma_start3A_311 = arith.constant 3 : i32
      %dma_start3A_312 = arith.constant 0 : i32
      %dma_start3A_313 = arith.constant 0 : i32
      %dma_start3A_314 = tpu.memref_slice %arg8[%dma_start3A_311, %dma_start3A_312, %dma_start3A_313] : memref<4x125x64xbf16, #tpu.memory_space<vmem>> -> memref<1x125x64xbf16, #tpu.memory_space<vmem>>
      %dma_start3A_315 = tpu.memref_squeeze %dma_start3A_314 : memref<1x125x64xbf16, #tpu.memory_space<vmem>> -> memref<125x64xbf16, #tpu.memory_space<vmem>>
      %dma_start3A_316 = arith.constant 0 : i32
      %dma_start3A_317 = tpu.memref_slice %arg7[%add3A_299, %dma_start3A_316] : memref<80x125xi32, #tpu.memory_space<vmem>> -> memref<1x125xi32, #tpu.memory_space<vmem>>
      %dma_start3A_318 = tpu.memref_squeeze %dma_start3A_317 : memref<1x125xi32, #tpu.memory_space<vmem>> -> memref<125xi32, #tpu.memory_space<vmem>>
      %dma_start3A_319 = arith.constant 0 : i32
      %dma_start3A_320 = arith.constant 0 : i32
      %dma_start3A_321 = tpu.memref_slice %arg10[%dma_start3A_319, %dma_start3A_320] : memref<10000x64xbf16, #tpu.memory_space<vmem_shared>> -> memref<10000x64xbf16, #tpu.memory_space<vmem_shared>>
      tpu.enqueue_indirect_dma source(%dma_start3A_315 : memref<125x64xbf16, #tpu.memory_space<vmem>>) target(%dma_start3A_321 : memref<10000x64xbf16, #tpu.memory_space<vmem_shared>>) offsets(%dma_start3A_318 : memref<125xi32, #tpu.memory_space<vmem>>) semaphore(%arg18 : memref<!tpu.dma_semaphore, #tpu.memory_space<semaphore_mem>>) {add = true}
      %dma_wait3A_322 = arith.constant 3 : i32
      %dma_wait3A_323 = arith.constant 0 : i32
      %dma_wait3A_324 = arith.constant 0 : i32
      %dma_wait3A_325 = tpu.memref_slice %arg8[%dma_wait3A_322, %dma_wait3A_323, %dma_wait3A_324] : memref<4x125x64xbf16, #tpu.memory_space<vmem>> -> memref<1x125x64xbf16, #tpu.memory_space<vmem>>
      %dma_wait3A_326 = tpu.memref_squeeze %dma_wait3A_325 : memref<1x125x64xbf16, #tpu.memory_space<vmem>> -> memref<125x64xbf16, #tpu.memory_space<vmem>>
      %dma_wait3A_327 = arith.constant 0 : i32
      %dma_wait3A_328 = tpu.memref_slice %arg7[%add3A_299, %dma_wait3A_327] : memref<80x125xi32, #tpu.memory_space<vmem>> -> memref<1x125xi32, #tpu.memory_space<vmem>>
      %dma_wait3A_329 = tpu.memref_squeeze %dma_wait3A_328 : memref<1x125xi32, #tpu.memory_space<vmem>> -> memref<125xi32, #tpu.memory_space<vmem>>
      %dma_wait3A_330 = arith.constant 0 : i32
      %dma_wait3A_331 = arith.constant 0 : i32
      %dma_wait3A_332 = tpu.memref_slice %arg10[%dma_wait3A_330, %dma_wait3A_331] : memref<10000x64xbf16, #tpu.memory_space<vmem_shared>> -> memref<10000x64xbf16, #tpu.memory_space<vmem_shared>>
      tpu.wait_indirect_dma semaphore(%arg18 : memref<!tpu.dma_semaphore, #tpu.memory_space<semaphore_mem>>) src(%dma_wait3A_326 : memref<125x64xbf16, #tpu.memory_space<vmem>>) dst(%dma_wait3A_332 : memref<10000x64xbf16, #tpu.memory_space<vmem_shared>>)
      %add3A_333 = arith.constant 4 : i32
      %add3A_334 = arith.addi %add3A_299, %add3A_333 : i32
      %lt3A_335 = arith.constant 80 : i32
      %lt3A_336 = arith.cmpi slt, %add3A_334, %lt3A_335 : i32
      %convert_element_type3A_337 = arith.extui %lt3A_336 : i1 to i32
      %cond3A_338 = arith.constant 0 : i32
      %cond3A_339 = arith.cmpi ne, %convert_element_type3A_337, %cond3A_338 : i32
      scf.if %cond3A_339 {
        %add3A_340 = arith.constant 4 : i32
        %add3A_341 = arith.addi %add3A_299, %add3A_340 : i32
        %dma_start3A_342 = arith.constant 3 : i32
        %dma_start3A_343 = arith.constant 0 : i32
        %dma_start3A_344 = arith.constant 0 : i32
        %dma_start3A_345 = tpu.memref_slice %arg8[%dma_start3A_342, %dma_start3A_343, %dma_start3A_344] : memref<4x125x64xbf16, #tpu.memory_space<vmem>> -> memref<1x125x64xbf16, #tpu.memory_space<vmem>>
        %dma_start3A_346 = tpu.memref_squeeze %dma_start3A_345 : memref<1x125x64xbf16, #tpu.memory_space<vmem>> -> memref<125x64xbf16, #tpu.memory_space<vmem>>
        %dma_start3A_347 = arith.constant 0 : i32
        %dma_start3A_348 = tpu.memref_slice %arg6[%add3A_341, %dma_start3A_347] : memref<80x125xi32, #tpu.memory_space<vmem>> -> memref<1x125xi32, #tpu.memory_space<vmem>>
        %dma_start3A_349 = tpu.memref_squeeze %dma_start3A_348 : memref<1x125xi32, #tpu.memory_space<vmem>> -> memref<125xi32, #tpu.memory_space<vmem>>
        %dma_start3A_350 = arith.constant 0 : i32
        %dma_start3A_351 = arith.constant 0 : i32
        %dma_start3A_352 = tpu.memref_slice %arg2[%dma_start3A_350, %dma_start3A_351] : memref<10000x64xbf16, #tpu.memory_space<hbm>> -> memref<10000x64xbf16, #tpu.memory_space<hbm>>
        tpu.enqueue_indirect_dma source(%dma_start3A_352 : memref<10000x64xbf16, #tpu.memory_space<hbm>>) target(%dma_start3A_346 : memref<125x64xbf16, #tpu.memory_space<vmem>>) offsets(%dma_start3A_349 : memref<125xi32, #tpu.memory_space<vmem>>) semaphore(%arg14 : memref<!tpu.dma_semaphore, #tpu.memory_space<semaphore_mem>>)
      } else {
      }
    }
    %scan3A_166 = arith.constant 20 : i32
    %barrier3A_167 = arith.constant 0 : index
    tpu.barrier barrier_id(%barrier3A_167)
    %mul3A_168 = arith.constant 625 : i32
    %mul3A_169 = arith.muli %arg1, %mul3A_168 : i32
    "tpu.region"() ({
      %run_scoped3A = tpu.sem_alloc : memref<!tpu.dma_semaphore, #tpu.memory_space<semaphore_mem>>
      %dma_start3A_170 = arith.constant 0 : i32
      %dma_start3A_171 = arith.constant 0 : i32
      %dma_start3A_172 = tpu.memref_slice %arg5[%add3A, %dma_start3A_170, %dma_start3A_171] : memref<32x625x64xbf16, #tpu.memory_space<hbm>> -> memref<1x625x64xbf16, #tpu.memory_space<hbm>>
      %dma_start3A_173 = tpu.memref_squeeze %dma_start3A_172 : memref<1x625x64xbf16, #tpu.memory_space<hbm>> -> memref<625x64xbf16, #tpu.memory_space<hbm>>
      %dma_start3A_174 = arith.constant 0 : i32
      %dma_start3A_175 = tpu.memref_slice %arg10[%mul3A_169, %dma_start3A_174] : memref<10000x64xbf16, #tpu.memory_space<vmem_shared>> -> memref<625x64xbf16, #tpu.memory_space<vmem_shared>>
      tpu.enqueue_dma source(%dma_start3A_175 : memref<625x64xbf16, #tpu.memory_space<vmem_shared>>) target(%dma_start3A_173 : memref<625x64xbf16, #tpu.memory_space<hbm>>) target_semaphore(%run_scoped3A : memref<!tpu.dma_semaphore, #tpu.memory_space<semaphore_mem>>)
      %dma_wait3A_176 = arith.constant 0 : i32
      %dma_wait3A_177 = arith.constant 0 : i32
      %dma_wait3A_178 = tpu.memref_slice %arg5[%add3A, %dma_wait3A_176, %dma_wait3A_177] : memref<32x625x64xbf16, #tpu.memory_space<hbm>> -> memref<1x625x64xbf16, #tpu.memory_space<hbm>>
      %dma_wait3A_179 = tpu.memref_squeeze %dma_wait3A_178 : memref<1x625x64xbf16, #tpu.memory_space<hbm>> -> memref<625x64xbf16, #tpu.memory_space<hbm>>
      %dma_wait3A_180 = arith.constant 0 : i32
      %dma_wait3A_181 = tpu.memref_slice %arg10[%mul3A_169, %dma_wait3A_180] : memref<10000x64xbf16, #tpu.memory_space<vmem_shared>> -> memref<625x64xbf16, #tpu.memory_space<vmem_shared>>
      tpu.wait_dma2 semaphore(%run_scoped3A : memref<!tpu.dma_semaphore, #tpu.memory_space<semaphore_mem>>) src(%dma_wait3A_181 : memref<625x64xbf16, #tpu.memory_space<vmem_shared>>) dst(%dma_wait3A_179 : memref<625x64xbf16, #tpu.memory_space<hbm>>)
      tpu.yield
    }) : () -> ()
    return
  }
}

module attributes {stable_mosaic.version = 14 : i64} {
  func.func @body(%arg0: i32, %arg1: memref<2000x128xf32, #tpu.memory_space<vmem>>, %arg2: memref<128x64xf32, #tpu.memory_space<vmem>>, %arg3: memref<2x2000x16xf32, #tpu.memory_space<vmem>>, %arg4: memref<2000x64xbf16, #tpu.memory_space<vmem>>, %arg5: memref<2000x1xf32, #tpu.memory_space<vmem>>) attributes {dimension_semantics = [#tpu.dimension_semantics<arbitrary>], iteration_bounds = array<i64: 5>, scalar_prefetch = 0 : i64, scratch_operands = 0 : i64, tpu.core_type = #tpu.core_type<tc>, window_params = [{transform_indices = @transform_0, window_bounds = array<i64: 2000, 128>}, {pipeline_mode = #tpu.pipeline_mode<synchronous>, transform_indices = @transform_1, window_bounds = array<i64: 128, 64>}, {transform_indices = @transform_2, window_bounds = array<i64: 2, 2000, 16>}, {transform_indices = @transform_3, window_bounds = array<i64: 2000, 64>}, {transform_indices = @transform_4, window_bounds = array<i64: 2000, 1>}]} {
    %get3A = arith.constant 0 : index
    %get3A_0 = arith.constant 0 : index
    %get3A_1 = arith.constant 0 : index
    %get3A_2 = vector.load %arg3[%get3A, %get3A_0, %get3A_1] : memref<2x2000x16xf32, #tpu.memory_space<vmem>>, vector<1x2000x1xf32>
    %get3A_3 = vector.shape_cast %get3A_2 : vector<1x2000x1xf32> to vector<2000x1xf32>
    %get3A_4 = arith.constant 1 : index
    %get3A_5 = arith.constant 0 : index
    %get3A_6 = arith.constant 0 : index
    %get3A_7 = vector.load %arg3[%get3A_4, %get3A_5, %get3A_6] : memref<2x2000x16xf32, #tpu.memory_space<vmem>>, vector<1x2000x1xf32>
    %get3A_8 = vector.shape_cast %get3A_7 : vector<1x2000x1xf32> to vector<2000x1xf32>
    %add3A = arith.addf %get3A_3, %get3A_8 : vector<2000x1xf32>
    %add3A_9 = arith.constant 1.000000e+00 : f32
    %add3A_10 = vector.broadcast %add3A_9 : f32 to vector<2000x1xf32>
    %add3A_11 = arith.addf %add3A, %add3A_10 : vector<2000x1xf32>
    %rsqrt3A = math.rsqrt %add3A_11 : vector<2000x1xf32>
    %swap3A = arith.constant 0 : index
    %swap3A_12 = arith.constant 0 : index
    %swap3A_13 = vector.load %arg5[%swap3A, %swap3A_12] : memref<2000x1xf32, #tpu.memory_space<vmem>>, vector<2000x1xf32>
    tpu.vector_store %arg5[%swap3A, %swap3A_12], %rsqrt3A {strides = array<i32>} : memref<2000x1xf32, #tpu.memory_space<vmem>>, vector<2000x1xf32>,
    %get3A_14 = arith.constant 0 : index
    %get3A_15 = arith.constant 0 : index
    %get3A_16 = vector.load %arg1[%get3A_14, %get3A_15] : memref<2000x128xf32, #tpu.memory_space<vmem>>, vector<2000x128xf32>
    %get3A_17 = arith.constant 0 : index
    %get3A_18 = arith.constant 0 : index
    %get3A_19 = vector.load %arg2[%get3A_17, %get3A_18] : memref<128x64xf32, #tpu.memory_space<vmem>>, vector<128x64xf32>
    %dot_general3A = arith.constant dense<0.000000e+00> : vector<2000x64xf32>
    %dot_general3A_20 = tpu.matmul %get3A_16, %get3A_19, %dot_general3A {dimension_numbers = #tpu.dot_dimension_numbers<[1], [0], [0], [1], [0, 0, 1, 1], [], []>, transpose_lhs_hint = false} : vector<2000x128xf32>, vector<128x64xf32>, vector<2000x64xf32> -> vector<2000x64xf32>
    %mul3A = vector.broadcast %rsqrt3A : vector<2000x1xf32> to vector<2000x64xf32>
    %mul3A_21 = arith.mulf %dot_general3A_20, %mul3A : vector<2000x64xf32>
    %convert_element_type3A = arith.truncf %mul3A_21 : vector<2000x64xf32> to vector<2000x64xbf16>
    %swap3A_22 = arith.constant 0 : index
    %swap3A_23 = arith.constant 0 : index
    %swap3A_24 = vector.load %arg4[%swap3A_22, %swap3A_23] : memref<2000x64xbf16, #tpu.memory_space<vmem>>, vector<2000x64xbf16>
    tpu.vector_store %arg4[%swap3A_22, %swap3A_23], %convert_element_type3A {strides = array<i32>} : memref<2000x64xbf16, #tpu.memory_space<vmem>>, vector<2000x64xbf16>,
    return
  }
  func.func @transform_0(%arg0: i32) -> (i32, i32) {
    %c0_i32 = arith.constant 0 : i32
    %c0_i32_0 = arith.constant 0 : i32
    return %arg0, %c0_i32 : i32, i32
  }
  func.func @transform_1(%arg0: i32) -> (i32, i32) {
    %c0_i32 = arith.constant 0 : i32
    %c0_i32_0 = arith.constant 0 : i32
    %c0_i32_1 = arith.constant 0 : i32
    return %c0_i32, %c0_i32_0 : i32, i32
  }
  func.func @transform_2(%arg0: i32) -> (i32, i32, i32) {
    %c0_i32 = arith.constant 0 : i32
    %c0_i32_0 = arith.constant 0 : i32
    %c0_i32_1 = arith.constant 0 : i32
    return %c0_i32, %arg0, %c0_i32_0 : i32, i32, i32
  }
  func.func @transform_3(%arg0: i32) -> (i32, i32) {
    %c0_i32 = arith.constant 0 : i32
    %c0_i32_0 = arith.constant 0 : i32
    return %arg0, %c0_i32 : i32, i32
  }
  func.func @transform_4(%arg0: i32) -> (i32, i32) {
    %c0_i32 = arith.constant 0 : i32
    %c0_i32_0 = arith.constant 0 : i32
    return %arg0, %c0_i32 : i32, i32
  }
}

module attributes {stable_mosaic.version = 14 : i64} {
  func.func @body(%arg0: i32, %arg1: memref<2x2000x64xbf16, #tpu.memory_space<vmem>>, %arg2: memref<2000x64xbf16, #tpu.memory_space<vmem>>, %arg3: memref<2000x1xf32, #tpu.memory_space<vmem>>, %arg4: memref<1x64xf32, #tpu.memory_space<vmem>>, %arg5: memref<64x64xf32, #tpu.memory_space<vmem>>, %arg6: memref<2000x64xbf16, #tpu.memory_space<vmem>>) attributes {dimension_semantics = [#tpu.dimension_semantics<arbitrary>], iteration_bounds = array<i64: 5>, scalar_prefetch = 0 : i64, scratch_operands = 0 : i64, tpu.core_type = #tpu.core_type<tc>, window_params = [{transform_indices = @transform_0, window_bounds = array<i64: 2, 2000, 64>}, {transform_indices = @transform_1, window_bounds = array<i64: 2000, 64>}, {transform_indices = @transform_2, window_bounds = array<i64: 2000, 1>}, {pipeline_mode = #tpu.pipeline_mode<synchronous>, transform_indices = @transform_3, window_bounds = array<i64: 1, 64>}, {pipeline_mode = #tpu.pipeline_mode<synchronous>, transform_indices = @transform_4, window_bounds = array<i64: 64, 64>}, {transform_indices = @transform_5, window_bounds = array<i64: 2000, 64>}]} {
    %get3A = arith.constant 0 : index
    %get3A_0 = arith.constant 0 : index
    %get3A_1 = arith.constant 0 : index
    %get3A_2 = vector.load %arg1[%get3A, %get3A_0, %get3A_1] : memref<2x2000x64xbf16, #tpu.memory_space<vmem>>, vector<1x2000x64xbf16>
    %get3A_3 = vector.shape_cast %get3A_2 : vector<1x2000x64xbf16> to vector<2000x64xbf16>
    %convert_element_type3A = arith.extf %get3A_3 : vector<2000x64xbf16> to vector<2000x64xf32>
    %get3A_4 = arith.constant 1 : index
    %get3A_5 = arith.constant 0 : index
    %get3A_6 = arith.constant 0 : index
    %get3A_7 = vector.load %arg1[%get3A_4, %get3A_5, %get3A_6] : memref<2x2000x64xbf16, #tpu.memory_space<vmem>>, vector<1x2000x64xbf16>
    %get3A_8 = vector.shape_cast %get3A_7 : vector<1x2000x64xbf16> to vector<2000x64xbf16>
    %convert_element_type3A_9 = arith.extf %get3A_8 : vector<2000x64xbf16> to vector<2000x64xf32>
    %add3A = arith.addf %convert_element_type3A, %convert_element_type3A_9 : vector<2000x64xf32>
    %get3A_10 = arith.constant 0 : index
    %get3A_11 = arith.constant 0 : index
    %get3A_12 = vector.load %arg2[%get3A_10, %get3A_11] : memref<2000x64xbf16, #tpu.memory_space<vmem>>, vector<2000x64xbf16>
    %convert_element_type3A_13 = arith.extf %get3A_12 : vector<2000x64xbf16> to vector<2000x64xf32>
    %add3A_14 = arith.addf %add3A, %convert_element_type3A_13 : vector<2000x64xf32>
    %get3A_15 = arith.constant 0 : index
    %get3A_16 = arith.constant 0 : index
    %get3A_17 = vector.load %arg3[%get3A_15, %get3A_16] : memref<2000x1xf32, #tpu.memory_space<vmem>>, vector<2000x1xf32>
    %mul3A = vector.broadcast %get3A_17 : vector<2000x1xf32> to vector<2000x64xf32>
    %mul3A_18 = arith.mulf %mul3A, %add3A_14 : vector<2000x64xf32>
    %get3A_19 = arith.constant 0 : index
    %get3A_20 = arith.constant 0 : index
    %get3A_21 = vector.load %arg4[%get3A_19, %get3A_20] : memref<1x64xf32, #tpu.memory_space<vmem>>, vector<1x64xf32>
    %add3A_22 = vector.broadcast %get3A_21 : vector<1x64xf32> to vector<2000x64xf32>
    %add3A_23 = arith.addf %mul3A_18, %add3A_22 : vector<2000x64xf32>
    %max3A = arith.constant 0.000000e+00 : f32
    %max3A_24 = vector.broadcast %max3A : f32 to vector<2000x64xf32>
    %max3A_25 = arith.maximumf %add3A_23, %max3A_24 : vector<2000x64xf32>
    %get3A_26 = arith.constant 0 : index
    %get3A_27 = arith.constant 0 : index
    %get3A_28 = vector.load %arg5[%get3A_26, %get3A_27] : memref<64x64xf32, #tpu.memory_space<vmem>>, vector<64x64xf32>
    %dot_general3A = arith.constant dense<0.000000e+00> : vector<2000x64xf32>
    %dot_general3A_29 = tpu.matmul %max3A_25, %get3A_28, %dot_general3A {dimension_numbers = #tpu.dot_dimension_numbers<[1], [0], [0], [1], [0, 0, 1, 1], [], []>, transpose_lhs_hint = false} : vector<2000x64xf32>, vector<64x64xf32>, vector<2000x64xf32> -> vector<2000x64xf32>
    %get3A_30 = arith.constant 0 : index
    %get3A_31 = arith.constant 0 : index
    %get3A_32 = vector.load %arg3[%get3A_30, %get3A_31] : memref<2000x1xf32, #tpu.memory_space<vmem>>, vector<2000x1xf32>
    %mul3A_33 = vector.broadcast %get3A_32 : vector<2000x1xf32> to vector<2000x64xf32>
    %mul3A_34 = arith.mulf %dot_general3A_29, %mul3A_33 : vector<2000x64xf32>
    %convert_element_type3A_35 = arith.truncf %mul3A_34 : vector<2000x64xf32> to vector<2000x64xbf16>
    %swap3A = arith.constant 0 : index
    %swap3A_36 = arith.constant 0 : index
    %swap3A_37 = vector.load %arg6[%swap3A, %swap3A_36] : memref<2000x64xbf16, #tpu.memory_space<vmem>>, vector<2000x64xbf16>
    tpu.vector_store %arg6[%swap3A, %swap3A_36], %convert_element_type3A_35 {strides = array<i32>} : memref<2000x64xbf16, #tpu.memory_space<vmem>>, vector<2000x64xbf16>,
    return
  }
  func.func @transform_0(%arg0: i32) -> (i32, i32, i32) {
    %c0_i32 = arith.constant 0 : i32
    %c0_i32_0 = arith.constant 0 : i32
    %c0_i32_1 = arith.constant 0 : i32
    return %c0_i32, %arg0, %c0_i32_0 : i32, i32, i32
  }
  func.func @transform_1(%arg0: i32) -> (i32, i32) {
    %c0_i32 = arith.constant 0 : i32
    %c0_i32_0 = arith.constant 0 : i32
    return %arg0, %c0_i32 : i32, i32
  }
  func.func @transform_2(%arg0: i32) -> (i32, i32) {
    %c0_i32 = arith.constant 0 : i32
    %c0_i32_0 = arith.constant 0 : i32
    return %arg0, %c0_i32 : i32, i32
  }
  func.func @transform_3(%arg0: i32) -> (i32, i32) {
    %c0_i32 = arith.constant 0 : i32
    %c0_i32_0 = arith.constant 0 : i32
    %c0_i32_1 = arith.constant 0 : i32
    return %c0_i32, %c0_i32_0 : i32, i32
  }
  func.func @transform_4(%arg0: i32) -> (i32, i32) {
    %c0_i32 = arith.constant 0 : i32
    %c0_i32_0 = arith.constant 0 : i32
    %c0_i32_1 = arith.constant 0 : i32
    return %c0_i32, %c0_i32_0 : i32, i32
  }
  func.func @transform_5(%arg0: i32) -> (i32, i32) {
    %c0_i32 = arith.constant 0 : i32
    %c0_i32_0 = arith.constant 0 : i32
    return %arg0, %c0_i32 : i32, i32
  }
}

module attributes {stable_mosaic.version = 14 : i64} {
  func.func @body(%arg0: i32, %arg1: memref<2x2000x64xbf16, #tpu.memory_space<vmem>>, %arg2: memref<2000x64xbf16, #tpu.memory_space<vmem>>, %arg3: memref<2000x1xf32, #tpu.memory_space<vmem>>, %arg4: memref<1x64xf32, #tpu.memory_space<vmem>>, %arg5: memref<2000x1xi32, #tpu.memory_space<vmem>>, %arg6: memref<64x4xf32, #tpu.memory_space<vmem>>, %arg7: memref<1x4xf32, #tpu.memory_space<vmem>>, %arg8: memref<1x64xf32, #tpu.memory_space<vmem>>, %arg9: memref<1x64xf32, #tpu.memory_space<vmem>>, %arg10: memref<1x64xf32, #tpu.memory_space<vmem>>, %arg11: memref<1x64xf32, #tpu.memory_space<vmem>>, %arg12: memref<64x64xf32, #tpu.memory_space<vmem>>, %arg13: memref<64x1xf32, #tpu.memory_space<vmem>>) attributes {dimension_semantics = [#tpu.dimension_semantics<arbitrary>], iteration_bounds = array<i64: 5>, scalar_prefetch = 0 : i64, scratch_operands = 2 : i64, tpu.core_type = #tpu.core_type<tc>, window_params = [{transform_indices = @transform_0, window_bounds = array<i64: 2, 2000, 64>}, {transform_indices = @transform_1, window_bounds = array<i64: 2000, 64>}, {transform_indices = @transform_2, window_bounds = array<i64: 2000, 1>}, {pipeline_mode = #tpu.pipeline_mode<synchronous>, transform_indices = @transform_3, window_bounds = array<i64: 1, 64>}, {transform_indices = @transform_4, window_bounds = array<i64: 2000, 1>}, {pipeline_mode = #tpu.pipeline_mode<synchronous>, transform_indices = @transform_5, window_bounds = array<i64: 64, 4>}, {pipeline_mode = #tpu.pipeline_mode<synchronous>, transform_indices = @transform_6, window_bounds = array<i64: 1, 4>}, {pipeline_mode = #tpu.pipeline_mode<synchronous>, transform_indices = @transform_7, window_bounds = array<i64: 1, 64>}, {pipeline_mode = #tpu.pipeline_mode<synchronous>, transform_indices = @transform_8, window_bounds = array<i64: 1, 64>}, {pipeline_mode = #tpu.pipeline_mode<synchronous>, transform_indices = @transform_9, window_bounds = array<i64: 1, 64>}, {pipeline_mode = #tpu.pipeline_mode<synchronous>, transform_indices = @transform_10, window_bounds = array<i64: 1, 64>}]} {
    %get3A = arith.constant 0 : index
    %get3A_0 = arith.constant 0 : index
    %get3A_1 = arith.constant 0 : index
    %get3A_2 = vector.load %arg1[%get3A, %get3A_0, %get3A_1] : memref<2x2000x64xbf16, #tpu.memory_space<vmem>>, vector<1x2000x64xbf16>
    %get3A_3 = vector.shape_cast %get3A_2 : vector<1x2000x64xbf16> to vector<2000x64xbf16>
    %convert_element_type3A = arith.extf %get3A_3 : vector<2000x64xbf16> to vector<2000x64xf32>
    %get3A_4 = arith.constant 1 : index
    %get3A_5 = arith.constant 0 : index
    %get3A_6 = arith.constant 0 : index
    %get3A_7 = vector.load %arg1[%get3A_4, %get3A_5, %get3A_6] : memref<2x2000x64xbf16, #tpu.memory_space<vmem>>, vector<1x2000x64xbf16>
    %get3A_8 = vector.shape_cast %get3A_7 : vector<1x2000x64xbf16> to vector<2000x64xbf16>
    %convert_element_type3A_9 = arith.extf %get3A_8 : vector<2000x64xbf16> to vector<2000x64xf32>
    %add3A = arith.addf %convert_element_type3A, %convert_element_type3A_9 : vector<2000x64xf32>
    %get3A_10 = arith.constant 0 : index
    %get3A_11 = arith.constant 0 : index
    %get3A_12 = vector.load %arg2[%get3A_10, %get3A_11] : memref<2000x64xbf16, #tpu.memory_space<vmem>>, vector<2000x64xbf16>
    %convert_element_type3A_13 = arith.extf %get3A_12 : vector<2000x64xbf16> to vector<2000x64xf32>
    %add3A_14 = arith.addf %add3A, %convert_element_type3A_13 : vector<2000x64xf32>
    %get3A_15 = arith.constant 0 : index
    %get3A_16 = arith.constant 0 : index
    %get3A_17 = vector.load %arg3[%get3A_15, %get3A_16] : memref<2000x1xf32, #tpu.memory_space<vmem>>, vector<2000x1xf32>
    %mul3A = vector.broadcast %get3A_17 : vector<2000x1xf32> to vector<2000x64xf32>
    %mul3A_18 = arith.mulf %mul3A, %add3A_14 : vector<2000x64xf32>
    %get3A_19 = arith.constant 0 : index
    %get3A_20 = arith.constant 0 : index
    %get3A_21 = vector.load %arg4[%get3A_19, %get3A_20] : memref<1x64xf32, #tpu.memory_space<vmem>>, vector<1x64xf32>
    %add3A_22 = vector.broadcast %get3A_21 : vector<1x64xf32> to vector<2000x64xf32>
    %add3A_23 = arith.addf %mul3A_18, %add3A_22 : vector<2000x64xf32>
    %max3A = arith.constant 0.000000e+00 : f32
    %max3A_24 = vector.broadcast %max3A : f32 to vector<2000x64xf32>
    %max3A_25 = arith.maximumf %add3A_23, %max3A_24 : vector<2000x64xf32>
    %iota3A = tpu.iota {dimensions = array<i32: 1>} : vector<2000x64xi32>
    %get3A_26 = arith.constant 0 : index
    %get3A_27 = arith.constant 0 : index
    %get3A_28 = vector.load %arg5[%get3A_26, %get3A_27] : memref<2000x1xi32, #tpu.memory_space<vmem>>, vector<2000x1xi32>
    %eq3A = vector.broadcast %get3A_28 : vector<2000x1xi32> to vector<2000x64xi32>
    %eq3A_29 = arith.cmpi eq, %eq3A, %iota3A : vector<2000x64xi32>
    %jit3A = arith.constant 1.000000e+00 : f32
    %jit3A_30 = arith.constant 0.000000e+00 : f32
    %broadcast_in_dim3A = vector.broadcast %jit3A : f32 to vector<2000x64xf32>
    %broadcast_in_dim3A_31 = vector.broadcast %jit3A_30 : f32 to vector<2000x64xf32>
    %select_n3A = arith.select %eq3A_29, %broadcast_in_dim3A, %broadcast_in_dim3A_31 : vector<2000x64xi1>, vector<2000x64xf32>
    %dot_general3A = arith.constant dense<0.000000e+00> : vector<64x64xf32>
    %dot_general3A_32 = tpu.matmul %select_n3A, %max3A_25, %dot_general3A {dimension_numbers = #tpu.dot_dimension_numbers<[0], [0], [1], [1], [0, 1, 1, 1], [], []>, transpose_lhs_hint = false} : vector<2000x64xf32>, vector<2000x64xf32>, vector<64x64xf32> -> vector<64x64xf32>
    %broadcast_in_dim3A_33 = arith.constant 1.000000e+00 : f32
    %broadcast_in_dim3A_34 = vector.broadcast %broadcast_in_dim3A_33 : f32 to vector<2000x1xf32>
    %dot_general3A_35 = arith.constant dense<0.000000e+00> : vector<64x1xf32>
    %dot_general3A_36 = tpu.matmul %select_n3A, %broadcast_in_dim3A_34, %dot_general3A_35 {dimension_numbers = #tpu.dot_dimension_numbers<[0], [0], [1], [1], [0, 1, 1, 1], [], []>, precision = #tpu.contract_precision<fp32>, transpose_lhs_hint = false} : vector<2000x64xf32>, vector<2000x1xf32>, vector<64x1xf32> -> vector<64x1xf32>
    %eq3A_37 = arith.constant 0 : i32
    %eq3A_38 = arith.cmpi eq, %arg0, %eq3A_37 : i32
    %convert_element_type3A_39 = arith.extui %eq3A_38 : i1 to i32
    %cond3A = arith.constant 0 : i32
    %cond3A_40 = arith.cmpi ne, %convert_element_type3A_39, %cond3A : i32
    scf.if %cond3A_40 {
      %broadcast_in_dim3A_59 = arith.constant 0.000000e+00 : f32
      %broadcast_in_dim3A_60 = vector.broadcast %broadcast_in_dim3A_59 : f32 to vector<64x64xf32>
      %swap3A_61 = arith.constant 0 : index
      %swap3A_62 = arith.constant 0 : index
      %swap3A_63 = vector.load %arg12[%swap3A_61, %swap3A_62] : memref<64x64xf32, #tpu.memory_space<vmem>>, vector<64x64xf32>
      tpu.vector_store %arg12[%swap3A_61, %swap3A_62], %broadcast_in_dim3A_60 {strides = array<i32>} : memref<64x64xf32, #tpu.memory_space<vmem>>, vector<64x64xf32>,
      %broadcast_in_dim3A_64 = arith.constant 0.000000e+00 : f32
      %broadcast_in_dim3A_65 = vector.broadcast %broadcast_in_dim3A_64 : f32 to vector<64x1xf32>
      %swap3A_66 = arith.constant 0 : index
      %swap3A_67 = arith.constant 0 : index
      %swap3A_68 = vector.load %arg13[%swap3A_66, %swap3A_67] : memref<64x1xf32, #tpu.memory_space<vmem>>, vector<64x1xf32>
      tpu.vector_store %arg13[%swap3A_66, %swap3A_67], %broadcast_in_dim3A_65 {strides = array<i32>} : memref<64x1xf32, #tpu.memory_space<vmem>>, vector<64x1xf32>,
    } else {
    }
    %get3A_41 = arith.constant 0 : index
    %get3A_42 = arith.constant 0 : index
    %get3A_43 = vector.load %arg12[%get3A_41, %get3A_42] : memref<64x64xf32, #tpu.memory_space<vmem>>, vector<64x64xf32>
    %add3A_44 = arith.addf %get3A_43, %dot_general3A_32 : vector<64x64xf32>
    %swap3A = arith.constant 0 : index
    %swap3A_45 = arith.constant 0 : index
    %swap3A_46 = vector.load %arg12[%swap3A, %swap3A_45] : memref<64x64xf32, #tpu.memory_space<vmem>>, vector<64x64xf32>
    tpu.vector_store %arg12[%swap3A, %swap3A_45], %add3A_44 {strides = array<i32>} : memref<64x64xf32, #tpu.memory_space<vmem>>, vector<64x64xf32>,
    %get3A_47 = arith.constant 0 : index
    %get3A_48 = arith.constant 0 : index
    %get3A_49 = vector.load %arg13[%get3A_47, %get3A_48] : memref<64x1xf32, #tpu.memory_space<vmem>>, vector<64x1xf32>
    %add3A_50 = arith.addf %get3A_49, %dot_general3A_36 : vector<64x1xf32>
    %swap3A_51 = arith.constant 0 : index
    %swap3A_52 = arith.constant 0 : index
    %swap3A_53 = vector.load %arg13[%swap3A_51, %swap3A_52] : memref<64x1xf32, #tpu.memory_space<vmem>>, vector<64x1xf32>
    tpu.vector_store %arg13[%swap3A_51, %swap3A_52], %add3A_50 {strides = array<i32>} : memref<64x1xf32, #tpu.memory_space<vmem>>, vector<64x1xf32>,
    %eq3A_54 = arith.constant 4 : i32
    %eq3A_55 = arith.cmpi eq, %arg0, %eq3A_54 : i32
    %convert_element_type3A_56 = arith.extui %eq3A_55 : i1 to i32
    %cond3A_57 = arith.constant 0 : i32
    %cond3A_58 = arith.cmpi ne, %convert_element_type3A_56, %cond3A_57 : i32
    scf.if %cond3A_58 {
      %get3A_59 = arith.constant 0 : index
      %get3A_60 = arith.constant 0 : index
      %get3A_61 = vector.load %arg12[%get3A_59, %get3A_60] : memref<64x64xf32, #tpu.memory_space<vmem>>, vector<64x64xf32>
      %get3A_62 = arith.constant 0 : index
      %get3A_63 = arith.constant 0 : index
      %get3A_64 = vector.load %arg13[%get3A_62, %get3A_63] : memref<64x1xf32, #tpu.memory_space<vmem>>, vector<64x1xf32>
      %max3A_65 = arith.constant 1.000000e+00 : f32
      %max3A_66 = vector.broadcast %max3A_65 : f32 to vector<64x1xf32>
      %max3A_67 = arith.maximumf %get3A_64, %max3A_66 : vector<64x1xf32>
      %div3A = vector.broadcast %max3A_67 : vector<64x1xf32> to vector<64x64xf32>
      %div3A_68 = arith.divf %get3A_61, %div3A : vector<64x64xf32>
      %get3A_69 = arith.constant 0 : index
      %get3A_70 = arith.constant 0 : index
      %get3A_71 = vector.load %arg6[%get3A_69, %get3A_70] : memref<64x4xf32, #tpu.memory_space<vmem>>, vector<64x4xf32>
      %dot_general3A_72 = arith.constant dense<0.000000e+00> : vector<64x4xf32>
      %dot_general3A_73 = tpu.matmul %div3A_68, %get3A_71, %dot_general3A_72 {dimension_numbers = #tpu.dot_dimension_numbers<[1], [0], [0], [1], [0, 0, 1, 1], [], []>, transpose_lhs_hint = false} : vector<64x64xf32>, vector<64x4xf32>, vector<64x4xf32> -> vector<64x4xf32>
      %get3A_74 = arith.constant 0 : index
      %get3A_75 = arith.constant 0 : index
      %get3A_76 = vector.load %arg7[%get3A_74, %get3A_75] : memref<1x4xf32, #tpu.memory_space<vmem>>, vector<1x4xf32>
      %add3A_77 = vector.broadcast %get3A_76 : vector<1x4xf32> to vector<64x4xf32>
      %add3A_78 = arith.addf %dot_general3A_73, %add3A_77 : vector<64x4xf32>
      %neg3A = arith.constant 0.000000e+00 : f32
      %neg3A_79 = vector.broadcast %neg3A : f32 to vector<64x4xf32>
      %neg3A_80 = arith.subf %neg3A_79, %add3A_78 : vector<64x4xf32>
      %exp3A = math.exp %neg3A_80 : vector<64x4xf32>
      %add3A_81 = arith.constant 1.000000e+00 : f32
      %add3A_82 = vector.broadcast %add3A_81 : f32 to vector<64x4xf32>
      %add3A_83 = arith.addf %add3A_82, %exp3A : vector<64x4xf32>
      %div3A_84 = arith.constant 1.000000e+00 : f32
      %div3A_85 = vector.broadcast %div3A_84 : f32 to vector<64x4xf32>
      %div3A_86 = arith.divf %div3A_85, %add3A_83 : vector<64x4xf32>
      %slice3A = vector.extract_strided_slice %div3A_86 {offsets = [0, 0], sizes = [64, 1], strides = [1, 1]} : vector<64x4xf32> to vector<64x1xf32>
      %reshape3A = vector.shape_cast %slice3A : vector<64x1xf32> to vector<1x64xf32>
      %swap3A_87 = arith.constant 0 : index
      %swap3A_88 = arith.constant 0 : index
      %swap3A_89 = vector.load %arg8[%swap3A_87, %swap3A_88] : memref<1x64xf32, #tpu.memory_space<vmem>>, vector<1x64xf32>
      tpu.vector_store %arg8[%swap3A_87, %swap3A_88], %reshape3A {strides = array<i32>} : memref<1x64xf32, #tpu.memory_space<vmem>>, vector<1x64xf32>,
      %slice3A_90 = vector.extract_strided_slice %div3A_86 {offsets = [0, 1], sizes = [64, 1], strides = [1, 1]} : vector<64x4xf32> to vector<64x1xf32>
      %reshape3A_91 = vector.shape_cast %slice3A_90 : vector<64x1xf32> to vector<1x64xf32>
      %swap3A_92 = arith.constant 0 : index
      %swap3A_93 = arith.constant 0 : index
      %swap3A_94 = vector.load %arg9[%swap3A_92, %swap3A_93] : memref<1x64xf32, #tpu.memory_space<vmem>>, vector<1x64xf32>
      tpu.vector_store %arg9[%swap3A_92, %swap3A_93], %reshape3A_91 {strides = array<i32>} : memref<1x64xf32, #tpu.memory_space<vmem>>, vector<1x64xf32>,
      %slice3A_95 = vector.extract_strided_slice %div3A_86 {offsets = [0, 2], sizes = [64, 1], strides = [1, 1]} : vector<64x4xf32> to vector<64x1xf32>
      %reshape3A_96 = vector.shape_cast %slice3A_95 : vector<64x1xf32> to vector<1x64xf32>
      %swap3A_97 = arith.constant 0 : index
      %swap3A_98 = arith.constant 0 : index
      %swap3A_99 = vector.load %arg10[%swap3A_97, %swap3A_98] : memref<1x64xf32, #tpu.memory_space<vmem>>, vector<1x64xf32>
      tpu.vector_store %arg10[%swap3A_97, %swap3A_98], %reshape3A_96 {strides = array<i32>} : memref<1x64xf32, #tpu.memory_space<vmem>>, vector<1x64xf32>,
      %slice3A_100 = vector.extract_strided_slice %div3A_86 {offsets = [0, 3], sizes = [64, 1], strides = [1, 1]} : vector<64x4xf32> to vector<64x1xf32>
      %reshape3A_101 = vector.shape_cast %slice3A_100 : vector<64x1xf32> to vector<1x64xf32>
      %swap3A_102 = arith.constant 0 : index
      %swap3A_103 = arith.constant 0 : index
      %swap3A_104 = vector.load %arg11[%swap3A_102, %swap3A_103] : memref<1x64xf32, #tpu.memory_space<vmem>>, vector<1x64xf32>
      tpu.vector_store %arg11[%swap3A_102, %swap3A_103], %reshape3A_101 {strides = array<i32>} : memref<1x64xf32, #tpu.memory_space<vmem>>, vector<1x64xf32>,
    } else {
    }
    return
  }
  func.func @transform_0(%arg0: i32) -> (i32, i32, i32) {
    %c0_i32 = arith.constant 0 : i32
    %c0_i32_0 = arith.constant 0 : i32
    %c0_i32_1 = arith.constant 0 : i32
    return %c0_i32, %arg0, %c0_i32_0 : i32, i32, i32
  }
  func.func @transform_1(%arg0: i32) -> (i32, i32) {
    %c0_i32 = arith.constant 0 : i32
    %c0_i32_0 = arith.constant 0 : i32
    return %arg0, %c0_i32 : i32, i32
  }
  func.func @transform_2(%arg0: i32) -> (i32, i32) {
    %c0_i32 = arith.constant 0 : i32
    %c0_i32_0 = arith.constant 0 : i32
    return %arg0, %c0_i32 : i32, i32
  }
  func.func @transform_3(%arg0: i32) -> (i32, i32) {
    %c0_i32 = arith.constant 0 : i32
    %c0_i32_0 = arith.constant 0 : i32
    %c0_i32_1 = arith.constant 0 : i32
    return %c0_i32, %c0_i32_0 : i32, i32
  }
  func.func @transform_4(%arg0: i32) -> (i32, i32) {
    %c0_i32 = arith.constant 0 : i32
    %c0_i32_0 = arith.constant 0 : i32
    return %arg0, %c0_i32 : i32, i32
  }
  func.func @transform_5(%arg0: i32) -> (i32, i32) {
    %c0_i32 = arith.constant 0 : i32
    %c0_i32_0 = arith.constant 0 : i32
    %c0_i32_1 = arith.constant 0 : i32
    return %c0_i32, %c0_i32_0 : i32, i32
  }
  func.func @transform_6(%arg0: i32) -> (i32, i32) {
    %c0_i32 = arith.constant 0 : i32
    %c0_i32_0 = arith.constant 0 : i32
    %c0_i32_1 = arith.constant 0 : i32
    return %c0_i32, %c0_i32_0 : i32, i32
  }
  func.func @transform_7(%arg0: i32) -> (i32, i32) {
    %c0_i32 = arith.constant 0 : i32
    %c0_i32_0 = arith.constant 0 : i32
    %c0_i32_1 = arith.constant 0 : i32
    return %c0_i32, %c0_i32_0 : i32, i32
  }
  func.func @transform_8(%arg0: i32) -> (i32, i32) {
    %c0_i32 = arith.constant 0 : i32
    %c0_i32_0 = arith.constant 0 : i32
    %c0_i32_1 = arith.constant 0 : i32
    return %c0_i32, %c0_i32_0 : i32, i32
  }
  func.func @transform_9(%arg0: i32) -> (i32, i32) {
    %c0_i32 = arith.constant 0 : i32
    %c0_i32_0 = arith.constant 0 : i32
    %c0_i32_1 = arith.constant 0 : i32
    return %c0_i32, %c0_i32_0 : i32, i32
  }
  func.func @transform_10(%arg0: i32) -> (i32, i32) {
    %c0_i32 = arith.constant 0 : i32
    %c0_i32_0 = arith.constant 0 : i32
    %c0_i32_1 = arith.constant 0 : i32
    return %c0_i32, %c0_i32_0 : i32, i32
  }
}

</mosaic_0001>

<sc_bundles>
// kernel: kernel.11.cloned.1.call-start
scs
__scs_entry_jumppad:
0x0: {  	(pc) =	sbr.rel $0x88, $3  }
0x1: {  	(tag) =	ssettag $0x0;
	lr =	simm.s32 $0x1  }
0x2: {  	[smem:$0x3F92] =	sst lr;
	_ =	strace $0xD0000000  }
0x3: {  	_ = 	snop  }
0x4: {  	_ = 	snop  }
0x5: {  	_ = 	snop  }
0x6: {  	_ = 	snop  }
0x7: {  	_ = 	snop  }
__scs_overlays_trampoline_lowered:
0x8: {  	[smem:$0x3FA1] =	sst s0  }
0x9: {  	[smem:$0x3FA2] =	sst s1  }
0xa: {  	[smem:$0x3FA3] =	sst s2  }
0xb: {  	[smem:$0x3FA4] =	sst s3  }
0xc: {  	[smem:$0x3FA5] =	sst s4  }
0xd: {  	[smem:$0x3FA6] =	sst s5  }
0xe: {  	[smem:$0x3FA7] =	sst s6  }
0xf: {  	[smem:$0x3FA8] =	sst s7  }
0x10: {  	[smem:$0x3FA9] =	sst s8  }
0x11: {  	[smem:$0x3FAA] =	sst s9;
	s0 =	simm.s32 @!p0 $0x0  }
0x12: {  	s1 =	sld [smem:$0x3F90];
	s0 =	simm.s32 @p0 $0x1  }
0x13: {  	[smem:$0x3FAB] =	sst s0;
	s0 =	simm.s32 @!p1 $0x0  }
0x14: {  	s2 =	sld [smem:$0x3F8F];
	s0 =	simm.s32 @p1 $0x1  }
0x15: {  	[smem:$0x3FAC] =	sst s0;
	s0 =	simm.s32 @!p2 $0x0  }
0x16: {  	s3 =	sld [smem:$0x3FDB];
	s0 =	simm.s32 @p2 $0x1  }
0x17: {  	s4 =	simm.s32 $0x1BF5;
	[smem:$0x3FAE] =	sst s0  }
0x18: {  	s0 =	sld [smem:$0x3F91];
	_ =	swait.ge [sflag:s4], $0x0  }
0x19: {  	s7 =	sld [smem:$0x3F92]  }
0x1a: {  	s8 =	sadd.s32 $0xFFFFE003, lr  }
0x1b: {  	s9 =	sadd.s32 $0xFFFFFEF7, lr;
	s5 =	simm.s32 $0xFFFFFFFF;
	p2 =	slt.u32 s8, $0xFFFFF086  }
0x1c: {  	p1 =	slt.u32 s9, $0xF7A;
	s5 =	simm.s32 @!p2 $0x0  }
0x1d: {  	s5 =	simm.s32 @p1 $0x1;
	p0 =	seq.s32 s7, s2  }
0x1e: {  	s7 =	smul.u32 @!p0 $0xF7A, s2;
	p2 =	seq.s32 @!p0 s5, $0x0  }
0x1f: {  	s9 =	smul.u32 $0xF7A, s1;
	s8 =	simm.s32 @!p0 $0x1BF5;
	p2 =	por !p2, p0  }
0x20: {  	[sflag:s8] =	ssyncset.s32 @!p0 $0xFFFFF086;
	s6 =	sadd.s32 @!p0 s3, s7;
	s7 =	simm.s32 @!p0 $0x108  }
0x21: {  	s3 =	sadd.s32 s3, s9;
	s6 =	sadd.s32 @!p0 $0x88, s6;
	s7 =	simm.s32 @p2 $0x1082  }
0x22: {  	[simem:s7], [sflag:s8] =	dma.local @!p0 [hbm:s6], $0xF7A  }
0x23: {  	s9 =	sor.u32 $0xD0000000, s2;
	s6 =	simm.s32 $0x108;
	_ =	swait.ge @!p0 [sflag:s8], $0x0  }
0x24: {  	s3 =	sadd.s32 $0x88, s3;
	s6 =	simm.s32 @!p1 $0x1082;
	[sflag:s4] =	ssyncset.s32 $0xFFFFF086  }
0x25: {  	[simem:s6], [sflag:s4] =	dma.local [hbm:s3], $0xF7A  }
0x26: {  	[smem:$0x3F92] =	sst s1;
	(tag) =	ssettag s2;
	_ =	strace s9  }
0x27: {  	s1 =	sld [smem:$0x3FA2]  }
0x28: {  	s2 =	sld [smem:$0x3FA3]  }
0x29: {  	s4 =	sld [smem:$0x3FA5]  }
0x2a: {  	p0 =	seq.s32 s5, $0x0;
	s5 =	sld [smem:$0x3FA6]  }
0x2b: {  	s6 =	sld [smem:$0x3FA7]  }
0x2c: {  	s7 =	sld [smem:$0x3FA8]  }
0x2d: {  	s3 =	simm.s32 $0x108;
	s8 =	sld [smem:$0x3FA9]  }
0x2e: {  	s3 =	simm.s32 @!p0 $0x1082;
	s9 =	sld [smem:$0x3FAA]  }
0x2f: {  	lr =	sadd.s32 s0, s3;
	s0 =	sld [smem:$0x3FA1]  }
0x30: {  	s3 =	sld [smem:$0x3FA4]  }
0x31: {  	[smem:$0x3FAD] =	sst s10  }
0x32: {  	s10 =	sld [smem:$0x3FAB];
	_ =	sdelay $0x3  }
0x33: {  	p0 =	seq.s32 s10, $0x1;
	s10 =	sld [smem:$0x3FAD];
	_ =	sdelay $0x3  }
0x34: {  	[smem:$0x3FAD] =	sst s10  }
0x35: {  	s10 =	sld [smem:$0x3FAC];
	_ =	sdelay $0x3  }
0x36: {  	p1 =	seq.s32 s10, $0x1;
	s10 =	sld [smem:$0x3FAD];
	_ =	sdelay $0x3  }
0x37: {  	[smem:$0x3FAD] =	sst s10  }
0x38: {  	s10 =	sld [smem:$0x3FAE]  }
0x39: {  	_ = 	snop;
	(pc) =	sbr.ind lr, $3  }
0x3a: {  	_ = 	snop  }
0x3b: {  	_ = 	snop  }
0x3c: {  	p2 =	seq.s32 s10, $0x1;
	s10 =	sld [smem:$0x3FAD]  }
0x3d: {  	_ =	shalt  }
0x3e: {  	_ =	shalt  }
0x3f: {  	_ =	shalt  }
0x40: {  	_ =	shalt  }
0x41: {  	_ =	shalt  }
0x42: {  	_ =	shalt  }
0x43: {  	_ =	shalt  }
0x44: {  	_ =	shalt  }
0x45: {  	_ =	shalt  }
0x46: {  	_ =	shalt  }
0x47: {  	_ =	shalt  }
0x48: {  	_ =	shalt  }
0x49: {  	_ =	shalt  }
0x4a: {  	_ =	shalt  }
0x4b: {  	_ =	shalt  }
0x4c: {  	_ =	shalt  }
0x4d: {  	_ =	shalt  }
0x4e: {  	_ =	shalt  }
0x4f: {  	_ =	shalt  }
0x50: {  	_ =	shalt  }
0x51: {  	_ =	shalt  }
0x52: {  	_ =	shalt  }
0x53: {  	_ =	shalt  }
0x54: {  	_ =	shalt  }
0x55: {  	_ =	shalt  }
0x56: {  	_ =	shalt  }
0x57: {  	_ =	shalt  }
0x58: {  	_ =	shalt  }
0x59: {  	_ =	shalt  }
0x5a: {  	_ =	shalt  }
0x5b: {  	_ =	shalt  }
0x5c: {  	_ =	shalt  }
0x5d: {  	_ =	shalt  }
0x5e: {  	_ =	shalt  }
0x5f: {  	_ =	shalt  }
0x60: {  	_ =	shalt  }
0x61: {  	_ =	shalt  }
0x62: {  	_ =	shalt  }
0x63: {  	_ =	shalt  }
0x64: {  	_ =	shalt  }
0x65: {  	_ =	shalt  }
0x66: {  	_ =	shalt  }
0x67: {  	_ =	shalt  }
0x68: {  	_ =	shalt  }
0x69: {  	_ =	shalt  }
0x6a: {  	_ =	shalt  }
0x6b: {  	_ =	shalt  }
0x6c: {  	_ =	shalt  }
0x6d: {  	_ =	shalt  }
0x6e: {  	_ =	shalt  }
0x6f: {  	_ =	shalt  }
0x70: {  	_ =	shalt  }
0x71: {  	_ =	shalt  }
0x72: {  	_ =	shalt  }
0x73: {  	_ =	shalt  }
0x74: {  	_ =	shalt  }
0x75: {  	_ =	shalt  }
0x76: {  	_ =	shalt  }
0x77: {  	_ =	shalt  }
0x78: {  	_ =	shalt  }
0x79: {  	_ =	shalt  }
0x7a: {  	_ =	shalt  }
0x7b: {  	_ =	shalt  }
0x7c: {  	_ =	shalt  }
0x7d: {  	_ =	shalt  }
0x7e: {  	_ =	shalt  }
0x7f: {  	_ =	shalt  }
0x80: {  	_ =	shalt  }
0x81: {  	_ =	shalt  }
0x82: {  	_ =	shalt  }
0x83: {  	_ =	shalt  }
0x84: {  	_ =	shalt  }
0x85: {  	_ =	shalt  }
0x86: {  	_ =	shalt  }
0x87: {  	_ =	shalt  }
.Lfunc_end0:
.L_simem_size_0:
called_computation.1_lowered:
.L_overlay_start_0:
0x88: {  	s2 =	sld [smem:$0x3FD9]  }
0x89: {  	s3 =	sld [smem:$0x3FFE];
	_ =	sdelay $0x1  }
0x8a: {  	s1 =	srdreg.scid  }
0x8b: {  	s0 =	sand.u32 $0x1, s1  }
0x8c: {  	s16 =	sshll.u32 s0, $0xA;
	s2 =	sadd.s32 s3, s2  }
0x8d: {  	s2 =	sadd.s32 s2, s16  }
0x8e: {  	[smem:$0x3FB9] =	sst s2  }
0x8f: {  	_ = 	snop  }
0x90: {  	(tm) =	ssettm $0x1  }
0x91: {  	s17 =	sld [smem:$0x3FFB];
	_ =	sdelay $0x3  }
0x92: {  	_ =	strace s17  }
0x93: {  	s2 =	sld [smem:$0x3FFC];
	_ =	sdelay $0x3  }
0x94: {  	_ =	strace s2  }
0x95: {  	s2 =	sld [smem:$0x3FFD];
	_ =	sdelay $0x3  }
0x96: {  	_ =	strace s2  }
0x97: {  	_ =	strace $0x8FFFFFFF  }
0x98: {  	s18 =	sld [smem:$0x3FDB];
	_ =	sdelay $0x1  }
0x99: {  	s19 =	simm.s32 $_scs_section_size  }
0x9a: {  	s4 =	simm.s32 $_size__tile_overlayer_lowered;
	s5 =	simm.s32 $_tile_overlayer_lowered  }
0x9b: {  	s22 =	simm.s32 $0x1BFF;
	s21 =	sshll.u32 s5, $0x1;
	s2 =	sadd.s32 s19, s18  }
0x9c: {  	s6 =	simm.s32 $0x0;
	s20 =	sshll.u32 s4, $0x1;
	s4 =	sadd.s32 s21, s2  }
0x9d: {  	[timem:s6], [sflag:s22] =	dma.local [hbm:s4], s20  }
0x9e: {  	_ =	swait.ge [sflag:s22], s20  }
0x9f: {  	s3 =	ssub.s32 $0x0, s20;
	[sflag:s22] =	ssyncset.done $0x0  }
0xa0: {  	[sflag:s22] =	ssyncadd.s32 s3;
	_ =	sdelay $0x1  }
0xa1: {  	s23 =	simm.s32 $0x1B8B  }
0xa2: {  	_ =	swait.ge [sflag:s23], $0x1  }
0xa3: {  	[sflag:s23] =	ssyncset.done $0x0  }
0xa4: {  	s25 =	simm.s32 $0x1B8E;
	s24 =	sld [smem:$0x3FFE];
	[sflag:s23] =	ssyncadd.s32 $0xFFFFFFFF  }
0xa5: {  	s26 =	simm.s32 $execute0_lowered;
	[smem:$0x3FD2] =	sst s25  }
0xa6: {  	s4 =	sshll.u32 s26, $0x1;
	_ =	strace $0x80000049;
	[dreg:$0x1] =	wrdreg $0xFFFFFFFF  }
0xa7: {  	s28 =	simm.s32 $_size_execute0_lowered;
	s2 =	sadd.s32 s2, s4;
	[dreg:$0x0] =	wrdreg $0x0  }
0xa8: {  	s4 =	sshll.u32 s28, $0x1;
	[dreg:$0x2] =	wrdreg s2  }
0xa9: {  	[dreg:$0x3] =	wrdreg s4  }
0xaa: {  	[dreg:$0x4] =	wrdreg $0xC0  }
0xab: {  	_ =	task [dreg:s6], $0x5FFFF  }
0xac: {  	[dreg:$0x1] =	wrdreg $0xFFFFFFFF  }
0xad: {  	[dreg:$0x0] =	wrdreg $0x60  }
0xae: {  	[dreg:$0x2] =	wrdreg s24  }
0xaf: {  	[dreg:$0x3] =	wrdreg $0x9E200  }
0xb0: {  	[dreg:$0x4] =	wrdreg $0x9  }
0xb1: {  	_ =	task.clear_ibuf [dreg:s6], $0x5FFFF;
	_ =	strace $0x90000049  }
0xb2: {  	s29 =	simm.s32 $0x9;
	_ =	strace $0x8000004B  }
0xb3: {  	_ =	swait.ge [sflag:s29], $0x1  }
0xb4: {  	[sflag:s29] =	ssyncadd.s32 $0xFFFFFFFF  }
0xb5: {  	_ =	strace $0x9000004B  }
0xb6: {  	_ =	sfence  }
0xb7: {  	s30 =	sld [smem:$0x0];
	_ =	sdelay $0x2  }
0xb8: {  	s31 =	sshll.u32 s1, $0xD;
	s1 =	sshrl.u32 s1, $0x2  }
0xb9: {  	s3 =	sand.u32 $0x4000, s31;
	s1 =	sadd.s32 s1, s30  }
0xba: {  	s0 =	sor.u32 s3, s0;
	s1 =	sshll.u32 s1, $0x11  }
0xbb: {  	s0 =	sor.u32 s1, s0  }
0xbc: {  	s0 =	sadd.s32 $0x8F2B, s0  }
0xbd: {  	[sflag:s0] =	ssyncadd.remote.s32 $0x1  }
0xbe: {  	_ =	sfence.sel $0xFFFF  }
0xbf: {  	[dreg:$0x0] =	wrdreg $0xFFFFFFFF;
	(pc) =	sbr.abs _section_cstart, $3  }
0xc0: {  	[dreg:$0x1] =	wrdreg $0xFFFFFFFF  }
0xc1: {  	_ =	task.clear_ibuf [dreg:s6], $0x2FFFF;
	_ =	strace $0x9FFFFFFF  }
0xc2: {  	(tm) =	ssettm $0x7FFFFFFF  }
0xc3: {  	_ =	shalt  }
tec
execute0_lowered:
.L_overlay_start_1:
0x0: {  	(tag) =	ssettag $0x1  }
0x1: {  	s0 =	srdreg.scid;
	s1 =	rddreg [dreg:$0x0]  }
0x2: {  	s2 =	rddreg [dreg:$0x1];
	s7 =	stileid.u32  }
0x3: {  	s3 =	simm.s32 $0x0;
	s16 =	simm.s32 $0x8E80;
	s17 =	simm.s32 $0xA  }
0x4: {  	s18 =	simm.s32 $0x9;
	s19 =	simm.s32 $0x7D;
	s20 =	simm.s32 $0x5000  }
0x5: {  	s22 =	simm.s32 $0x5FA0;
	s24 =	simm.s32 $0x6F40;
	s28 =	simm.s32 $0x1  }
0x6: {  	s29 =	simm.s32 $0x5;
	s30 =	simm.s32 $0x2;
	s31 =	simm.s32 $0x6  }
0x7: {  	s15 =	simm.s32 $0x4;
	s21 =	simm.s32 $0x8;
	s0 =	sand.u32 $0x1, s0  }
0x8: {  	s23 =	simm.s32 $0xB;
	[smem:$0x7FF] =	sst s3;
	s4 =	sshll.u32 s0, $0x4  }
0x9: {  	s8 =	sadd.s32 $0x20800, s1;
	s4 =	sor.u32 s7, s4;
	s7 =	smul.u32 $0x13880, s7  }
0xa: {  	_ =	strace $0x8000004A;
	s0 =	ssub.s32 $0x2, s0;
	s5 =	smul.u32 $0x2800, s4  }
0xb: {  	[dreg:$0x3] =	wrdreg s8;
	s25 =	sshrl.u32 s0, $0x1;
	s6 =	smul.u32 $0x9C4, s4  }
0xc: {  	s4 =	sadd.s32 $0x16A00, s1;
	s0 =	ssub.s32 s0, s25;
	s25 =	simm.s32 $0x0  }
0xd: {  	s7 =	sshrl.u32 s7, $0x2;
	s14 =	smax.u32 s0, $0x1;
	s5 =	sshrl.u32 s5, $0x3  }
0xe: {  	s0 =	simm.s32 $0x3;
	s7 =	sadd.s32 s7, s2;
	s5 =	sadd.s32 s5, s1  }
0xf: {  	s1 =	sadd.s32 s6, s1;
	s9 =	sadd.s32 $0xFA0, s7;
	s10 =	sadd.s32 $0x1F40, s7  }
0x10: {  	s11 =	sadd.s32 $0x2EE0, s7;
	s12 =	sadd.s32 $0x3E80, s7;
	s26 =	sadd.s32 $0x2A00, s5  }
0x11: {  	s5 =	sadd.s32 $0xCA00, s5;
	s13 =	sadd.s32 $0x20A00, s1;
	[dreg:$0x4] =	wrdreg s26  }
0x12: {  	s1 =	simm.s32 $0x7;
	[dreg:$0x5] =	wrdreg s5;
	s26 =	simm.s32 $0x7EE0  }
.LBB2_1:
0x13: {  	s5 =	rddreg [dreg:$0x4]  }
0x14: {  	[tilespmem:s3], [sflag:$0x9] =	stream.linear.gather [hbm4b:s5+s3], $0x2800, $0x38;
	[tilespmem:$0xEC40] =	vst v63  }
0x15: {  	s8 =	rddreg [dreg:$0x5];
	s6 =	simm.s32 $0x2800  }
0x16: {  	[tilespmem:s6], [sflag:$0x9] =	stream.linear.gather [hbm4b:s8+s3], $0x2800, $0x38;
	[tilespmem:$0xEC40] =	vst v63  }
0x17: {  	s8 =	rddreg [dreg:$0x3]  }
0x18: {  	[tilespmem:s16], [sflag:$0xA] =	stream.linear.gather [hbm4b:s8+s3], $0xFA0, $0x38;
	[tilespmem:$0xEC40] =	vst v63  }
0x19: {  	_ =	swait.ge [sflag:s17], $0xFA0  }
0x1a: {  	[sflag:s17] =	ssyncset.done $0x0  }
0x1b: {  	[sflag:s17] =	ssyncadd.s32 $0xFFFFF060  }
0x1c: {  	[spmem:s7] =	stream.linear.scatter [tilespmem:s16], [sflag:$0xA], $0xFA0, $0x38;
	[tilespmem:$0xEC40] =	vst v63  }
0x1d: {  	_ = 	snop  }
0x1e: {  	[spmem:s9] =	stream.linear.scatter [tilespmem:s16], [sflag:$0xA], $0xFA0, $0x38;
	[tilespmem:$0xEC40] =	vst v63  }
0x1f: {  	_ = 	snop  }
0x20: {  	[spmem:s10] =	stream.linear.scatter [tilespmem:s16], [sflag:$0xA], $0xFA0, $0x38;
	[tilespmem:$0xEC40] =	vst v63  }
0x21: {  	_ = 	snop  }
0x22: {  	[spmem:s11] =	stream.linear.scatter [tilespmem:s16], [sflag:$0xA], $0xFA0, $0x38;
	[tilespmem:$0xEC40] =	vst v63  }
0x23: {  	_ = 	snop  }
0x24: {  	[spmem:s12] =	stream.linear.scatter [tilespmem:s16], [sflag:$0xA], $0xFA0, $0x38;
	[tilespmem:$0xEC40] =	vst v63  }
0x25: {  	_ =	swait.ge [sflag:s18], $0x2800  }
0x26: {  	[sflag:s18] =	ssyncset.done $0x0  }
0x27: {  	[sflag:s18] =	ssyncadd.s32 $0xFFFFD800  }
0x28: {  	_ =	swait.ge [sflag:s18], $0x2800  }
0x29: {  	[sflag:s18] =	ssyncset.done $0x0  }
0x2a: {  	[sflag:s18] =	ssyncadd.s32 $0xFFFFD800  }
0x2b: {  	[tilespmem:s20], [sflag:$0x1] =	stream.indirect.gather [hbm4b:s4+s19], $0x20, s3, s19, $0xb8;
	[tilespmem:$0xEC40] =	vst v63  }
0x2c: {  	s6 =	simm.s32 $0x80  }
0x2d: {  	[tilespmem:s22], [sflag:$0x2] =	stream.indirect.gather [hbm4b:s4+s19], $0x20, s6, s19, $0xb8;
	[tilespmem:$0xEC40] =	vst v63  }
0x2e: {  	s8 =	simm.s32 $0x100  }
0x2f: {  	[tilespmem:s24], [sflag:$0x3] =	stream.indirect.gather [hbm4b:s4+s19], $0x20, s8, s19, $0xb8;
	[tilespmem:$0xEC40] =	vst v63  }
0x30: {  	s6 =	simm.s32 $0x180  }
0x31: {  	[tilespmem:s26], [sflag:$0x4] =	stream.indirect.gather [hbm4b:s4+s19], $0x20, s6, s19, $0xb8;
	[tilespmem:$0xEC40] =	vst v63  }
0x32: {  	_ =	swait.ge [sflag:s17], $0xFA0  }
0x33: {  	[sflag:s17] =	ssyncset.done $0x0  }
0x34: {  	[sflag:s17] =	ssyncadd.s32 $0xFFFFF060  }
0x35: {  	_ =	swait.ge [sflag:s17], $0xFA0  }
0x36: {  	[sflag:s17] =	ssyncset.done $0x0  }
0x37: {  	[sflag:s17] =	ssyncadd.s32 $0xFFFFF060  }
0x38: {  	_ =	swait.ge [sflag:s17], $0xFA0  }
0x39: {  	[sflag:s17] =	ssyncset.done $0x0  }
0x3a: {  	[sflag:s17] =	ssyncadd.s32 $0xFFFFF060  }
0x3b: {  	_ =	swait.ge [sflag:s17], $0xFA0  }
0x3c: {  	[sflag:s17] =	ssyncset.done $0x0  }
0x3d: {  	[sflag:s17] =	ssyncadd.s32 $0xFFFFF060  }
0x3e: {  	_ =	swait.ge [sflag:s17], $0xFA0  }
0x3f: {  	[sflag:s17] =	ssyncset.done $0x0  }
0x40: {  	[sflag:s17] =	ssyncadd.s32 $0xFFFFF060  }
0x41: {  	[bflag:$0x0] =	sbarrier.arrive $0xFFFF  }
0x42: {  	_ =	swait.ge [sflag:s28], $0xFA0  }
0x43: {  	[sflag:s28] =	ssyncset.done $0x0  }
0x44: {  	s8 =	simm.s32 $0x2800;
	[sflag:s28] =	ssyncadd.s32 $0xFFFFF060  }
0x45: {  	[spmem:s2] =	stream.indirect.scatter.add.bf16 [tilespmem:s20], [sflag:$0x5], $0x20, s8, s19, $0xb8;
	[tilespmem:$0xEC40] =	vst v63  }
0x46: {  	_ =	swait.ge [sflag:s29], $0xFA0  }
0x47: {  	[sflag:s29] =	ssyncset.done $0x0  }
0x48: {  	s6 =	simm.s32 $0x200;
	[sflag:s29] =	ssyncadd.s32 $0xFFFFF060  }
0x49: {  	[tilespmem:s20], [sflag:$0x1] =	stream.indirect.gather [hbm4b:s4+s19], $0x20, s6, s19, $0xb8;
	[tilespmem:$0xEC40] =	vst v63  }
0x4a: {  	_ =	swait.ge [sflag:s30], $0xFA0  }
0x4b: {  	[sflag:s30] =	ssyncset.done $0x0  }
0x4c: {  	s8 =	simm.s32 $0x2880;
	[sflag:s30] =	ssyncadd.s32 $0xFFFFF060  }
0x4d: {  	[spmem:s2] =	stream.indirect.scatter.add.bf16 [tilespmem:s22], [sflag:$0x6], $0x20, s8, s19, $0xb8;
	[tilespmem:$0xEC40] =	vst v63  }
0x4e: {  	_ =	swait.ge [sflag:s31], $0xFA0  }
0x4f: {  	[sflag:s31] =	ssyncset.done $0x0  }
0x50: {  	s6 =	simm.s32 $0x280;
	[sflag:s31] =	ssyncadd.s32 $0xFFFFF060  }
0x51: {  	[tilespmem:s22], [sflag:$0x2] =	stream.indirect.gather [hbm4b:s4+s19], $0x20, s6, s19, $0xb8;
	[tilespmem:$0xEC40] =	vst v63  }
0x52: {  	_ =	swait.ge [sflag:s0], $0xFA0  }
0x53: {  	[sflag:s0] =	ssyncset.done $0x0  }
0x54: {  	s8 =	simm.s32 $0x2900;
	[sflag:s0] =	ssyncadd.s32 $0xFFFFF060  }
0x55: {  	[spmem:s2] =	stream.indirect.scatter.add.bf16 [tilespmem:s24], [sflag:$0x7], $0x20, s8, s19, $0xb8;
	[tilespmem:$0xEC40] =	vst v63  }
0x56: {  	_ =	swait.ge [sflag:s1], $0xFA0  }
0x57: {  	[sflag:s1] =	ssyncset.done $0x0  }
0x58: {  	s6 =	simm.s32 $0x300;
	[sflag:s1] =	ssyncadd.s32 $0xFFFFF060  }
0x59: {  	[tilespmem:s24], [sflag:$0x3] =	stream.indirect.gather [hbm4b:s4+s19], $0x20, s6, s19, $0xb8;
	[tilespmem:$0xEC40] =	vst v63  }
0x5a: {  	_ =	swait.ge [sflag:s15], $0xFA0  }
0x5b: {  	[sflag:s15] =	ssyncset.done $0x0  }
0x5c: {  	s8 =	simm.s32 $0x2980;
	[sflag:s15] =	ssyncadd.s32 $0xFFFFF060  }
0x5d: {  	[spmem:s2] =	stream.indirect.scatter.add.bf16 [tilespmem:s26], [sflag:$0x8], $0x20, s8, s19, $0xb8;
	[tilespmem:$0xEC40] =	vst v63  }
0x5e: {  	_ =	swait.ge [sflag:s21], $0xFA0  }
0x5f: {  	[sflag:s21] =	ssyncset.done $0x0  }
0x60: {  	s5 =	simm.s32 $0x800;
	s6 =	simm.s32 $0x380;
	[sflag:s21] =	ssyncadd.s32 $0xFFFFF060  }
.LBB2_2:
0x61: {  	[tilespmem:s26], [sflag:$0x4] =	stream.indirect.gather [hbm4b:s4+s19], $0x20, s6, s19, $0xb8;
	[tilespmem:$0xEC40] =	vst v63  }
0x62: {  	s6 =	smov.u32 s5  }
0x63: {  	p0 =	sne.s32 s5, $0x9000;
	s5 =	sadd.s32 $0x800, s5;
	_ =	swait.ge [sflag:s28], $0xFA0  }
0x64: {  	s6 =	sshra.s32 s6, $0x2;
	[sflag:s28] =	ssyncset.done $0x0  }
0x65: {  	s8 =	sadd.s32 $0x2800, s6;
	[sflag:s28] =	ssyncadd.s32 $0xFFFFF060  }
0x66: {  	[spmem:s2] =	stream.indirect.scatter.add.bf16 [tilespmem:s20], [sflag:$0x5], $0x20, s8, s19, $0xb8;
	[tilespmem:$0xEC40] =	vst v63  }
0x67: {  	_ =	swait.ge [sflag:s29], $0xFA0  }
0x68: {  	[sflag:s29] =	ssyncset.done $0x0  }
0x69: {  	s8 =	sadd.s32 $0x200, s6;
	[sflag:s29] =	ssyncadd.s32 $0xFFFFF060  }
0x6a: {  	[tilespmem:s20], [sflag:$0x1] =	stream.indirect.gather [hbm4b:s4+s19], $0x20, s8, s19, $0xb8;
	[tilespmem:$0xEC40] =	vst v63  }
0x6b: {  	_ =	swait.ge [sflag:s30], $0xFA0  }
0x6c: {  	[sflag:s30] =	ssyncset.done $0x0  }
0x6d: {  	s8 =	sadd.s32 $0x2880, s6;
	[sflag:s30] =	ssyncadd.s32 $0xFFFFF060  }
0x6e: {  	[spmem:s2] =	stream.indirect.scatter.add.bf16 [tilespmem:s22], [sflag:$0x6], $0x20, s8, s19, $0xb8;
	[tilespmem:$0xEC40] =	vst v63  }
0x6f: {  	_ =	swait.ge [sflag:s31], $0xFA0  }
0x70: {  	[sflag:s31] =	ssyncset.done $0x0  }
0x71: {  	s8 =	sadd.s32 $0x280, s6;
	[sflag:s31] =	ssyncadd.s32 $0xFFFFF060  }
0x72: {  	[tilespmem:s22], [sflag:$0x2] =	stream.indirect.gather [hbm4b:s4+s19], $0x20, s8, s19, $0xb8;
	[tilespmem:$0xEC40] =	vst v63  }
0x73: {  	_ =	swait.ge [sflag:s0], $0xFA0  }
0x74: {  	[sflag:s0] =	ssyncset.done $0x0  }
0x75: {  	s8 =	sadd.s32 $0x2900, s6;
	[sflag:s0] =	ssyncadd.s32 $0xFFFFF060  }
0x76: {  	[spmem:s2] =	stream.indirect.scatter.add.bf16 [tilespmem:s24], [sflag:$0x7], $0x20, s8, s19, $0xb8;
	[tilespmem:$0xEC40] =	vst v63  }
0x77: {  	_ =	swait.ge [sflag:s1], $0xFA0  }
0x78: {  	[sflag:s1] =	ssyncset.done $0x0  }
0x79: {  	s8 =	sadd.s32 $0x300, s6;
	[sflag:s1] =	ssyncadd.s32 $0xFFFFF060  }
0x7a: {  	[tilespmem:s24], [sflag:$0x3] =	stream.indirect.gather [hbm4b:s4+s19], $0x20, s8, s19, $0xb8;
	[tilespmem:$0xEC40] =	vst v63  }
0x7b: {  	_ =	swait.ge [sflag:s15], $0xFA0  }
0x7c: {  	[sflag:s15] =	ssyncset.done $0x0  }
.Ltmp0:
0x7d: {  	s8 =	sadd.s32 $0x2980, s6;
	[sflag:s15] =	ssyncadd.s32 $0xFFFFF060;
	(pc) =	sbr.rel @p0 .LBB2_2-.Ltmp0, $4  }
0x7e: {  	[spmem:s2] =	stream.indirect.scatter.add.bf16 [tilespmem:s26], [sflag:$0x8], $0x20, s8, s19, $0xb8;
	[tilespmem:$0xEC40] =	vst v63  }
0x7f: {  	_ =	swait.ge [sflag:s21], $0xFA0  }
0x80: {  	[sflag:s21] =	ssyncset.done $0x0  }
0x81: {  	s6 =	sadd.s32 $0x380, s6;
	[sflag:s21] =	ssyncadd.s32 $0xFFFFF060  }
0x82: {  	[tilespmem:s26], [sflag:$0x4] =	stream.indirect.gather [hbm4b:s4+s19], $0x20, s6, s19, $0xb8;
	[tilespmem:$0xEC40] =	vst v63  }
0x83: {  	_ =	swait.ge [sflag:s28], $0xFA0  }
0x84: {  	[sflag:s28] =	ssyncset.done $0x0  }
0x85: {  	s5 =	simm.s32 $0x4E00;
	[sflag:s28] =	ssyncadd.s32 $0xFFFFF060  }
0x86: {  	[spmem:s2] =	stream.indirect.scatter.add.bf16 [tilespmem:s20], [sflag:$0x5], $0x20, s5, s19, $0xb8;
	[tilespmem:$0xEC40] =	vst v63  }
0x87: {  	_ =	swait.ge [sflag:s29], $0xFA0  }
0x88: {  	[sflag:s29] =	ssyncset.done $0x0  }
0x89: {  	[sflag:s29] =	ssyncadd.s32 $0xFFFFF060  }
0x8a: {  	_ =	swait.ge [sflag:s30], $0xFA0  }
0x8b: {  	[sflag:s30] =	ssyncset.done $0x0  }
0x8c: {  	s8 =	simm.s32 $0x4E80;
	[sflag:s30] =	ssyncadd.s32 $0xFFFFF060  }
0x8d: {  	[spmem:s2] =	stream.indirect.scatter.add.bf16 [tilespmem:s22], [sflag:$0x6], $0x20, s8, s19, $0xb8;
	[tilespmem:$0xEC40] =	vst v63  }
0x8e: {  	_ =	swait.ge [sflag:s31], $0xFA0  }
0x8f: {  	[sflag:s31] =	ssyncset.done $0x0  }
0x90: {  	[sflag:s31] =	ssyncadd.s32 $0xFFFFF060  }
0x91: {  	_ =	swait.ge [sflag:s0], $0xFA0  }
0x92: {  	[sflag:s0] =	ssyncset.done $0x0  }
0x93: {  	s6 =	simm.s32 $0x4F00;
	[sflag:s0] =	ssyncadd.s32 $0xFFFFF060  }
0x94: {  	[spmem:s2] =	stream.indirect.scatter.add.bf16 [tilespmem:s24], [sflag:$0x7], $0x20, s6, s19, $0xb8;
	[tilespmem:$0xEC40] =	vst v63  }
0x95: {  	_ =	swait.ge [sflag:s1], $0xFA0  }
0x96: {  	[sflag:s1] =	ssyncset.done $0x0  }
0x97: {  	[sflag:s1] =	ssyncadd.s32 $0xFFFFF060  }
0x98: {  	_ =	swait.ge [sflag:s15], $0xFA0  }
0x99: {  	[sflag:s15] =	ssyncset.done $0x0  }
0x9a: {  	s8 =	simm.s32 $0x4F80;
	[sflag:s15] =	ssyncadd.s32 $0xFFFFF060  }
0x9b: {  	[spmem:s2] =	stream.indirect.scatter.add.bf16 [tilespmem:s26], [sflag:$0x8], $0x20, s8, s19, $0xb8;
	[tilespmem:$0xEC40] =	vst v63  }
0x9c: {  	s6 =	stileid.u32;
	_ =	swait.ge [sflag:s21], $0xFA0  }
0x9d: {  	s25 =	sadd.s32 $0x1, s25;
	s5 =	sshll.u32 s6, $0x6;
	[sflag:s21] =	ssyncset.done $0x0  }
0x9e: {  	p0 =	sne.s32 s25, s14;
	s5 =	sor.u32 $0x1C0B, s5;
	[sflag:s21] =	ssyncadd.s32 $0xFFFFF060  }
.Ltmp1:
0x9f: {  	s8 =	sshrl.u32 s7, $0x3;
	[bflag:$0x0] =	sbarrier.arrive $0xFFFF;
	(pc) =	sbr.rel @p0 .LBB2_1-.Ltmp1, $4  }
0xa0: {  	[hbm:s13], [sflag:s5] =	dma.local [spmem:s8], $0x9C4  }
0xa1: {  	_ =	swait.ge [sflag:s23], $0x9C4  }
0xa2: {  	[sflag:s23] =	ssyncset.done $0x0  }
0xa3: {  	[sflag:s23] =	ssyncadd.s32 $0xFFFFF63C  }
0xa4: {  	_ =	sfence.sel $0x180000  }
0xa5: {  	[bflag:$0x0] =	sbarrier.arrive $0xFFFF  }
0xa6: {  	_ =	strace $0x9000004A  }
0xa7: {  	s0 =	stileid.u32;
	[bflag:$0x2] =	sbarrier.arrive $0xFFFF  }
0xa8: {  	p0 =	sne.s32 s0, $0x0;
	s0 =	rddreg [dreg:$0x2]  }
0xa9: {  	s0 =	sadd.s32 @!p0 $0x100000, s0  }
0xaa: {  	[sflag:s0] =	ssyncadd.tile.s32 @!p0 $0x1;
	_ =	shalt  }
.Lfunc_end2:
_tile_overlayer_lowered:
.L_overlay_start_2:
0xab: {  	(tag) =	ssettag $0x2  }
0xac: {  	s0 =	rddreg [dreg:$0x0];
	s2 =	stileid.u32  }
0xad: {  	s1 =	rddreg [dreg:$0x1];
	p0 =	sne.s32 s2, $0x0  }
0xae: {  	s3 =	rddreg [dreg:$0x2];
	[bflag:$0x3] =	sbarrier.arrive $0xFFFF;
	s2 =	simm.s32 @!p0 $0x1C0B  }
0xaf: {  	[timem:s3], [sflag:s2] =	dma.local @!p0 [hbm:s0], s1  }
0xb0: {  	s0 =	simm.s32 @!p0 $0xB  }
0xb1: {  	_ =	swait.ge @!p0 [sflag:s0], s1  }
0xb2: {  	s1 =	ssub.s32 @!p0 $0x0, s1;
	[sflag:s0] =	ssyncset.done @!p0 $0x0  }
0xb3: {  	[sflag:s0] =	ssyncadd.s32 @!p0 s1  }
0xb4: {  	[bflag:$0x3] =	sbarrier.arrive $0xFFFF  }
0xb5: {  	_ =	shalt  }

// kernel: kernel.14.cloned.1.call-start
scs
__scs_entry_jumppad:
0x0: {  	(pc) =	sbr.rel $0x88, $3  }
0x1: {  	(tag) =	ssettag $0x0;
	lr =	simm.s32 $0x1  }
0x2: {  	[smem:$0x3F92] =	sst lr;
	_ =	strace $0xD0000000  }
0x3: {  	_ = 	snop  }
0x4: {  	_ = 	snop  }
0x5: {  	_ = 	snop  }
0x6: {  	_ = 	snop  }
0x7: {  	_ = 	snop  }
__scs_overlays_trampoline_lowered:
0x8: {  	[smem:$0x3FA1] =	sst s0  }
0x9: {  	[smem:$0x3FA2] =	sst s1  }
0xa: {  	[smem:$0x3FA3] =	sst s2  }
0xb: {  	[smem:$0x3FA4] =	sst s3  }
0xc: {  	[smem:$0x3FA5] =	sst s4  }
0xd: {  	[smem:$0x3FA6] =	sst s5  }
0xe: {  	[smem:$0x3FA7] =	sst s6  }
0xf: {  	[smem:$0x3FA8] =	sst s7  }
0x10: {  	[smem:$0x3FA9] =	sst s8  }
0x11: {  	[smem:$0x3FAA] =	sst s9;
	s0 =	simm.s32 @!p0 $0x0  }
0x12: {  	s1 =	sld [smem:$0x3F90];
	s0 =	simm.s32 @p0 $0x1  }
0x13: {  	[smem:$0x3FAB] =	sst s0;
	s0 =	simm.s32 @!p1 $0x0  }
0x14: {  	s2 =	sld [smem:$0x3F8F];
	s0 =	simm.s32 @p1 $0x1  }
0x15: {  	[smem:$0x3FAC] =	sst s0;
	s0 =	simm.s32 @!p2 $0x0  }
0x16: {  	s3 =	sld [smem:$0x3FDB];
	s0 =	simm.s32 @p2 $0x1  }
0x17: {  	s4 =	simm.s32 $0x1BF5;
	[smem:$0x3FAE] =	sst s0  }
0x18: {  	s0 =	sld [smem:$0x3F91];
	_ =	swait.ge [sflag:s4], $0x0  }
0x19: {  	s7 =	sld [smem:$0x3F92]  }
0x1a: {  	s8 =	sadd.s32 $0xFFFFE003, lr  }
0x1b: {  	s9 =	sadd.s32 $0xFFFFFEF7, lr;
	s5 =	simm.s32 $0xFFFFFFFF;
	p2 =	slt.u32 s8, $0xFFFFF086  }
0x1c: {  	p1 =	slt.u32 s9, $0xF7A;
	s5 =	simm.s32 @!p2 $0x0  }
0x1d: {  	s5 =	simm.s32 @p1 $0x1;
	p0 =	seq.s32 s7, s2  }
0x1e: {  	s7 =	smul.u32 @!p0 $0xF7A, s2;
	p2 =	seq.s32 @!p0 s5, $0x0  }
0x1f: {  	s9 =	smul.u32 $0xF7A, s1;
	s8 =	simm.s32 @!p0 $0x1BF5;
	p2 =	por !p2, p0  }
0x20: {  	[sflag:s8] =	ssyncset.s32 @!p0 $0xFFFFF086;
	s6 =	sadd.s32 @!p0 s3, s7;
	s7 =	simm.s32 @!p0 $0x108  }
0x21: {  	s3 =	sadd.s32 s3, s9;
	s6 =	sadd.s32 @!p0 $0x88, s6;
	s7 =	simm.s32 @p2 $0x1082  }
0x22: {  	[simem:s7], [sflag:s8] =	dma.local @!p0 [hbm:s6], $0xF7A  }
0x23: {  	s9 =	sor.u32 $0xD0000000, s2;
	s6 =	simm.s32 $0x108;
	_ =	swait.ge @!p0 [sflag:s8], $0x0  }
0x24: {  	s3 =	sadd.s32 $0x88, s3;
	s6 =	simm.s32 @!p1 $0x1082;
	[sflag:s4] =	ssyncset.s32 $0xFFFFF086  }
0x25: {  	[simem:s6], [sflag:s4] =	dma.local [hbm:s3], $0xF7A  }
0x26: {  	[smem:$0x3F92] =	sst s1;
	(tag) =	ssettag s2;
	_ =	strace s9  }
0x27: {  	s1 =	sld [smem:$0x3FA2]  }
0x28: {  	s2 =	sld [smem:$0x3FA3]  }
0x29: {  	s4 =	sld [smem:$0x3FA5]  }
0x2a: {  	p0 =	seq.s32 s5, $0x0;
	s5 =	sld [smem:$0x3FA6]  }
0x2b: {  	s6 =	sld [smem:$0x3FA7]  }
0x2c: {  	s7 =	sld [smem:$0x3FA8]  }
0x2d: {  	s3 =	simm.s32 $0x108;
	s8 =	sld [smem:$0x3FA9]  }
0x2e: {  	s3 =	simm.s32 @!p0 $0x1082;
	s9 =	sld [smem:$0x3FAA]  }
0x2f: {  	lr =	sadd.s32 s0, s3;
	s0 =	sld [smem:$0x3FA1]  }
0x30: {  	s3 =	sld [smem:$0x3FA4]  }
0x31: {  	[smem:$0x3FAD] =	sst s10  }
0x32: {  	s10 =	sld [smem:$0x3FAB];
	_ =	sdelay $0x3  }
0x33: {  	p0 =	seq.s32 s10, $0x1;
	s10 =	sld [smem:$0x3FAD];
	_ =	sdelay $0x3  }
0x34: {  	[smem:$0x3FAD] =	sst s10  }
0x35: {  	s10 =	sld [smem:$0x3FAC];
	_ =	sdelay $0x3  }
0x36: {  	p1 =	seq.s32 s10, $0x1;
	s10 =	sld [smem:$0x3FAD];
	_ =	sdelay $0x3  }
0x37: {  	[smem:$0x3FAD] =	sst s10  }
0x38: {  	s10 =	sld [smem:$0x3FAE]  }
0x39: {  	_ = 	snop;
	(pc) =	sbr.ind lr, $3  }
0x3a: {  	_ = 	snop  }
0x3b: {  	_ = 	snop  }
0x3c: {  	p2 =	seq.s32 s10, $0x1;
	s10 =	sld [smem:$0x3FAD]  }
0x3d: {  	_ =	shalt  }
0x3e: {  	_ =	shalt  }
0x3f: {  	_ =	shalt  }
0x40: {  	_ =	shalt  }
0x41: {  	_ =	shalt  }
0x42: {  	_ =	shalt  }
0x43: {  	_ =	shalt  }
0x44: {  	_ =	shalt  }
0x45: {  	_ =	shalt  }
0x46: {  	_ =	shalt  }
0x47: {  	_ =	shalt  }
0x48: {  	_ =	shalt  }
0x49: {  	_ =	shalt  }
0x4a: {  	_ =	shalt  }
0x4b: {  	_ =	shalt  }
0x4c: {  	_ =	shalt  }
0x4d: {  	_ =	shalt  }
0x4e: {  	_ =	shalt  }
0x4f: {  	_ =	shalt  }
0x50: {  	_ =	shalt  }
0x51: {  	_ =	shalt  }
0x52: {  	_ =	shalt  }
0x53: {  	_ =	shalt  }
0x54: {  	_ =	shalt  }
0x55: {  	_ =	shalt  }
0x56: {  	_ =	shalt  }
0x57: {  	_ =	shalt  }
0x58: {  	_ =	shalt  }
0x59: {  	_ =	shalt  }
0x5a: {  	_ =	shalt  }
0x5b: {  	_ =	shalt  }
0x5c: {  	_ =	shalt  }
0x5d: {  	_ =	shalt  }
0x5e: {  	_ =	shalt  }
0x5f: {  	_ =	shalt  }
0x60: {  	_ =	shalt  }
0x61: {  	_ =	shalt  }
0x62: {  	_ =	shalt  }
0x63: {  	_ =	shalt  }
0x64: {  	_ =	shalt  }
0x65: {  	_ =	shalt  }
0x66: {  	_ =	shalt  }
0x67: {  	_ =	shalt  }
0x68: {  	_ =	shalt  }
0x69: {  	_ =	shalt  }
0x6a: {  	_ =	shalt  }
0x6b: {  	_ =	shalt  }
0x6c: {  	_ =	shalt  }
0x6d: {  	_ =	shalt  }
0x6e: {  	_ =	shalt  }
0x6f: {  	_ =	shalt  }
0x70: {  	_ =	shalt  }
0x71: {  	_ =	shalt  }
0x72: {  	_ =	shalt  }
0x73: {  	_ =	shalt  }
0x74: {  	_ =	shalt  }
0x75: {  	_ =	shalt  }
0x76: {  	_ =	shalt  }
0x77: {  	_ =	shalt  }
0x78: {  	_ =	shalt  }
0x79: {  	_ =	shalt  }
0x7a: {  	_ =	shalt  }
0x7b: {  	_ =	shalt  }
0x7c: {  	_ =	shalt  }
0x7d: {  	_ =	shalt  }
0x7e: {  	_ =	shalt  }
0x7f: {  	_ =	shalt  }
0x80: {  	_ =	shalt  }
0x81: {  	_ =	shalt  }
0x82: {  	_ =	shalt  }
0x83: {  	_ =	shalt  }
0x84: {  	_ =	shalt  }
0x85: {  	_ =	shalt  }
0x86: {  	_ =	shalt  }
0x87: {  	_ =	shalt  }
.Lfunc_end0:
.L_simem_size_0:
called_computation.2_lowered:
.L_overlay_start_0:
0x88: {  	s2 =	sld [smem:$0x3FD9]  }
0x89: {  	s3 =	sld [smem:$0x3FFE];
	_ =	sdelay $0x1  }
0x8a: {  	s1 =	srdreg.scid  }
0x8b: {  	s0 =	sand.u32 $0x1, s1  }
0x8c: {  	s16 =	sshll.u32 s0, $0xA;
	s2 =	sadd.s32 s3, s2  }
0x8d: {  	s2 =	sadd.s32 s2, s16  }
0x8e: {  	[smem:$0x3FB9] =	sst s2  }
0x8f: {  	_ = 	snop  }
0x90: {  	(tm) =	ssettm $0x1  }
0x91: {  	s17 =	sld [smem:$0x3FFB];
	_ =	sdelay $0x3  }
0x92: {  	_ =	strace s17  }
0x93: {  	s2 =	sld [smem:$0x3FFC];
	_ =	sdelay $0x3  }
0x94: {  	_ =	strace s2  }
0x95: {  	s2 =	sld [smem:$0x3FFD];
	_ =	sdelay $0x3  }
0x96: {  	_ =	strace s2  }
0x97: {  	_ =	strace $0x8FFFFFFF  }
0x98: {  	s18 =	sld [smem:$0x3FDB];
	_ =	sdelay $0x1  }
0x99: {  	s19 =	simm.s32 $_scs_section_size  }
0x9a: {  	s4 =	simm.s32 $_size__tile_overlayer_lowered;
	s5 =	simm.s32 $_tile_overlayer_lowered  }
0x9b: {  	s22 =	simm.s32 $0x1BFF;
	s21 =	sshll.u32 s5, $0x1;
	s2 =	sadd.s32 s19, s18  }
0x9c: {  	s6 =	simm.s32 $0x0;
	s20 =	sshll.u32 s4, $0x1;
	s4 =	sadd.s32 s21, s2  }
0x9d: {  	[timem:s6], [sflag:s22] =	dma.local [hbm:s4], s20  }
0x9e: {  	_ =	swait.ge [sflag:s22], s20  }
0x9f: {  	s3 =	ssub.s32 $0x0, s20;
	[sflag:s22] =	ssyncset.done $0x0  }
0xa0: {  	[sflag:s22] =	ssyncadd.s32 s3;
	_ =	sdelay $0x1  }
0xa1: {  	s23 =	simm.s32 $0x1B8B  }
0xa2: {  	_ =	swait.ge [sflag:s23], $0x1  }
0xa3: {  	[sflag:s23] =	ssyncset.done $0x0  }
0xa4: {  	s25 =	simm.s32 $0x1B8E;
	s24 =	sld [smem:$0x3FFE];
	[sflag:s23] =	ssyncadd.s32 $0xFFFFFFFF  }
0xa5: {  	s26 =	simm.s32 $execute0_lowered;
	[smem:$0x3FD2] =	sst s25  }
0xa6: {  	s4 =	sshll.u32 s26, $0x1;
	_ =	strace $0x8000004C;
	[dreg:$0x1] =	wrdreg $0xFFFFFFFF  }
0xa7: {  	s28 =	simm.s32 $_size_execute0_lowered;
	s2 =	sadd.s32 s2, s4;
	[dreg:$0x0] =	wrdreg $0x0  }
0xa8: {  	s4 =	sshll.u32 s28, $0x1;
	[dreg:$0x2] =	wrdreg s2  }
0xa9: {  	[dreg:$0x3] =	wrdreg s4  }
0xaa: {  	[dreg:$0x4] =	wrdreg $0xC0  }
0xab: {  	_ =	task [dreg:s6], $0x5FFFF  }
0xac: {  	[dreg:$0x1] =	wrdreg $0xFFFFFFFF  }
0xad: {  	[dreg:$0x0] =	wrdreg $0x60  }
0xae: {  	[dreg:$0x2] =	wrdreg s24  }
0xaf: {  	[dreg:$0x3] =	wrdreg $0x9E200  }
0xb0: {  	[dreg:$0x4] =	wrdreg $0x9  }
0xb1: {  	_ =	task.clear_ibuf [dreg:s6], $0x5FFFF;
	_ =	strace $0x9000004C  }
0xb2: {  	s29 =	simm.s32 $0x9;
	_ =	strace $0x8000004E  }
0xb3: {  	_ =	swait.ge [sflag:s29], $0x1  }
0xb4: {  	[sflag:s29] =	ssyncadd.s32 $0xFFFFFFFF  }
0xb5: {  	_ =	strace $0x9000004E  }
0xb6: {  	_ =	sfence  }
0xb7: {  	s30 =	sld [smem:$0x0];
	_ =	sdelay $0x2  }
0xb8: {  	s31 =	sshll.u32 s1, $0xD;
	s1 =	sshrl.u32 s1, $0x2  }
0xb9: {  	s3 =	sand.u32 $0x4000, s31;
	s1 =	sadd.s32 s1, s30  }
0xba: {  	s0 =	sor.u32 s3, s0;
	s1 =	sshll.u32 s1, $0x11  }
0xbb: {  	s0 =	sor.u32 s1, s0  }
0xbc: {  	s0 =	sadd.s32 $0x8F2B, s0  }
0xbd: {  	[sflag:s0] =	ssyncadd.remote.s32 $0x1  }
0xbe: {  	_ =	sfence.sel $0xFFFF  }
0xbf: {  	[dreg:$0x0] =	wrdreg $0xFFFFFFFF;
	(pc) =	sbr.abs _section_cstart, $3  }
0xc0: {  	[dreg:$0x1] =	wrdreg $0xFFFFFFFF  }
0xc1: {  	_ =	task.clear_ibuf [dreg:s6], $0x2FFFF;
	_ =	strace $0x9FFFFFFF  }
0xc2: {  	(tm) =	ssettm $0x7FFFFFFF  }
0xc3: {  	_ =	shalt  }
tec
execute0_lowered:
.L_overlay_start_1:
0x0: {  	(tag) =	ssettag $0x1  }
0x1: {  	s0 =	srdreg.scid;
	s1 =	rddreg [dreg:$0x0]  }
0x2: {  	s2 =	rddreg [dreg:$0x1];
	s7 =	stileid.u32  }
0x3: {  	s3 =	simm.s32 $0x0;
	s16 =	simm.s32 $0x8E80;
	s17 =	simm.s32 $0xA  }
0x4: {  	s18 =	simm.s32 $0x9;
	s19 =	simm.s32 $0x7D;
	s20 =	simm.s32 $0x5000  }
0x5: {  	s22 =	simm.s32 $0x5FA0;
	s24 =	simm.s32 $0x6F40;
	s28 =	simm.s32 $0x1  }
0x6: {  	s29 =	simm.s32 $0x5;
	s30 =	simm.s32 $0x2;
	s31 =	simm.s32 $0x6  }
0x7: {  	s15 =	simm.s32 $0x4;
	s21 =	simm.s32 $0x8;
	s0 =	sand.u32 $0x1, s0  }
0x8: {  	s23 =	simm.s32 $0xB;
	[smem:$0x7FF] =	sst s3;
	s4 =	sshll.u32 s0, $0x4  }
0x9: {  	s8 =	sadd.s32 $0x20800, s1;
	s4 =	sor.u32 s7, s4;
	s7 =	smul.u32 $0x13880, s7  }
0xa: {  	_ =	strace $0x8000004D;
	s0 =	ssub.s32 $0x2, s0;
	s5 =	smul.u32 $0x2800, s4  }
0xb: {  	[dreg:$0x3] =	wrdreg s8;
	s25 =	sshrl.u32 s0, $0x1;
	s6 =	smul.u32 $0x9C4, s4  }
0xc: {  	s4 =	sadd.s32 $0x16A00, s1;
	s0 =	ssub.s32 s0, s25;
	s25 =	simm.s32 $0x0  }
0xd: {  	s7 =	sshrl.u32 s7, $0x2;
	s14 =	smax.u32 s0, $0x1;
	s5 =	sshrl.u32 s5, $0x3  }
0xe: {  	s0 =	simm.s32 $0x3;
	s7 =	sadd.s32 s7, s2;
	s5 =	sadd.s32 s5, s1  }
0xf: {  	s1 =	sadd.s32 s6, s1;
	s9 =	sadd.s32 $0xFA0, s7;
	s10 =	sadd.s32 $0x1F40, s7  }
0x10: {  	s11 =	sadd.s32 $0x2EE0, s7;
	s12 =	sadd.s32 $0x3E80, s7;
	s26 =	sadd.s32 $0x2A00, s5  }
0x11: {  	s5 =	sadd.s32 $0xCA00, s5;
	s13 =	sadd.s32 $0x20A00, s1;
	[dreg:$0x4] =	wrdreg s26  }
0x12: {  	s1 =	simm.s32 $0x7;
	[dreg:$0x5] =	wrdreg s5;
	s26 =	simm.s32 $0x7EE0  }
.LBB2_1:
0x13: {  	s5 =	rddreg [dreg:$0x4]  }
0x14: {  	[tilespmem:s3], [sflag:$0x9] =	stream.linear.gather [hbm4b:s5+s3], $0x2800, $0x38;
	[tilespmem:$0xEC40] =	vst v63  }
0x15: {  	s8 =	rddreg [dreg:$0x5];
	s6 =	simm.s32 $0x2800  }
0x16: {  	[tilespmem:s6], [sflag:$0x9] =	stream.linear.gather [hbm4b:s8+s3], $0x2800, $0x38;
	[tilespmem:$0xEC40] =	vst v63  }
0x17: {  	s8 =	rddreg [dreg:$0x3]  }
0x18: {  	[tilespmem:s16], [sflag:$0xA] =	stream.linear.gather [hbm4b:s8+s3], $0xFA0, $0x38;
	[tilespmem:$0xEC40] =	vst v63  }
0x19: {  	_ =	swait.ge [sflag:s17], $0xFA0  }
0x1a: {  	[sflag:s17] =	ssyncset.done $0x0  }
0x1b: {  	[sflag:s17] =	ssyncadd.s32 $0xFFFFF060  }
0x1c: {  	[spmem:s7] =	stream.linear.scatter [tilespmem:s16], [sflag:$0xA], $0xFA0, $0x38;
	[tilespmem:$0xEC40] =	vst v63  }
0x1d: {  	_ = 	snop  }
0x1e: {  	[spmem:s9] =	stream.linear.scatter [tilespmem:s16], [sflag:$0xA], $0xFA0, $0x38;
	[tilespmem:$0xEC40] =	vst v63  }
0x1f: {  	_ = 	snop  }
0x20: {  	[spmem:s10] =	stream.linear.scatter [tilespmem:s16], [sflag:$0xA], $0xFA0, $0x38;
	[tilespmem:$0xEC40] =	vst v63  }
0x21: {  	_ = 	snop  }
0x22: {  	[spmem:s11] =	stream.linear.scatter [tilespmem:s16], [sflag:$0xA], $0xFA0, $0x38;
	[tilespmem:$0xEC40] =	vst v63  }
0x23: {  	_ = 	snop  }
0x24: {  	[spmem:s12] =	stream.linear.scatter [tilespmem:s16], [sflag:$0xA], $0xFA0, $0x38;
	[tilespmem:$0xEC40] =	vst v63  }
0x25: {  	_ =	swait.ge [sflag:s18], $0x2800  }
0x26: {  	[sflag:s18] =	ssyncset.done $0x0  }
0x27: {  	[sflag:s18] =	ssyncadd.s32 $0xFFFFD800  }
0x28: {  	_ =	swait.ge [sflag:s18], $0x2800  }
0x29: {  	[sflag:s18] =	ssyncset.done $0x0  }
0x2a: {  	[sflag:s18] =	ssyncadd.s32 $0xFFFFD800  }
0x2b: {  	[tilespmem:s20], [sflag:$0x1] =	stream.indirect.gather [hbm4b:s4+s19], $0x20, s3, s19, $0xb8;
	[tilespmem:$0xEC40] =	vst v63  }
0x2c: {  	s6 =	simm.s32 $0x80  }
0x2d: {  	[tilespmem:s22], [sflag:$0x2] =	stream.indirect.gather [hbm4b:s4+s19], $0x20, s6, s19, $0xb8;
	[tilespmem:$0xEC40] =	vst v63  }
0x2e: {  	s8 =	simm.s32 $0x100  }
0x2f: {  	[tilespmem:s24], [sflag:$0x3] =	stream.indirect.gather [hbm4b:s4+s19], $0x20, s8, s19, $0xb8;
	[tilespmem:$0xEC40] =	vst v63  }
0x30: {  	s6 =	simm.s32 $0x180  }
0x31: {  	[tilespmem:s26], [sflag:$0x4] =	stream.indirect.gather [hbm4b:s4+s19], $0x20, s6, s19, $0xb8;
	[tilespmem:$0xEC40] =	vst v63  }
0x32: {  	_ =	swait.ge [sflag:s17], $0xFA0  }
0x33: {  	[sflag:s17] =	ssyncset.done $0x0  }
0x34: {  	[sflag:s17] =	ssyncadd.s32 $0xFFFFF060  }
0x35: {  	_ =	swait.ge [sflag:s17], $0xFA0  }
0x36: {  	[sflag:s17] =	ssyncset.done $0x0  }
0x37: {  	[sflag:s17] =	ssyncadd.s32 $0xFFFFF060  }
0x38: {  	_ =	swait.ge [sflag:s17], $0xFA0  }
0x39: {  	[sflag:s17] =	ssyncset.done $0x0  }
0x3a: {  	[sflag:s17] =	ssyncadd.s32 $0xFFFFF060  }
0x3b: {  	_ =	swait.ge [sflag:s17], $0xFA0  }
0x3c: {  	[sflag:s17] =	ssyncset.done $0x0  }
0x3d: {  	[sflag:s17] =	ssyncadd.s32 $0xFFFFF060  }
0x3e: {  	_ =	swait.ge [sflag:s17], $0xFA0  }
0x3f: {  	[sflag:s17] =	ssyncset.done $0x0  }
0x40: {  	[sflag:s17] =	ssyncadd.s32 $0xFFFFF060  }
0x41: {  	[bflag:$0x0] =	sbarrier.arrive $0xFFFF  }
0x42: {  	_ =	swait.ge [sflag:s28], $0xFA0  }
0x43: {  	[sflag:s28] =	ssyncset.done $0x0  }
0x44: {  	s8 =	simm.s32 $0x2800;
	[sflag:s28] =	ssyncadd.s32 $0xFFFFF060  }
0x45: {  	[spmem:s2] =	stream.indirect.scatter.add.bf16 [tilespmem:s20], [sflag:$0x5], $0x20, s8, s19, $0xb8;
	[tilespmem:$0xEC40] =	vst v63  }
0x46: {  	_ =	swait.ge [sflag:s29], $0xFA0  }
0x47: {  	[sflag:s29] =	ssyncset.done $0x0  }
0x48: {  	s6 =	simm.s32 $0x200;
	[sflag:s29] =	ssyncadd.s32 $0xFFFFF060  }
0x49: {  	[tilespmem:s20], [sflag:$0x1] =	stream.indirect.gather [hbm4b:s4+s19], $0x20, s6, s19, $0xb8;
	[tilespmem:$0xEC40] =	vst v63  }
0x4a: {  	_ =	swait.ge [sflag:s30], $0xFA0  }
0x4b: {  	[sflag:s30] =	ssyncset.done $0x0  }
0x4c: {  	s8 =	simm.s32 $0x2880;
	[sflag:s30] =	ssyncadd.s32 $0xFFFFF060  }
0x4d: {  	[spmem:s2] =	stream.indirect.scatter.add.bf16 [tilespmem:s22], [sflag:$0x6], $0x20, s8, s19, $0xb8;
	[tilespmem:$0xEC40] =	vst v63  }
0x4e: {  	_ =	swait.ge [sflag:s31], $0xFA0  }
0x4f: {  	[sflag:s31] =	ssyncset.done $0x0  }
0x50: {  	s6 =	simm.s32 $0x280;
	[sflag:s31] =	ssyncadd.s32 $0xFFFFF060  }
0x51: {  	[tilespmem:s22], [sflag:$0x2] =	stream.indirect.gather [hbm4b:s4+s19], $0x20, s6, s19, $0xb8;
	[tilespmem:$0xEC40] =	vst v63  }
0x52: {  	_ =	swait.ge [sflag:s0], $0xFA0  }
0x53: {  	[sflag:s0] =	ssyncset.done $0x0  }
0x54: {  	s8 =	simm.s32 $0x2900;
	[sflag:s0] =	ssyncadd.s32 $0xFFFFF060  }
0x55: {  	[spmem:s2] =	stream.indirect.scatter.add.bf16 [tilespmem:s24], [sflag:$0x7], $0x20, s8, s19, $0xb8;
	[tilespmem:$0xEC40] =	vst v63  }
0x56: {  	_ =	swait.ge [sflag:s1], $0xFA0  }
0x57: {  	[sflag:s1] =	ssyncset.done $0x0  }
0x58: {  	s6 =	simm.s32 $0x300;
	[sflag:s1] =	ssyncadd.s32 $0xFFFFF060  }
0x59: {  	[tilespmem:s24], [sflag:$0x3] =	stream.indirect.gather [hbm4b:s4+s19], $0x20, s6, s19, $0xb8;
	[tilespmem:$0xEC40] =	vst v63  }
0x5a: {  	_ =	swait.ge [sflag:s15], $0xFA0  }
0x5b: {  	[sflag:s15] =	ssyncset.done $0x0  }
0x5c: {  	s8 =	simm.s32 $0x2980;
	[sflag:s15] =	ssyncadd.s32 $0xFFFFF060  }
0x5d: {  	[spmem:s2] =	stream.indirect.scatter.add.bf16 [tilespmem:s26], [sflag:$0x8], $0x20, s8, s19, $0xb8;
	[tilespmem:$0xEC40] =	vst v63  }
0x5e: {  	_ =	swait.ge [sflag:s21], $0xFA0  }
0x5f: {  	[sflag:s21] =	ssyncset.done $0x0  }
0x60: {  	s5 =	simm.s32 $0x800;
	s6 =	simm.s32 $0x380;
	[sflag:s21] =	ssyncadd.s32 $0xFFFFF060  }
.LBB2_2:
0x61: {  	[tilespmem:s26], [sflag:$0x4] =	stream.indirect.gather [hbm4b:s4+s19], $0x20, s6, s19, $0xb8;
	[tilespmem:$0xEC40] =	vst v63  }
0x62: {  	s6 =	smov.u32 s5  }
0x63: {  	p0 =	sne.s32 s5, $0x9000;
	s5 =	sadd.s32 $0x800, s5;
	_ =	swait.ge [sflag:s28], $0xFA0  }
0x64: {  	s6 =	sshra.s32 s6, $0x2;
	[sflag:s28] =	ssyncset.done $0x0  }
0x65: {  	s8 =	sadd.s32 $0x2800, s6;
	[sflag:s28] =	ssyncadd.s32 $0xFFFFF060  }
0x66: {  	[spmem:s2] =	stream.indirect.scatter.add.bf16 [tilespmem:s20], [sflag:$0x5], $0x20, s8, s19, $0xb8;
	[tilespmem:$0xEC40] =	vst v63  }
0x67: {  	_ =	swait.ge [sflag:s29], $0xFA0  }
0x68: {  	[sflag:s29] =	ssyncset.done $0x0  }
0x69: {  	s8 =	sadd.s32 $0x200, s6;
	[sflag:s29] =	ssyncadd.s32 $0xFFFFF060  }
0x6a: {  	[tilespmem:s20], [sflag:$0x1] =	stream.indirect.gather [hbm4b:s4+s19], $0x20, s8, s19, $0xb8;
	[tilespmem:$0xEC40] =	vst v63  }
0x6b: {  	_ =	swait.ge [sflag:s30], $0xFA0  }
0x6c: {  	[sflag:s30] =	ssyncset.done $0x0  }
0x6d: {  	s8 =	sadd.s32 $0x2880, s6;
	[sflag:s30] =	ssyncadd.s32 $0xFFFFF060  }
0x6e: {  	[spmem:s2] =	stream.indirect.scatter.add.bf16 [tilespmem:s22], [sflag:$0x6], $0x20, s8, s19, $0xb8;
	[tilespmem:$0xEC40] =	vst v63  }
0x6f: {  	_ =	swait.ge [sflag:s31], $0xFA0  }
0x70: {  	[sflag:s31] =	ssyncset.done $0x0  }
0x71: {  	s8 =	sadd.s32 $0x280, s6;
	[sflag:s31] =	ssyncadd.s32 $0xFFFFF060  }
0x72: {  	[tilespmem:s22], [sflag:$0x2] =	stream.indirect.gather [hbm4b:s4+s19], $0x20, s8, s19, $0xb8;
	[tilespmem:$0xEC40] =	vst v63  }
0x73: {  	_ =	swait.ge [sflag:s0], $0xFA0  }
0x74: {  	[sflag:s0] =	ssyncset.done $0x0  }
0x75: {  	s8 =	sadd.s32 $0x2900, s6;
	[sflag:s0] =	ssyncadd.s32 $0xFFFFF060  }
0x76: {  	[spmem:s2] =	stream.indirect.scatter.add.bf16 [tilespmem:s24], [sflag:$0x7], $0x20, s8, s19, $0xb8;
	[tilespmem:$0xEC40] =	vst v63  }
0x77: {  	_ =	swait.ge [sflag:s1], $0xFA0  }
0x78: {  	[sflag:s1] =	ssyncset.done $0x0  }
0x79: {  	s8 =	sadd.s32 $0x300, s6;
	[sflag:s1] =	ssyncadd.s32 $0xFFFFF060  }
0x7a: {  	[tilespmem:s24], [sflag:$0x3] =	stream.indirect.gather [hbm4b:s4+s19], $0x20, s8, s19, $0xb8;
	[tilespmem:$0xEC40] =	vst v63  }
0x7b: {  	_ =	swait.ge [sflag:s15], $0xFA0  }
0x7c: {  	[sflag:s15] =	ssyncset.done $0x0  }
.Ltmp0:
0x7d: {  	s8 =	sadd.s32 $0x2980, s6;
	[sflag:s15] =	ssyncadd.s32 $0xFFFFF060;
	(pc) =	sbr.rel @p0 .LBB2_2-.Ltmp0, $4  }
0x7e: {  	[spmem:s2] =	stream.indirect.scatter.add.bf16 [tilespmem:s26], [sflag:$0x8], $0x20, s8, s19, $0xb8;
	[tilespmem:$0xEC40] =	vst v63  }
0x7f: {  	_ =	swait.ge [sflag:s21], $0xFA0  }
0x80: {  	[sflag:s21] =	ssyncset.done $0x0  }
0x81: {  	s6 =	sadd.s32 $0x380, s6;
	[sflag:s21] =	ssyncadd.s32 $0xFFFFF060  }
0x82: {  	[tilespmem:s26], [sflag:$0x4] =	stream.indirect.gather [hbm4b:s4+s19], $0x20, s6, s19, $0xb8;
	[tilespmem:$0xEC40] =	vst v63  }
0x83: {  	_ =	swait.ge [sflag:s28], $0xFA0  }
0x84: {  	[sflag:s28] =	ssyncset.done $0x0  }
0x85: {  	s5 =	simm.s32 $0x4E00;
	[sflag:s28] =	ssyncadd.s32 $0xFFFFF060  }
0x86: {  	[spmem:s2] =	stream.indirect.scatter.add.bf16 [tilespmem:s20], [sflag:$0x5], $0x20, s5, s19, $0xb8;
	[tilespmem:$0xEC40] =	vst v63  }
0x87: {  	_ =	swait.ge [sflag:s29], $0xFA0  }
0x88: {  	[sflag:s29] =	ssyncset.done $0x0  }
0x89: {  	[sflag:s29] =	ssyncadd.s32 $0xFFFFF060  }
0x8a: {  	_ =	swait.ge [sflag:s30], $0xFA0  }
0x8b: {  	[sflag:s30] =	ssyncset.done $0x0  }
0x8c: {  	s8 =	simm.s32 $0x4E80;
	[sflag:s30] =	ssyncadd.s32 $0xFFFFF060  }
0x8d: {  	[spmem:s2] =	stream.indirect.scatter.add.bf16 [tilespmem:s22], [sflag:$0x6], $0x20, s8, s19, $0xb8;
	[tilespmem:$0xEC40] =	vst v63  }
0x8e: {  	_ =	swait.ge [sflag:s31], $0xFA0  }
0x8f: {  	[sflag:s31] =	ssyncset.done $0x0  }
0x90: {  	[sflag:s31] =	ssyncadd.s32 $0xFFFFF060  }
0x91: {  	_ =	swait.ge [sflag:s0], $0xFA0  }
0x92: {  	[sflag:s0] =	ssyncset.done $0x0  }
0x93: {  	s6 =	simm.s32 $0x4F00;
	[sflag:s0] =	ssyncadd.s32 $0xFFFFF060  }
0x94: {  	[spmem:s2] =	stream.indirect.scatter.add.bf16 [tilespmem:s24], [sflag:$0x7], $0x20, s6, s19, $0xb8;
	[tilespmem:$0xEC40] =	vst v63  }
0x95: {  	_ =	swait.ge [sflag:s1], $0xFA0  }
0x96: {  	[sflag:s1] =	ssyncset.done $0x0  }
0x97: {  	[sflag:s1] =	ssyncadd.s32 $0xFFFFF060  }
0x98: {  	_ =	swait.ge [sflag:s15], $0xFA0  }
0x99: {  	[sflag:s15] =	ssyncset.done $0x0  }
0x9a: {  	s8 =	simm.s32 $0x4F80;
	[sflag:s15] =	ssyncadd.s32 $0xFFFFF060  }
0x9b: {  	[spmem:s2] =	stream.indirect.scatter.add.bf16 [tilespmem:s26], [sflag:$0x8], $0x20, s8, s19, $0xb8;
	[tilespmem:$0xEC40] =	vst v63  }
0x9c: {  	s6 =	stileid.u32;
	_ =	swait.ge [sflag:s21], $0xFA0  }
0x9d: {  	s25 =	sadd.s32 $0x1, s25;
	s5 =	sshll.u32 s6, $0x6;
	[sflag:s21] =	ssyncset.done $0x0  }
0x9e: {  	p0 =	sne.s32 s25, s14;
	s5 =	sor.u32 $0x1C0B, s5;
	[sflag:s21] =	ssyncadd.s32 $0xFFFFF060  }
.Ltmp1:
0x9f: {  	s8 =	sshrl.u32 s7, $0x3;
	[bflag:$0x0] =	sbarrier.arrive $0xFFFF;
	(pc) =	sbr.rel @p0 .LBB2_1-.Ltmp1, $4  }
0xa0: {  	[hbm:s13], [sflag:s5] =	dma.local [spmem:s8], $0x9C4  }
0xa1: {  	_ =	swait.ge [sflag:s23], $0x9C4  }
0xa2: {  	[sflag:s23] =	ssyncset.done $0x0  }
0xa3: {  	[sflag:s23] =	ssyncadd.s32 $0xFFFFF63C  }
0xa4: {  	_ =	sfence.sel $0x180000  }
0xa5: {  	[bflag:$0x0] =	sbarrier.arrive $0xFFFF  }
0xa6: {  	_ =	strace $0x9000004D  }
0xa7: {  	s0 =	stileid.u32;
	[bflag:$0x2] =	sbarrier.arrive $0xFFFF  }
0xa8: {  	p0 =	sne.s32 s0, $0x0;
	s0 =	rddreg [dreg:$0x2]  }
0xa9: {  	s0 =	sadd.s32 @!p0 $0x100000, s0  }
0xaa: {  	[sflag:s0] =	ssyncadd.tile.s32 @!p0 $0x1;
	_ =	shalt  }
.Lfunc_end2:
_tile_overlayer_lowered:
.L_overlay_start_2:
0xab: {  	(tag) =	ssettag $0x2  }
0xac: {  	s0 =	rddreg [dreg:$0x0];
	s2 =	stileid.u32  }
0xad: {  	s1 =	rddreg [dreg:$0x1];
	p0 =	sne.s32 s2, $0x0  }
0xae: {  	s3 =	rddreg [dreg:$0x2];
	[bflag:$0x3] =	sbarrier.arrive $0xFFFF;
	s2 =	simm.s32 @!p0 $0x1C0B  }
0xaf: {  	[timem:s3], [sflag:s2] =	dma.local @!p0 [hbm:s0], s1  }
0xb0: {  	s0 =	simm.s32 @!p0 $0xB  }
0xb1: {  	_ =	swait.ge @!p0 [sflag:s0], s1  }
0xb2: {  	s1 =	ssub.s32 @!p0 $0x0, s1;
	[sflag:s0] =	ssyncset.done @!p0 $0x0  }
0xb3: {  	[sflag:s0] =	ssyncadd.s32 @!p0 s1  }
0xb4: {  	[bflag:$0x3] =	sbarrier.arrive $0xFFFF  }
0xb5: {  	_ =	shalt  }

// kernel: kernel.8.cloned.1.call-start
scs
__scs_entry_jumppad:
0x0: {  	(pc) =	sbr.rel $0x88, $3  }
0x1: {  	(tag) =	ssettag $0x0;
	lr =	simm.s32 $0x1  }
0x2: {  	[smem:$0x3F92] =	sst lr;
	_ =	strace $0xD0000000  }
0x3: {  	_ = 	snop  }
0x4: {  	_ = 	snop  }
0x5: {  	_ = 	snop  }
0x6: {  	_ = 	snop  }
0x7: {  	_ = 	snop  }
__scs_overlays_trampoline_lowered:
0x8: {  	[smem:$0x3FA1] =	sst s0  }
0x9: {  	[smem:$0x3FA2] =	sst s1  }
0xa: {  	[smem:$0x3FA3] =	sst s2  }
0xb: {  	[smem:$0x3FA4] =	sst s3  }
0xc: {  	[smem:$0x3FA5] =	sst s4  }
0xd: {  	[smem:$0x3FA6] =	sst s5  }
0xe: {  	[smem:$0x3FA7] =	sst s6  }
0xf: {  	[smem:$0x3FA8] =	sst s7  }
0x10: {  	[smem:$0x3FA9] =	sst s8  }
0x11: {  	[smem:$0x3FAA] =	sst s9;
	s0 =	simm.s32 @!p0 $0x0  }
0x12: {  	s1 =	sld [smem:$0x3F90];
	s0 =	simm.s32 @p0 $0x1  }
0x13: {  	[smem:$0x3FAB] =	sst s0;
	s0 =	simm.s32 @!p1 $0x0  }
0x14: {  	s2 =	sld [smem:$0x3F8F];
	s0 =	simm.s32 @p1 $0x1  }
0x15: {  	[smem:$0x3FAC] =	sst s0;
	s0 =	simm.s32 @!p2 $0x0  }
0x16: {  	s3 =	sld [smem:$0x3FDB];
	s0 =	simm.s32 @p2 $0x1  }
0x17: {  	s4 =	simm.s32 $0x1BF5;
	[smem:$0x3FAE] =	sst s0  }
0x18: {  	s0 =	sld [smem:$0x3F91];
	_ =	swait.ge [sflag:s4], $0x0  }
0x19: {  	s7 =	sld [smem:$0x3F92]  }
0x1a: {  	s8 =	sadd.s32 $0xFFFFE003, lr  }
0x1b: {  	s9 =	sadd.s32 $0xFFFFFEF7, lr;
	s5 =	simm.s32 $0xFFFFFFFF;
	p2 =	slt.u32 s8, $0xFFFFF086  }
0x1c: {  	p1 =	slt.u32 s9, $0xF7A;
	s5 =	simm.s32 @!p2 $0x0  }
0x1d: {  	s5 =	simm.s32 @p1 $0x1;
	p0 =	seq.s32 s7, s2  }
0x1e: {  	s7 =	smul.u32 @!p0 $0xF7A, s2;
	p2 =	seq.s32 @!p0 s5, $0x0  }
0x1f: {  	s9 =	smul.u32 $0xF7A, s1;
	s8 =	simm.s32 @!p0 $0x1BF5;
	p2 =	por !p2, p0  }
0x20: {  	[sflag:s8] =	ssyncset.s32 @!p0 $0xFFFFF086;
	s6 =	sadd.s32 @!p0 s3, s7;
	s7 =	simm.s32 @!p0 $0x108  }
0x21: {  	s3 =	sadd.s32 s3, s9;
	s6 =	sadd.s32 @!p0 $0x88, s6;
	s7 =	simm.s32 @p2 $0x1082  }
0x22: {  	[simem:s7], [sflag:s8] =	dma.local @!p0 [hbm:s6], $0xF7A  }
0x23: {  	s9 =	sor.u32 $0xD0000000, s2;
	s6 =	simm.s32 $0x108;
	_ =	swait.ge @!p0 [sflag:s8], $0x0  }
0x24: {  	s3 =	sadd.s32 $0x88, s3;
	s6 =	simm.s32 @!p1 $0x1082;
	[sflag:s4] =	ssyncset.s32 $0xFFFFF086  }
0x25: {  	[simem:s6], [sflag:s4] =	dma.local [hbm:s3], $0xF7A  }
0x26: {  	[smem:$0x3F92] =	sst s1;
	(tag) =	ssettag s2;
	_ =	strace s9  }
0x27: {  	s1 =	sld [smem:$0x3FA2]  }
0x28: {  	s2 =	sld [smem:$0x3FA3]  }
0x29: {  	s4 =	sld [smem:$0x3FA5]  }
0x2a: {  	p0 =	seq.s32 s5, $0x0;
	s5 =	sld [smem:$0x3FA6]  }
0x2b: {  	s6 =	sld [smem:$0x3FA7]  }
0x2c: {  	s7 =	sld [smem:$0x3FA8]  }
0x2d: {  	s3 =	simm.s32 $0x108;
	s8 =	sld [smem:$0x3FA9]  }
0x2e: {  	s3 =	simm.s32 @!p0 $0x1082;
	s9 =	sld [smem:$0x3FAA]  }
0x2f: {  	lr =	sadd.s32 s0, s3;
	s0 =	sld [smem:$0x3FA1]  }
0x30: {  	s3 =	sld [smem:$0x3FA4]  }
0x31: {  	[smem:$0x3FAD] =	sst s10  }
0x32: {  	s10 =	sld [smem:$0x3FAB];
	_ =	sdelay $0x3  }
0x33: {  	p0 =	seq.s32 s10, $0x1;
	s10 =	sld [smem:$0x3FAD];
	_ =	sdelay $0x3  }
0x34: {  	[smem:$0x3FAD] =	sst s10  }
0x35: {  	s10 =	sld [smem:$0x3FAC];
	_ =	sdelay $0x3  }
0x36: {  	p1 =	seq.s32 s10, $0x1;
	s10 =	sld [smem:$0x3FAD];
	_ =	sdelay $0x3  }
0x37: {  	[smem:$0x3FAD] =	sst s10  }
0x38: {  	s10 =	sld [smem:$0x3FAE]  }
0x39: {  	_ = 	snop;
	(pc) =	sbr.ind lr, $3  }
0x3a: {  	_ = 	snop  }
0x3b: {  	_ = 	snop  }
0x3c: {  	p2 =	seq.s32 s10, $0x1;
	s10 =	sld [smem:$0x3FAD]  }
0x3d: {  	_ =	shalt  }
0x3e: {  	_ =	shalt  }
0x3f: {  	_ =	shalt  }
0x40: {  	_ =	shalt  }
0x41: {  	_ =	shalt  }
0x42: {  	_ =	shalt  }
0x43: {  	_ =	shalt  }
0x44: {  	_ =	shalt  }
0x45: {  	_ =	shalt  }
0x46: {  	_ =	shalt  }
0x47: {  	_ =	shalt  }
0x48: {  	_ =	shalt  }
0x49: {  	_ =	shalt  }
0x4a: {  	_ =	shalt  }
0x4b: {  	_ =	shalt  }
0x4c: {  	_ =	shalt  }
0x4d: {  	_ =	shalt  }
0x4e: {  	_ =	shalt  }
0x4f: {  	_ =	shalt  }
0x50: {  	_ =	shalt  }
0x51: {  	_ =	shalt  }
0x52: {  	_ =	shalt  }
0x53: {  	_ =	shalt  }
0x54: {  	_ =	shalt  }
0x55: {  	_ =	shalt  }
0x56: {  	_ =	shalt  }
0x57: {  	_ =	shalt  }
0x58: {  	_ =	shalt  }
0x59: {  	_ =	shalt  }
0x5a: {  	_ =	shalt  }
0x5b: {  	_ =	shalt  }
0x5c: {  	_ =	shalt  }
0x5d: {  	_ =	shalt  }
0x5e: {  	_ =	shalt  }
0x5f: {  	_ =	shalt  }
0x60: {  	_ =	shalt  }
0x61: {  	_ =	shalt  }
0x62: {  	_ =	shalt  }
0x63: {  	_ =	shalt  }
0x64: {  	_ =	shalt  }
0x65: {  	_ =	shalt  }
0x66: {  	_ =	shalt  }
0x67: {  	_ =	shalt  }
0x68: {  	_ =	shalt  }
0x69: {  	_ =	shalt  }
0x6a: {  	_ =	shalt  }
0x6b: {  	_ =	shalt  }
0x6c: {  	_ =	shalt  }
0x6d: {  	_ =	shalt  }
0x6e: {  	_ =	shalt  }
0x6f: {  	_ =	shalt  }
0x70: {  	_ =	shalt  }
0x71: {  	_ =	shalt  }
0x72: {  	_ =	shalt  }
0x73: {  	_ =	shalt  }
0x74: {  	_ =	shalt  }
0x75: {  	_ =	shalt  }
0x76: {  	_ =	shalt  }
0x77: {  	_ =	shalt  }
0x78: {  	_ =	shalt  }
0x79: {  	_ =	shalt  }
0x7a: {  	_ =	shalt  }
0x7b: {  	_ =	shalt  }
0x7c: {  	_ =	shalt  }
0x7d: {  	_ =	shalt  }
0x7e: {  	_ =	shalt  }
0x7f: {  	_ =	shalt  }
0x80: {  	_ =	shalt  }
0x81: {  	_ =	shalt  }
0x82: {  	_ =	shalt  }
0x83: {  	_ =	shalt  }
0x84: {  	_ =	shalt  }
0x85: {  	_ =	shalt  }
0x86: {  	_ =	shalt  }
0x87: {  	_ =	shalt  }
.Lfunc_end0:
.L_simem_size_0:
called_computation_lowered:
.L_overlay_start_0:
0x88: {  	s2 =	sld [smem:$0x3FD9]  }
0x89: {  	s3 =	sld [smem:$0x3FFE];
	_ =	sdelay $0x1  }
0x8a: {  	s1 =	srdreg.scid  }
0x8b: {  	s0 =	sand.u32 $0x1, s1  }
0x8c: {  	s16 =	sshll.u32 s0, $0xA;
	s2 =	sadd.s32 s3, s2  }
0x8d: {  	s2 =	sadd.s32 s2, s16  }
0x8e: {  	[smem:$0x3FB9] =	sst s2  }
0x8f: {  	_ = 	snop  }
0x90: {  	(tm) =	ssettm $0x1  }
0x91: {  	s17 =	sld [smem:$0x3FFB];
	_ =	sdelay $0x3  }
0x92: {  	_ =	strace s17  }
0x93: {  	s2 =	sld [smem:$0x3FFC];
	_ =	sdelay $0x3  }
0x94: {  	_ =	strace s2  }
0x95: {  	s2 =	sld [smem:$0x3FFD];
	_ =	sdelay $0x3  }
0x96: {  	_ =	strace s2  }
0x97: {  	_ =	strace $0x8FFFFFFF  }
0x98: {  	s18 =	sld [smem:$0x3FDB];
	_ =	sdelay $0x1  }
0x99: {  	s19 =	simm.s32 $_scs_section_size  }
0x9a: {  	s4 =	simm.s32 $_size__tile_overlayer_lowered;
	s5 =	simm.s32 $_tile_overlayer_lowered  }
0x9b: {  	s22 =	simm.s32 $0x1BFF;
	s21 =	sshll.u32 s5, $0x1;
	s2 =	sadd.s32 s19, s18  }
0x9c: {  	s6 =	simm.s32 $0x0;
	s20 =	sshll.u32 s4, $0x1;
	s4 =	sadd.s32 s21, s2  }
0x9d: {  	[timem:s6], [sflag:s22] =	dma.local [hbm:s4], s20  }
0x9e: {  	_ =	swait.ge [sflag:s22], s20  }
0x9f: {  	s3 =	ssub.s32 $0x0, s20;
	[sflag:s22] =	ssyncset.done $0x0  }
0xa0: {  	[sflag:s22] =	ssyncadd.s32 s3;
	_ =	sdelay $0x1  }
0xa1: {  	s23 =	simm.s32 $0x1B8B  }
0xa2: {  	_ =	swait.ge [sflag:s23], $0x1  }
0xa3: {  	[sflag:s23] =	ssyncset.done $0x0  }
0xa4: {  	s25 =	simm.s32 $0x1B8E;
	s24 =	sld [smem:$0x3FFE];
	[sflag:s23] =	ssyncadd.s32 $0xFFFFFFFF  }
0xa5: {  	s26 =	simm.s32 $execute0_lowered;
	[smem:$0x3FD2] =	sst s25  }
0xa6: {  	s4 =	sshll.u32 s26, $0x1;
	_ =	strace $0x80000046;
	[dreg:$0x1] =	wrdreg $0xFFFFFFFF  }
0xa7: {  	s28 =	simm.s32 $_size_execute0_lowered;
	s2 =	sadd.s32 s2, s4;
	[dreg:$0x0] =	wrdreg $0x0  }
0xa8: {  	s4 =	sshll.u32 s28, $0x1;
	[dreg:$0x2] =	wrdreg s2  }
0xa9: {  	[dreg:$0x3] =	wrdreg s4  }
0xaa: {  	[dreg:$0x4] =	wrdreg $0xC0  }
0xab: {  	_ =	task [dreg:s6], $0x5FFFF  }
0xac: {  	[dreg:$0x1] =	wrdreg $0xFFFFFFFF  }
0xad: {  	[dreg:$0x0] =	wrdreg $0x60  }
0xae: {  	[dreg:$0x2] =	wrdreg s24  }
0xaf: {  	[dreg:$0x3] =	wrdreg $0x37A00  }
0xb0: {  	[dreg:$0x4] =	wrdreg $0x9  }
0xb1: {  	_ =	task.clear_ibuf [dreg:s6], $0x5FFFF;
	_ =	strace $0x90000046  }
0xb2: {  	s29 =	simm.s32 $0x9;
	_ =	strace $0x80000048  }
0xb3: {  	_ =	swait.ge [sflag:s29], $0x1  }
0xb4: {  	[sflag:s29] =	ssyncadd.s32 $0xFFFFFFFF  }
0xb5: {  	_ =	strace $0x90000048  }
0xb6: {  	_ =	sfence  }
0xb7: {  	s30 =	sld [smem:$0x0];
	_ =	sdelay $0x2  }
0xb8: {  	s31 =	sshll.u32 s1, $0xD;
	s1 =	sshrl.u32 s1, $0x2  }
0xb9: {  	s3 =	sand.u32 $0x4000, s31;
	s1 =	sadd.s32 s1, s30  }
0xba: {  	s0 =	sor.u32 s3, s0;
	s1 =	sshll.u32 s1, $0x11  }
0xbb: {  	s0 =	sor.u32 s1, s0  }
0xbc: {  	s0 =	sadd.s32 $0x8F2B, s0  }
0xbd: {  	[sflag:s0] =	ssyncadd.remote.s32 $0x1  }
0xbe: {  	_ =	sfence.sel $0xFFFF  }
0xbf: {  	[dreg:$0x0] =	wrdreg $0xFFFFFFFF;
	(pc) =	sbr.abs _section_cstart, $3  }
0xc0: {  	[dreg:$0x1] =	wrdreg $0xFFFFFFFF  }
0xc1: {  	_ =	task.clear_ibuf [dreg:s6], $0x2FFFF;
	_ =	strace $0x9FFFFFFF  }
0xc2: {  	(tm) =	ssettm $0x7FFFFFFF  }
0xc3: {  	_ =	shalt  }
tec
execute0_lowered:
.L_overlay_start_1:
0x0: {  	(tag) =	ssettag $0x1  }
0x1: {  	s0 =	srdreg.scid;
	s5 =	rddreg [dreg:$0x0]  }
0x2: {  	s2 =	rddreg [dreg:$0x1];
	s3 =	simm.s32 $0x0;
	s12 =	simm.s32 $0x2FD0  }
0x3: {  	s13 =	simm.s32 $0x1;
	s14 =	simm.s32 $0x2;
	s15 =	simm.s32 $0x7D  }
0x4: {  	s16 =	simm.s32 $0x2800;
	s17 =	simm.s32 $0x80;
	s4 =	sand.u32 $0x1, s0  }
0x5: {  	s18 =	simm.s32 $0x100;
	s0 =	stileid.u32;
	s1 =	sshll.u32 s4, $0x4  }
0x6: {  	s19 =	simm.s32 $0x180;
	s8 =	smul.u32 $0x9C40, s0;
	s6 =	sor.u32 s0, s1  }
0x7: {  	s21 =	simm.s32 $0x3;
	s22 =	simm.s32 $0x0;
	s7 =	smul.u32 $0x4E2, s6  }
0x8: {  	[smem:$0x7FF] =	sst s3;
	s4 =	ssub.s32 $0x2, s4;
	s6 =	smul.u32 $0x2800, s6  }
0x9: {  	s20 =	sshll.u32 s0, $0x6;
	s1 =	rddreg [dreg:$0x2];
	_ =	strace $0x80000047  }
0xa: {  	s30 =	sshrl.u32 s4, $0x1;
	s20 =	sor.u32 $0x1C03, s20;
	s6 =	sshrl.u32 s6, $0x3  }
0xb: {  	s31 =	sshrl.u32 s8, $0x2;
	s10 =	sadd.s32 s7, s5;
	s5 =	sadd.s32 s5, s6  }
0xc: {  	s11 =	ssub.s32 s4, s30;
	s4 =	sadd.s32 $0xCA00, s5;
	s5 =	sadd.s32 s31, s2  }
0xd: {  	s11 =	smax.u32 s11, $0x1;
	s10 =	sadd.s32 $0x16A00, s10;
	s6 =	sadd.s32 $0x7D0, s5  }
0xe: {  	v0 =	vimm.f32 $1.000000000e+00;
	v1 =	vimm.f32 $0.0e+00;
	s7 =	sadd.s32 $0xFA0, s5;
	s8 =	sadd.s32 $0x1770, s5;
	s9 =	sadd.s32 $0x1F40, s5  }
.LBB2_1:
0xf: {  	[tilespmem:s3], [sflag:$0x1] =	stream.linear.gather [hbm4b:s4+s3], $0x2800, $0x38;
	[tilespmem:$0x5EB0] =	vst v63  }
0x10: {  	s23 =	simm.s32 $0x0  }
.LBB2_2:
0x11: {  	p0 =	sne.s32 s23, $0x1F00  }
.Ltmp0:
0x12: {  	_ = 	snop;
	(pc) =	sbr.rel @p0 .LBB2_2-.Ltmp0, $3  }
0x13: {  	_ =	sdelay $0x1  }
0x14: {  	s24 =	sshra.s32 s23, $0x2  }
0x15: {  	s23 =	sadd.s32 $0x40, s23;
	[tilespmem:s24+$0x2800] =	vst v0  }
0x16: {  	s23 =	simm.s32 $0x40;
	s24 =	simm.s32 $0x0  }
.LBB2_4:
0x17: {  	p0 =	sne.s32 s23, $0x1F00;
	[tilespmem:s24+$0x2FD0] =	vst v1;
	s24 =	smov.u32 s23;
	s23 =	sadd.s32 $0x40, s23  }
.Ltmp1:
0x18: {  	(pc) =	sbr.rel @p0 .LBB2_4-.Ltmp1, $2  }
0x19: {  	_ =	sdelay $0x2  }
0x1a: {  	s24 =	sshra.s32 s24, $0x2  }
0x1b: {  	[tilespmem:s24+$0x2FD0] =	vst v1  }
0x1c: {  	[spmem:s5] =	stream.linear.scatter [tilespmem:s12], [sflag:$0x2], $0x7D0, $0x38;
	[tilespmem:$0x5EB0] =	vst v63  }
0x1d: {  	_ = 	snop  }
0x1e: {  	[spmem:s6] =	stream.linear.scatter [tilespmem:s12], [sflag:$0x2], $0x7D0, $0x38;
	[tilespmem:$0x5EB0] =	vst v63  }
0x1f: {  	_ = 	snop  }
0x20: {  	[spmem:s7] =	stream.linear.scatter [tilespmem:s12], [sflag:$0x2], $0x7D0, $0x38;
	[tilespmem:$0x5EB0] =	vst v63  }
0x21: {  	_ = 	snop  }
0x22: {  	[spmem:s8] =	stream.linear.scatter [tilespmem:s12], [sflag:$0x2], $0x7D0, $0x38;
	[tilespmem:$0x5EB0] =	vst v63  }
0x23: {  	_ = 	snop  }
0x24: {  	[spmem:s9] =	stream.linear.scatter [tilespmem:s12], [sflag:$0x2], $0x7D0, $0x38;
	[tilespmem:$0x5EB0] =	vst v63  }
0x25: {  	_ =	swait.ge [sflag:s13], $0x2800  }
0x26: {  	[sflag:s13] =	ssyncset.done $0x0  }
0x27: {  	[sflag:s13] =	ssyncadd.s32 $0xFFFFD800  }
0x28: {  	_ =	swait.ge [sflag:s14], $0x7D0  }
0x29: {  	[sflag:s14] =	ssyncset.done $0x0  }
0x2a: {  	[sflag:s14] =	ssyncadd.s32 $0xFFFFF830  }
0x2b: {  	_ =	swait.ge [sflag:s14], $0x7D0  }
0x2c: {  	[sflag:s14] =	ssyncset.done $0x0  }
0x2d: {  	[sflag:s14] =	ssyncadd.s32 $0xFFFFF830  }
0x2e: {  	_ =	swait.ge [sflag:s14], $0x7D0  }
0x2f: {  	[sflag:s14] =	ssyncset.done $0x0  }
0x30: {  	[sflag:s14] =	ssyncadd.s32 $0xFFFFF830  }
0x31: {  	_ =	swait.ge [sflag:s14], $0x7D0  }
0x32: {  	[sflag:s14] =	ssyncset.done $0x0  }
0x33: {  	[sflag:s14] =	ssyncadd.s32 $0xFFFFF830  }
0x34: {  	_ =	swait.ge [sflag:s14], $0x7D0  }
0x35: {  	[sflag:s14] =	ssyncset.done $0x0  }
0x36: {  	[sflag:s14] =	ssyncadd.s32 $0xFFFFF830  }
0x37: {  	[bflag:$0x0] =	sbarrier.arrive $0xFFFF  }
0x38: {  	[spmem:s2] =	stream.indirect.scatter.add.f32 [tilespmem:s16], [sflag:$0x1], $0x10, s3, s15, $0xb8;
	[tilespmem:$0x5EB0] =	vst v63  }
0x39: {  	_ = 	snop  }
0x3a: {  	[spmem:s2] =	stream.indirect.scatter.add.f32 [tilespmem:s16], [sflag:$0x1], $0x10, s17, s15, $0xb8;
	[tilespmem:$0x5EB0] =	vst v63  }
0x3b: {  	_ = 	snop  }
0x3c: {  	[spmem:s2] =	stream.indirect.scatter.add.f32 [tilespmem:s16], [sflag:$0x1], $0x10, s18, s15, $0xb8;
	[tilespmem:$0x5EB0] =	vst v63  }
0x3d: {  	_ = 	snop  }
0x3e: {  	[spmem:s2] =	stream.indirect.scatter.add.f32 [tilespmem:s16], [sflag:$0x1], $0x10, s19, s15, $0xb8;
	[tilespmem:$0x5EB0] =	vst v63  }
0x3f: {  	_ =	swait.ge [sflag:s13], $0x7D0  }
0x40: {  	[sflag:s13] =	ssyncset.done $0x0  }
0x41: {  	s23 =	simm.s32 $0xA00;
	s24 =	simm.s32 $0x200;
	[sflag:s13] =	ssyncadd.s32 $0xFFFFF830  }
.LBB2_6:
0x42: {  	[spmem:s2] =	stream.indirect.scatter.add.f32 [tilespmem:s16], [sflag:$0x1], $0x10, s24, s15, $0xb8;
	[tilespmem:$0x5EB0] =	vst v63  }
0x43: {  	s24 =	smov.u32 s23;
	p0 =	sne.s32 s23, $0x9E00  }
.Ltmp2:
0x44: {  	s23 =	sadd.s32 $0x200, s23;
	(pc) =	sbr.rel @p0 .LBB2_6-.Ltmp2, $4  }
0x45: {  	_ = 	snop  }
0x46: {  	_ =	swait.ge [sflag:s13], $0x7D0  }
0x47: {  	[sflag:s13] =	ssyncset.done $0x0  }
0x48: {  	s24 =	sshra.s32 s24, $0x2;
	[sflag:s13] =	ssyncadd.s32 $0xFFFFF830  }
0x49: {  	[spmem:s2] =	stream.indirect.scatter.add.f32 [tilespmem:s16], [sflag:$0x1], $0x10, s24, s15, $0xb8;
	[tilespmem:$0x5EB0] =	vst v63  }
0x4a: {  	_ =	swait.ge [sflag:s13], $0x7D0  }
0x4b: {  	[sflag:s13] =	ssyncset.done $0x0  }
0x4c: {  	[sflag:s13] =	ssyncadd.s32 $0xFFFFF830  }
0x4d: {  	_ =	swait.ge [sflag:s13], $0x7D0  }
0x4e: {  	[sflag:s13] =	ssyncset.done $0x0  }
0x4f: {  	[sflag:s13] =	ssyncadd.s32 $0xFFFFF830  }
0x50: {  	_ =	swait.ge [sflag:s13], $0x7D0  }
0x51: {  	[sflag:s13] =	ssyncset.done $0x0  }
0x52: {  	[sflag:s13] =	ssyncadd.s32 $0xFFFFF830  }
0x53: {  	_ =	swait.ge [sflag:s13], $0x7D0  }
0x54: {  	s22 =	sadd.s32 $0x1, s22;
	[sflag:s13] =	ssyncset.done $0x0  }
0x55: {  	p0 =	sne.s32 s22, s11;
	[sflag:s13] =	ssyncadd.s32 $0xFFFFF830  }
.Ltmp3:
0x56: {  	s23 =	sshrl.u32 s5, $0x3;
	[bflag:$0x0] =	sbarrier.arrive $0xFFFF;
	(pc) =	sbr.rel @p0 .LBB2_1-.Ltmp3, $4  }
0x57: {  	[hbm:s10], [sflag:s20] =	dma.local [spmem:s23], $0x4E2  }
0x58: {  	_ =	swait.ge [sflag:s21], $0x4E2  }
0x59: {  	[sflag:s21] =	ssyncset.done $0x0  }
0x5a: {  	[sflag:s21] =	ssyncadd.s32 $0xFFFFFB1E  }
0x5b: {  	_ =	sfence.sel $0x180000  }
0x5c: {  	[bflag:$0x0] =	sbarrier.arrive $0xFFFF  }
0x5d: {  	p0 =	sne.s32 s0, $0x0;
	_ =	strace $0x90000047  }
0x5e: {  	s0 =	sadd.s32 @!p0 $0x100000, s1;
	[bflag:$0x2] =	sbarrier.arrive $0xFFFF  }
0x5f: {  	[sflag:s0] =	ssyncadd.tile.s32 @!p0 $0x1;
	_ =	shalt  }
.Lfunc_end2:
_tile_overlayer_lowered:
.L_overlay_start_2:
0x60: {  	(tag) =	ssettag $0x2  }
0x61: {  	s0 =	rddreg [dreg:$0x0];
	s2 =	stileid.u32  }
0x62: {  	s1 =	rddreg [dreg:$0x1];
	p0 =	sne.s32 s2, $0x0  }
0x63: {  	s3 =	rddreg [dreg:$0x2];
	[bflag:$0x3] =	sbarrier.arrive $0xFFFF;
	s2 =	simm.s32 @!p0 $0x1C03  }
0x64: {  	[timem:s3], [sflag:s2] =	dma.local @!p0 [hbm:s0], s1  }
0x65: {  	s0 =	simm.s32 @!p0 $0x3  }
0x66: {  	_ =	swait.ge @!p0 [sflag:s0], s1  }
0x67: {  	s1 =	ssub.s32 @!p0 $0x0, s1;
	[sflag:s0] =	ssyncset.done @!p0 $0x0  }
0x68: {  	[sflag:s0] =	ssyncadd.s32 @!p0 s1  }
0x69: {  	[bflag:$0x3] =	sbarrier.arrive $0xFFFF  }
0x6a: {  	_ =	shalt  }

</sc_bundles>
